<compile_context>
chip_gen: v7x
topology: tpu7x:2x2x1
jax: 0.10.2.dev20260603
libtpu: 0.0.44.dev20260713+nightly
codegen_flags: <defaults>
</compile_context>

<pallas_src>
import functools

import jax
import jax.numpy as jnp
from jax import lax
from jax.experimental import pallas as pl
from jax.experimental.pallas import tpu as pltpu
from jax.experimental.pallas import tpu_sc as plsc

MAXD = 20
NBUCKET = 2 * MAXD + 1


@functools.lru_cache(maxsize=None)
def _build_sc_call(B, N, H):
    L = 16
    NC, NS = 2, 16
    NW = NC * NS
    ROWS = B * N
    assert ROWS % (2 * NW) == 0
    RPW = ROWS // NW
    assert N % RPW == 0
    WPB = N // RPW
    CH = N // L
    TPH = 2 * NBUCKET
    TFLAT = H * 2 * TPH
    assert TFLAT % L == 0

    mesh = plsc.VectorSubcoreMesh(core_axis_name="c", subcore_axis_name="s")

    @functools.partial(
        pl.kernel,
        mesh=mesh,
        out_type=jax.ShapeDtypeStruct((B, H, N, N), jnp.float32),
        compiler_params=pltpu.CompilerParams(needs_layout_passes=False),
        scratch_types=[
            pltpu.VMEM((N,), jnp.float32),
            pltpu.VMEM((N,), jnp.int32),
            pltpu.VMEM((RPW,), jnp.float32),
            pltpu.VMEM((RPW,), jnp.int32),
            pltpu.VMEM((NBUCKET * H,), jnp.float32),
            pltpu.VMEM((H * 4,), jnp.float32),
            pltpu.VMEM((TFLAT,), jnp.float32),
            pltpu.VMEM((H * N,), jnp.float32),
            pltpu.VMEM((H * N,), jnp.float32),
            pltpu.SemaphoreType.DMA,
            pltpu.SemaphoreType.DMA,
        ],
    )
    def sc_call(ci_hbm, cj_hbm, ti_hbm, tj_hbm, rel_hbm, tt_hbm, out_hbm,
                cj_v, tj_v, ci_v, ti_v, rel_v, tt_v, tab_v,
                rows0, rows1, sem0, sem1):
        c = lax.axis_index("c")
        s = lax.axis_index("s")
        wid = s * NC + c
        b = wid // WPB
        i_base = (wid % WPB) * RPW

        pltpu.sync_copy(cj_hbm.at[b], cj_v)
        pltpu.sync_copy(tj_hbm.at[b], tj_v)
        pltpu.sync_copy(ci_hbm.at[b, pl.ds(i_base, RPW)], ci_v)
        pltpu.sync_copy(ti_hbm.at[b, pl.ds(i_base, RPW)], ti_v)
        pltpu.sync_copy(rel_hbm, rel_v)
        pltpu.sync_copy(tt_hbm, tt_v)

        def build_body(g, carry):
            off = pl.multiple_of(g * L, L)
            f = off + lax.iota(jnp.int32, L)
            h = f // (2 * TPH)
            r = f - h * (2 * TPH)
            t = r // TPH
            q = r - t * TPH
            k = q >> 1
            m = q & 1
            a = plsc.load_gather(rel_v, [k * H + h])
            bb = plsc.load_gather(tt_v, [h * 4 + t * 2 + m])
            tab_v[pl.ds(off, L)] = a + bb
            return carry

        lax.fori_loop(0, TFLAT // L, build_body, 0)

        def compute_row(r, rows_ref):
            rsplat = jnp.full((L,), r, jnp.int32)
            ci_s = plsc.load_gather(ci_v, [rsplat])
            base0 = plsc.load_gather(ti_v, [rsplat]) * TPH

            @plsc.parallel_loop(0, CH, unroll=2)
            def _chunk(g):
                off = pl.multiple_of(g * L, L)
                d = ci_s - cj_v[pl.ds(off, L)]
                d = jnp.minimum(jnp.maximum(d, -20.0), 20.0)
                z = (d + 20.0) + 0.5
                idx16 = z.astype(jnp.int32)
                tie = (idx16.astype(jnp.float32) == z) & ((idx16 & 1) == 1)
                idx16 = idx16 - tie.astype(jnp.int32)
                cidx = idx16 * 2 + tj_v[pl.ds(off, L)] + base0
                vals = [plsc.load_gather(tab_v, [cidx + h * (2 * TPH)])
                        for h in range(H)]
                for h in range(H):
                    rows_ref[pl.ds(h * N + off, L)] = vals[h]

        def issue_row(r, rows_ref, sem):
            i = i_base + r
            for h in range(H):
                pltpu.async_copy(rows_ref.at[pl.ds(h * N, N)],
                                 out_hbm.at[b, h, i], sem)

        def drain_row(r, rows_ref, sem):
            i = i_base + r
            for h in range(H):
                pltpu.make_async_copy(rows_ref.at[pl.ds(h * N, N)],
                                      out_hbm.at[b, h, i], sem).wait()

        def pair_body(p, carry):
            @pl.when(p > 0)
            def _():
                drain_row(2 * p - 2, rows0, sem0)

            compute_row(2 * p, rows0)
            issue_row(2 * p, rows0, sem0)

            @pl.when(p > 0)
            def _():
                drain_row(2 * p - 1, rows1, sem1)

            compute_row(2 * p + 1, rows1)
            issue_row(2 * p + 1, rows1, sem1)
            return carry

        lax.fori_loop(0, RPW // 2, pair_body, 0)
        drain_row(RPW - 2, rows0, sem0)
        drain_row(RPW - 1, rows1, sem1)

    return sc_call


def kernel(centers_i, centers_j, types_i, types_j, rel, tt):
    B, N = centers_i.shape
    H = rel.shape[1]
    call = _build_sc_call(B, N, H)
    return call(
        centers_i.astype(jnp.float32),
        centers_j.astype(jnp.float32),
        types_i.astype(jnp.int32),
        types_j.astype(jnp.int32),
        rel.reshape(-1).astype(jnp.float32),
        tt.reshape(-1).astype(jnp.float32),
    )

# --- scband reference (transcript-rebuilt; emitter-appended) ---
"""Pipeline reference for scband-rel-pos-bias-30562987278771 (READ-ONLY COPY).

The authoritative reference and input builder live on the scoring server;
editing this copy changes nothing except your own understanding.
"""

import jax, jax.numpy as jnp
import numpy as np

MAX_DIST = 20
N_HEADS = 12

def setup_inputs(seed: int = 0) -> dict:
    key = jax.random.key(seed)
    k1, k2, k3, k4, k5 = jax.random.split(key, 5)
    B, N = 2, 2048
    centers_i = jax.random.normal(k1, (B, N), dtype=jnp.float32) * 10.0
    centers_j = jax.random.normal(k2, (B, N), dtype=jnp.float32) * 10.0
    types_i = jax.random.randint(k3, (B, N), 0, 2).astype(jnp.int64)
    types_j = jax.random.randint(k4, (B, N), 0, 2).astype(jnp.int64)
    # learned params: nn.Embedding(2*max_dist+1, n_heads) and tt [H,2,2]
    rel = jax.random.normal(k5, (2 * MAX_DIST + 1, N_HEADS), dtype=jnp.float32)
    tt = jnp.zeros((N_HEADS, 2, 2), dtype=jnp.float32)
    return {"centers_i": centers_i, "centers_j": centers_j, "types_i": types_i, "types_j": types_j, "rel": rel, "tt": tt}

def bucket_distance(dist, max_dist=MAX_DIST):
    dist = jnp.clip(dist, -max_dist, max_dist)
    return dist + max_dist

def reference(centers_i, centers_j, types_i, types_j, rel, tt):
    B, N = centers_i.shape
    ci = centers_i[:, :, None]
    cj = centers_j[:, None, :]
    dist = ci - cj  # [B,N,N]
    idx = bucket_distance(dist, MAX_DIST)
    idx = jnp.round(idx).astype(jnp.int32)
    rel_bias = jnp.take(rel, idx, axis=0)  # [B,N,N,H]
    rel_bias = jnp.transpose(rel_bias, (0, 3, 1, 2))  # [B,H,N,N]
    ti = jnp.broadcast_to(types_i[:, :, None], (B, N, N))
    tj = jnp.broadcast_to(types_j[:, None, :], (B, N, N))
    tb = tt[:, ti, tj]  # [H,B,N,N] (advanced indexing, NumPy semantics match torch)
    tb = jnp.transpose(tb, (1, 0, 2, 3))  # [B,H,N,N]
    return rel_bias + tb

if __name__ == "__main__":
    import jax
    _d = setup_inputs()
    print(jax.jit(kernel)(*tuple(_d.values())))

</pallas_src>

<mosaic_0001>
#map = affine_map<(d0, d1) -> (0, 0)>
#map1 = affine_map<(d0, d1) -> (0)>
#map2 = affine_map<(d0, d1) -> (0, 0, 0, 0)>
module attributes {stable_mosaic.version = 14 : i64} {
  func.func @sc_call(%arg0: i32, %arg1: i32, %arg2: memref<2x2048xf32, #tpu.memory_space<hbm>>, %arg3: memref<2x2048xf32, #tpu.memory_space<hbm>>, %arg4: memref<2x2048xi32, #tpu.memory_space<hbm>>, %arg5: memref<2x2048xi32, #tpu.memory_space<hbm>>, %arg6: memref<492xf32, #tpu.memory_space<hbm>>, %arg7: memref<48xf32, #tpu.memory_space<hbm>>, %arg8: memref<2x12x2048x2048xf32, #tpu.memory_space<hbm>>, %arg9: memref<2048xf32, #tpu.memory_space<vmem>>, %arg10: memref<2048xi32, #tpu.memory_space<vmem>>, %arg11: memref<128xf32, #tpu.memory_space<vmem>>, %arg12: memref<128xi32, #tpu.memory_space<vmem>>, %arg13: memref<492xf32, #tpu.memory_space<vmem>>, %arg14: memref<48xf32, #tpu.memory_space<vmem>>, %arg15: memref<1968xf32, #tpu.memory_space<vmem>>, %arg16: memref<24576xf32, #tpu.memory_space<vmem>>, %arg17: memref<24576xf32, #tpu.memory_space<vmem>>, %arg18: memref<!tpu.dma_semaphore, #tpu.memory_space<semaphore_mem>>, %arg19: memref<!tpu.dma_semaphore, #tpu.memory_space<semaphore_mem>>) attributes {dimension_semantics = [#tpu.dimension_semantics<core_parallel>, #tpu.dimension_semantics<subcore_parallel>], iteration_bounds = array<i64: 2, 16>, scalar_prefetch = 0 : i64, scratch_operands = 11 : i64, tpu.core_type = #tpu.core_type<sc_vector_subcore>, window_params = [{transform_indices = #map}, {transform_indices = #map}, {transform_indices = #map}, {transform_indices = #map}, {transform_indices = #map1}, {transform_indices = #map1}, {transform_indices = #map2}]} {
    %mul3A = arith.constant 2 : i32
    %mul3A_0 = arith.muli %arg1, %mul3A : i32
    %add3A = arith.addi %mul3A_0, %arg0 : i32
    %jit3A = arith.constant 16 : i32
    %div3A = arith.divsi %add3A, %jit3A : i32
    %sign3A = arith.constant 0 : i32
    %sign3A_1 = arith.cmpi sgt, %add3A, %sign3A : i32
    %sign3A_2 = arith.extui %sign3A_1 : i1 to i32
    %sign3A_3 = arith.constant 0 : i32
    %sign3A_4 = arith.cmpi slt, %add3A, %sign3A_3 : i32
    %sign3A_5 = arith.extui %sign3A_4 : i1 to i32
    %sign3A_6 = arith.subi %sign3A_2, %sign3A_5 : i32
    %sign3A_7 = arith.constant 0 : i32
    %sign3A_8 = arith.cmpi sgt, %jit3A, %sign3A_7 : i32
    %sign3A_9 = arith.extui %sign3A_8 : i1 to i32
    %sign3A_10 = arith.constant 0 : i32
    %sign3A_11 = arith.cmpi slt, %jit3A, %sign3A_10 : i32
    %sign3A_12 = arith.extui %sign3A_11 : i1 to i32
    %sign3A_13 = arith.subi %sign3A_9, %sign3A_12 : i32
    %ne3A = arith.cmpi ne, %sign3A_6, %sign3A_13 : i32
    %rem3A = arith.remsi %add3A, %jit3A : i32
    %ne3A_14 = arith.constant 0 : i32
    %ne3A_15 = arith.cmpi ne, %rem3A, %ne3A_14 : i32
    %and3A = arith.andi %ne3A, %ne3A_15 : i1
    %sub3A = arith.constant 1 : i32
    %sub3A_16 = arith.subi %div3A, %sub3A : i32
    %select_n3A = arith.select %and3A, %sub3A_16, %div3A : i32
    %jit3A_17 = arith.constant 16 : i32
    %eq3A = arith.constant 0 : i32
    %eq3A_18 = arith.cmpi eq, %jit3A_17, %eq3A : i32
    %jit3A_19 = arith.constant 1 : i32
    %select_n3A_20 = arith.select %eq3A_18, %jit3A_19, %jit3A_17 : i32
    %rem3A_21 = arith.remsi %add3A, %select_n3A_20 : i32
    %ne3A_22 = arith.constant 0 : i32
    %ne3A_23 = arith.cmpi ne, %rem3A_21, %ne3A_22 : i32
    %lt3A = arith.constant 0 : i32
    %lt3A_24 = arith.cmpi slt, %rem3A_21, %lt3A : i32
    %lt3A_25 = arith.constant 0 : i32
    %lt3A_26 = arith.cmpi slt, %select_n3A_20, %lt3A_25 : i32
    %ne3A_27 = arith.xori %lt3A_24, %lt3A_26 : i1
    %and3A_28 = arith.andi %ne3A_27, %ne3A_23 : i1
    %add3A_29 = arith.addi %rem3A_21, %select_n3A_20 : i32
    %select_n3A_30 = arith.select %and3A_28, %add3A_29, %rem3A_21 : i32
    %mul3A_31 = arith.constant 128 : i32
    %mul3A_32 = arith.muli %select_n3A_30, %mul3A_31 : i32
    "tpu.region"() ({
      %run_scoped3A = tpu.sem_alloc : memref<!tpu.dma_semaphore, #tpu.memory_space<semaphore_mem>>
      %dma_start3A = arith.constant 0 : i32
      %dma_start3A_311 = tpu.memref_slice %arg3[%select_n3A, %dma_start3A] : memref<2x2048xf32, #tpu.memory_space<hbm>> -> memref<1x2048xf32, #tpu.memory_space<hbm>>
      %dma_start3A_312 = tpu.memref_squeeze %dma_start3A_311 : memref<1x2048xf32, #tpu.memory_space<hbm>> -> memref<2048xf32, #tpu.memory_space<hbm>>
      %dma_start3A_313 = arith.constant 0 : i32
      %dma_start3A_314 = tpu.memref_slice %arg3[%select_n3A, %dma_start3A_313] : memref<2x2048xf32, #tpu.memory_space<hbm>> -> memref<1x2048xf32, #tpu.memory_space<hbm>>
      %dma_start3A_315 = tpu.memref_squeeze %dma_start3A_314 : memref<1x2048xf32, #tpu.memory_space<hbm>> -> memref<2048xf32, #tpu.memory_space<hbm>>
      tpu.enqueue_dma source(%dma_start3A_315 : memref<2048xf32, #tpu.memory_space<hbm>>) target(%arg9 : memref<2048xf32, #tpu.memory_space<vmem>>) target_semaphore(%run_scoped3A : memref<!tpu.dma_semaphore, #tpu.memory_space<semaphore_mem>>)
      %dma_wait3A_316 = arith.constant 0 : i32
      %dma_wait3A_317 = tpu.memref_slice %arg3[%select_n3A, %dma_wait3A_316] : memref<2x2048xf32, #tpu.memory_space<hbm>> -> memref<1x2048xf32, #tpu.memory_space<hbm>>
      %dma_wait3A_318 = tpu.memref_squeeze %dma_wait3A_317 : memref<1x2048xf32, #tpu.memory_space<hbm>> -> memref<2048xf32, #tpu.memory_space<hbm>>
      %dma_wait3A_319 = arith.constant 0 : i32
      %dma_wait3A_320 = tpu.memref_slice %arg3[%select_n3A, %dma_wait3A_319] : memref<2x2048xf32, #tpu.memory_space<hbm>> -> memref<1x2048xf32, #tpu.memory_space<hbm>>
      %dma_wait3A_321 = tpu.memref_squeeze %dma_wait3A_320 : memref<1x2048xf32, #tpu.memory_space<hbm>> -> memref<2048xf32, #tpu.memory_space<hbm>>
      tpu.wait_dma2 semaphore(%run_scoped3A : memref<!tpu.dma_semaphore, #tpu.memory_space<semaphore_mem>>) src(%dma_wait3A_321 : memref<2048xf32, #tpu.memory_space<hbm>>) dst(%arg9 : memref<2048xf32, #tpu.memory_space<vmem>>)
      tpu.yield
    }) : () -> ()
    "tpu.region"() ({
      %run_scoped3A = tpu.sem_alloc : memref<!tpu.dma_semaphore, #tpu.memory_space<semaphore_mem>>
      %dma_start3A = arith.constant 0 : i32
      %dma_start3A_311 = tpu.memref_slice %arg5[%select_n3A, %dma_start3A] : memref<2x2048xi32, #tpu.memory_space<hbm>> -> memref<1x2048xi32, #tpu.memory_space<hbm>>
      %dma_start3A_312 = tpu.memref_squeeze %dma_start3A_311 : memref<1x2048xi32, #tpu.memory_space<hbm>> -> memref<2048xi32, #tpu.memory_space<hbm>>
      %dma_start3A_313 = arith.constant 0 : i32
      %dma_start3A_314 = tpu.memref_slice %arg5[%select_n3A, %dma_start3A_313] : memref<2x2048xi32, #tpu.memory_space<hbm>> -> memref<1x2048xi32, #tpu.memory_space<hbm>>
      %dma_start3A_315 = tpu.memref_squeeze %dma_start3A_314 : memref<1x2048xi32, #tpu.memory_space<hbm>> -> memref<2048xi32, #tpu.memory_space<hbm>>
      tpu.enqueue_dma source(%dma_start3A_315 : memref<2048xi32, #tpu.memory_space<hbm>>) target(%arg10 : memref<2048xi32, #tpu.memory_space<vmem>>) target_semaphore(%run_scoped3A : memref<!tpu.dma_semaphore, #tpu.memory_space<semaphore_mem>>)
      %dma_wait3A_316 = arith.constant 0 : i32
      %dma_wait3A_317 = tpu.memref_slice %arg5[%select_n3A, %dma_wait3A_316] : memref<2x2048xi32, #tpu.memory_space<hbm>> -> memref<1x2048xi32, #tpu.memory_space<hbm>>
      %dma_wait3A_318 = tpu.memref_squeeze %dma_wait3A_317 : memref<1x2048xi32, #tpu.memory_space<hbm>> -> memref<2048xi32, #tpu.memory_space<hbm>>
      %dma_wait3A_319 = arith.constant 0 : i32
      %dma_wait3A_320 = tpu.memref_slice %arg5[%select_n3A, %dma_wait3A_319] : memref<2x2048xi32, #tpu.memory_space<hbm>> -> memref<1x2048xi32, #tpu.memory_space<hbm>>
      %dma_wait3A_321 = tpu.memref_squeeze %dma_wait3A_320 : memref<1x2048xi32, #tpu.memory_space<hbm>> -> memref<2048xi32, #tpu.memory_space<hbm>>
      tpu.wait_dma2 semaphore(%run_scoped3A : memref<!tpu.dma_semaphore, #tpu.memory_space<semaphore_mem>>) src(%dma_wait3A_321 : memref<2048xi32, #tpu.memory_space<hbm>>) dst(%arg10 : memref<2048xi32, #tpu.memory_space<vmem>>)
      tpu.yield
    }) : () -> ()
    "tpu.region"() ({
      %run_scoped3A = tpu.sem_alloc : memref<!tpu.dma_semaphore, #tpu.memory_space<semaphore_mem>>
      %dma_start3A = tpu.memref_slice %arg2[%select_n3A, %mul3A_32] : memref<2x2048xf32, #tpu.memory_space<hbm>> -> memref<1x128xf32, #tpu.memory_space<hbm>>
      %dma_start3A_311 = tpu.memref_squeeze %dma_start3A : memref<1x128xf32, #tpu.memory_space<hbm>> -> memref<128xf32, #tpu.memory_space<hbm>>
      %dma_start3A_312 = tpu.memref_slice %arg2[%select_n3A, %mul3A_32] : memref<2x2048xf32, #tpu.memory_space<hbm>> -> memref<1x128xf32, #tpu.memory_space<hbm>>
      %dma_start3A_313 = tpu.memref_squeeze %dma_start3A_312 : memref<1x128xf32, #tpu.memory_space<hbm>> -> memref<128xf32, #tpu.memory_space<hbm>>
      tpu.enqueue_dma source(%dma_start3A_313 : memref<128xf32, #tpu.memory_space<hbm>>) target(%arg11 : memref<128xf32, #tpu.memory_space<vmem>>) target_semaphore(%run_scoped3A : memref<!tpu.dma_semaphore, #tpu.memory_space<semaphore_mem>>)
      %dma_wait3A_314 = tpu.memref_slice %arg2[%select_n3A, %mul3A_32] : memref<2x2048xf32, #tpu.memory_space<hbm>> -> memref<1x128xf32, #tpu.memory_space<hbm>>
      %dma_wait3A_315 = tpu.memref_squeeze %dma_wait3A_314 : memref<1x128xf32, #tpu.memory_space<hbm>> -> memref<128xf32, #tpu.memory_space<hbm>>
      %dma_wait3A_316 = tpu.memref_slice %arg2[%select_n3A, %mul3A_32] : memref<2x2048xf32, #tpu.memory_space<hbm>> -> memref<1x128xf32, #tpu.memory_space<hbm>>
      %dma_wait3A_317 = tpu.memref_squeeze %dma_wait3A_316 : memref<1x128xf32, #tpu.memory_space<hbm>> -> memref<128xf32, #tpu.memory_space<hbm>>
      tpu.wait_dma2 semaphore(%run_scoped3A : memref<!tpu.dma_semaphore, #tpu.memory_space<semaphore_mem>>) src(%dma_wait3A_317 : memref<128xf32, #tpu.memory_space<hbm>>) dst(%arg11 : memref<128xf32, #tpu.memory_space<vmem>>)
      tpu.yield
    }) : () -> ()
    "tpu.region"() ({
      %run_scoped3A = tpu.sem_alloc : memref<!tpu.dma_semaphore, #tpu.memory_space<semaphore_mem>>
      %dma_start3A = tpu.memref_slice %arg4[%select_n3A, %mul3A_32] : memref<2x2048xi32, #tpu.memory_space<hbm>> -> memref<1x128xi32, #tpu.memory_space<hbm>>
      %dma_start3A_311 = tpu.memref_squeeze %dma_start3A : memref<1x128xi32, #tpu.memory_space<hbm>> -> memref<128xi32, #tpu.memory_space<hbm>>
      %dma_start3A_312 = tpu.memref_slice %arg4[%select_n3A, %mul3A_32] : memref<2x2048xi32, #tpu.memory_space<hbm>> -> memref<1x128xi32, #tpu.memory_space<hbm>>
      %dma_start3A_313 = tpu.memref_squeeze %dma_start3A_312 : memref<1x128xi32, #tpu.memory_space<hbm>> -> memref<128xi32, #tpu.memory_space<hbm>>
      tpu.enqueue_dma source(%dma_start3A_313 : memref<128xi32, #tpu.memory_space<hbm>>) target(%arg12 : memref<128xi32, #tpu.memory_space<vmem>>) target_semaphore(%run_scoped3A : memref<!tpu.dma_semaphore, #tpu.memory_space<semaphore_mem>>)
      %dma_wait3A_314 = tpu.memref_slice %arg4[%select_n3A, %mul3A_32] : memref<2x2048xi32, #tpu.memory_space<hbm>> -> memref<1x128xi32, #tpu.memory_space<hbm>>
      %dma_wait3A_315 = tpu.memref_squeeze %dma_wait3A_314 : memref<1x128xi32, #tpu.memory_space<hbm>> -> memref<128xi32, #tpu.memory_space<hbm>>
      %dma_wait3A_316 = tpu.memref_slice %arg4[%select_n3A, %mul3A_32] : memref<2x2048xi32, #tpu.memory_space<hbm>> -> memref<1x128xi32, #tpu.memory_space<hbm>>
      %dma_wait3A_317 = tpu.memref_squeeze %dma_wait3A_316 : memref<1x128xi32, #tpu.memory_space<hbm>> -> memref<128xi32, #tpu.memory_space<hbm>>
      tpu.wait_dma2 semaphore(%run_scoped3A : memref<!tpu.dma_semaphore, #tpu.memory_space<semaphore_mem>>) src(%dma_wait3A_317 : memref<128xi32, #tpu.memory_space<hbm>>) dst(%arg12 : memref<128xi32, #tpu.memory_space<vmem>>)
      tpu.yield
    }) : () -> ()
    "tpu.region"() ({
      %run_scoped3A = tpu.sem_alloc : memref<!tpu.dma_semaphore, #tpu.memory_space<semaphore_mem>>
      tpu.enqueue_dma source(%arg6 : memref<492xf32, #tpu.memory_space<hbm>>) target(%arg13 : memref<492xf32, #tpu.memory_space<vmem>>) target_semaphore(%run_scoped3A : memref<!tpu.dma_semaphore, #tpu.memory_space<semaphore_mem>>)
      tpu.wait_dma2 semaphore(%run_scoped3A : memref<!tpu.dma_semaphore, #tpu.memory_space<semaphore_mem>>) src(%arg6 : memref<492xf32, #tpu.memory_space<hbm>>) dst(%arg13 : memref<492xf32, #tpu.memory_space<vmem>>)
      tpu.yield
    }) : () -> ()
    "tpu.region"() ({
      %run_scoped3A = tpu.sem_alloc : memref<!tpu.dma_semaphore, #tpu.memory_space<semaphore_mem>>
      tpu.enqueue_dma source(%arg7 : memref<48xf32, #tpu.memory_space<hbm>>) target(%arg14 : memref<48xf32, #tpu.memory_space<vmem>>) target_semaphore(%run_scoped3A : memref<!tpu.dma_semaphore, #tpu.memory_space<semaphore_mem>>)
      tpu.wait_dma2 semaphore(%run_scoped3A : memref<!tpu.dma_semaphore, #tpu.memory_space<semaphore_mem>>) src(%arg7 : memref<48xf32, #tpu.memory_space<hbm>>) dst(%arg14 : memref<48xf32, #tpu.memory_space<vmem>>)
      tpu.yield
    }) : () -> ()
    %scan3A = arith.constant 0 : i32
    %scan3A_33 = arith.constant 0 : i32
    %scan3A_34 = arith.constant 123 : i32
    %scan3A_35 = arith.addi %scan3A_33, %scan3A_34 : i32
    %scan3A_36 = arith.constant 1 : i32
    scf.for %scan3A_311 = %scan3A_33 to %scan3A_35 step %scan3A_36  : i32 {
      %mul3A_312 = arith.constant 16 : i32
      %mul3A_313 = arith.muli %scan3A_311, %mul3A_312 : i32
      %multiple_of3A = tpu.assume_multiple %mul3A_313, 16 : i32
      %iota3A = tpu.iota {dimensions = array<i32: 0>} : vector<16xi32>
      %add3A_314 = vector.broadcast %multiple_of3A : i32 to vector<16xi32>
      %add3A_315 = arith.addi %add3A_314, %iota3A : vector<16xi32>
      %jit3A_316 = arith.constant 164 : i32
      %div3A_317 = vector.broadcast %jit3A_316 : i32 to vector<16xi32>
      %div3A_318 = arith.divsi %add3A_315, %div3A_317 : vector<16xi32>
      %sign3A_319 = arith.constant 0 : i32
      %sign3A_320 = vector.broadcast %sign3A_319 : i32 to vector<16xi32>
      %sign3A_321 = arith.cmpi sgt, %add3A_315, %sign3A_320 : vector<16xi32>
      %sign3A_322 = arith.extui %sign3A_321 : vector<16xi1> to vector<16xi32>
      %sign3A_323 = arith.constant 0 : i32
      %sign3A_324 = vector.broadcast %sign3A_323 : i32 to vector<16xi32>
      %sign3A_325 = arith.cmpi slt, %add3A_315, %sign3A_324 : vector<16xi32>
      %sign3A_326 = arith.extui %sign3A_325 : vector<16xi1> to vector<16xi32>
      %sign3A_327 = arith.subi %sign3A_322, %sign3A_326 : vector<16xi32>
      %sign3A_328 = arith.constant 0 : i32
      %sign3A_329 = arith.cmpi sgt, %jit3A_316, %sign3A_328 : i32
      %sign3A_330 = arith.extui %sign3A_329 : i1 to i32
      %sign3A_331 = arith.constant 0 : i32
      %sign3A_332 = arith.cmpi slt, %jit3A_316, %sign3A_331 : i32
      %sign3A_333 = arith.extui %sign3A_332 : i1 to i32
      %sign3A_334 = arith.subi %sign3A_330, %sign3A_333 : i32
      %ne3A_335 = vector.broadcast %sign3A_334 : i32 to vector<16xi32>
      %ne3A_336 = arith.cmpi ne, %sign3A_327, %ne3A_335 : vector<16xi32>
      %rem3A_337 = vector.broadcast %jit3A_316 : i32 to vector<16xi32>
      %rem3A_338 = arith.remsi %add3A_315, %rem3A_337 : vector<16xi32>
      %ne3A_339 = arith.constant 0 : i32
      %ne3A_340 = vector.broadcast %ne3A_339 : i32 to vector<16xi32>
      %ne3A_341 = arith.cmpi ne, %rem3A_338, %ne3A_340 : vector<16xi32>
      %and3A_342 = arith.andi %ne3A_336, %ne3A_341 : vector<16xi1>
      %sub3A_343 = arith.constant 1 : i32
      %sub3A_344 = vector.broadcast %sub3A_343 : i32 to vector<16xi32>
      %sub3A_345 = arith.subi %div3A_318, %sub3A_344 : vector<16xi32>
      %select_n3A_346 = arith.select %and3A_342, %sub3A_345, %div3A_318 : vector<16xi1>, vector<16xi32>
      %mul3A_347 = arith.constant 164 : i32
      %mul3A_348 = vector.broadcast %mul3A_347 : i32 to vector<16xi32>
      %mul3A_349 = arith.muli %select_n3A_346, %mul3A_348 : vector<16xi32>
      %sub3A_350 = arith.subi %add3A_315, %mul3A_349 : vector<16xi32>
      %jit3A_351 = arith.constant 82 : i32
      %div3A_352 = vector.broadcast %jit3A_351 : i32 to vector<16xi32>
      %div3A_353 = arith.divsi %sub3A_350, %div3A_352 : vector<16xi32>
      %sign3A_354 = arith.constant 0 : i32
      %sign3A_355 = vector.broadcast %sign3A_354 : i32 to vector<16xi32>
      %sign3A_356 = arith.cmpi sgt, %sub3A_350, %sign3A_355 : vector<16xi32>
      %sign3A_357 = arith.extui %sign3A_356 : vector<16xi1> to vector<16xi32>
      %sign3A_358 = arith.constant 0 : i32
      %sign3A_359 = vector.broadcast %sign3A_358 : i32 to vector<16xi32>
      %sign3A_360 = arith.cmpi slt, %sub3A_350, %sign3A_359 : vector<16xi32>
      %sign3A_361 = arith.extui %sign3A_360 : vector<16xi1> to vector<16xi32>
      %sign3A_362 = arith.subi %sign3A_357, %sign3A_361 : vector<16xi32>
      %sign3A_363 = arith.constant 0 : i32
      %sign3A_364 = arith.cmpi sgt, %jit3A_351, %sign3A_363 : i32
      %sign3A_365 = arith.extui %sign3A_364 : i1 to i32
      %sign3A_366 = arith.constant 0 : i32
      %sign3A_367 = arith.cmpi slt, %jit3A_351, %sign3A_366 : i32
      %sign3A_368 = arith.extui %sign3A_367 : i1 to i32
      %sign3A_369 = arith.subi %sign3A_365, %sign3A_368 : i32
      %ne3A_370 = vector.broadcast %sign3A_369 : i32 to vector<16xi32>
      %ne3A_371 = arith.cmpi ne, %sign3A_362, %ne3A_370 : vector<16xi32>
      %rem3A_372 = vector.broadcast %jit3A_351 : i32 to vector<16xi32>
      %rem3A_373 = arith.remsi %sub3A_350, %rem3A_372 : vector<16xi32>
      %ne3A_374 = arith.constant 0 : i32
      %ne3A_375 = vector.broadcast %ne3A_374 : i32 to vector<16xi32>
      %ne3A_376 = arith.cmpi ne, %rem3A_373, %ne3A_375 : vector<16xi32>
      %and3A_377 = arith.andi %ne3A_371, %ne3A_376 : vector<16xi1>
      %sub3A_378 = arith.constant 1 : i32
      %sub3A_379 = vector.broadcast %sub3A_378 : i32 to vector<16xi32>
      %sub3A_380 = arith.subi %div3A_353, %sub3A_379 : vector<16xi32>
      %select_n3A_381 = arith.select %and3A_377, %sub3A_380, %div3A_353 : vector<16xi1>, vector<16xi32>
      %mul3A_382 = arith.constant 82 : i32
      %mul3A_383 = vector.broadcast %mul3A_382 : i32 to vector<16xi32>
      %mul3A_384 = arith.muli %select_n3A_381, %mul3A_383 : vector<16xi32>
      %sub3A_385 = arith.subi %sub3A_350, %mul3A_384 : vector<16xi32>
      %shift_right_arithmetic3A = arith.constant 1 : i32
      %shift_right_arithmetic3A_386 = vector.broadcast %shift_right_arithmetic3A : i32 to vector<16xi32>
      %shift_right_arithmetic3A_387 = arith.shrsi %sub3A_385, %shift_right_arithmetic3A_386 : vector<16xi32>
      %and3A_388 = arith.constant 1 : i32
      %and3A_389 = vector.broadcast %and3A_388 : i32 to vector<16xi32>
      %and3A_390 = arith.andi %sub3A_385, %and3A_389 : vector<16xi32>
      %mul3A_391 = arith.constant 12 : i32
      %mul3A_392 = vector.broadcast %mul3A_391 : i32 to vector<16xi32>
      %mul3A_393 = arith.muli %shift_right_arithmetic3A_387, %mul3A_392 : vector<16xi32>
      %add3A_394 = arith.addi %mul3A_393, %select_n3A_346 : vector<16xi32>
      %gather3A = tpu.vector_load_idx %arg13[%add3A_394] : memref<492xf32, #tpu.memory_space<vmem>>[vector<16xi32>], vector<16xf32>,
      %mul3A_395 = arith.constant 4 : i32
      %mul3A_396 = vector.broadcast %mul3A_395 : i32 to vector<16xi32>
      %mul3A_397 = arith.muli %select_n3A_346, %mul3A_396 : vector<16xi32>
      %mul3A_398 = arith.constant 2 : i32
      %mul3A_399 = vector.broadcast %mul3A_398 : i32 to vector<16xi32>
      %mul3A_400 = arith.muli %select_n3A_381, %mul3A_399 : vector<16xi32>
      %add3A_401 = arith.addi %mul3A_397, %mul3A_400 : vector<16xi32>
      %add3A_402 = arith.addi %add3A_401, %and3A_390 : vector<16xi32>
      %gather3A_403 = tpu.vector_load_idx %arg14[%add3A_402] : memref<48xf32, #tpu.memory_space<vmem>>[vector<16xi32>], vector<16xf32>,
      %add3A_404 = arith.addf %gather3A, %gather3A_403 : vector<16xf32>
      %swap3A = arith.index_cast %multiple_of3A : i32 to index
      %swap3A_405 = tpu.vector_load %arg15[%swap3A] {strides = array<i32>} : memref<1968xf32, #tpu.memory_space<vmem>>, vector<16xf32>,
      tpu.vector_store %arg15[%swap3A], %add3A_404 {strides = array<i32>} : memref<1968xf32, #tpu.memory_space<vmem>>, vector<16xf32>,
    }
    %scan3A_37 = arith.constant 123 : i32
    %scan3A_38 = arith.constant 0 : i32
    %scan3A_39 = arith.constant 0 : i32
    %scan3A_40 = arith.constant 64 : i32
    %scan3A_41 = arith.addi %scan3A_39, %scan3A_40 : i32
    %scan3A_42 = arith.constant 1 : i32
    scf.for %scan3A_311 = %scan3A_39 to %scan3A_41 step %scan3A_42  : i32 {
      %gt3A = arith.constant 0 : i32
      %gt3A_312 = arith.cmpi sgt, %scan3A_311, %gt3A : i32
      %convert_element_type3A = arith.extui %gt3A_312 : i1 to i32
      %cond3A = arith.constant 0 : i32
      %cond3A_313 = arith.cmpi ne, %convert_element_type3A, %cond3A : i32
      scf.if %cond3A_313 {
        %mul3A_611 = arith.constant 2 : i32
        %mul3A_612 = arith.muli %mul3A_611, %scan3A_311 : i32
        %sub3A_613 = arith.constant 2 : i32
        %sub3A_614 = arith.subi %mul3A_612, %sub3A_613 : i32
        %add3A_615 = arith.addi %mul3A_32, %sub3A_614 : i32
        %dma_wait3A_616 = arith.constant 0 : i32
        %dma_wait3A_617 = arith.constant 0 : i32
        %dma_wait3A_618 = tpu.memref_slice %arg16[%dma_wait3A_617] : memref<24576xf32, #tpu.memory_space<vmem>> -> memref<2048xf32, #tpu.memory_space<vmem>>
        %dma_wait3A_619 = arith.constant 0 : i32
        %dma_wait3A_620 = tpu.memref_slice %arg8[%select_n3A, %dma_wait3A_616, %add3A_615, %dma_wait3A_619] : memref<2x12x2048x2048xf32, #tpu.memory_space<hbm>> -> memref<1x1x1x2048xf32, #tpu.memory_space<hbm>>
        %dma_wait3A_621 = tpu.memref_squeeze %dma_wait3A_620 : memref<1x1x1x2048xf32, #tpu.memory_space<hbm>> -> memref<2048xf32, #tpu.memory_space<hbm>>
        %dma_wait3A_622 = arith.constant 0 : i32
        %dma_wait3A_623 = tpu.memref_slice %arg8[%select_n3A, %dma_wait3A_616, %add3A_615, %dma_wait3A_622] : memref<2x12x2048x2048xf32, #tpu.memory_space<hbm>> -> memref<1x1x1x2048xf32, #tpu.memory_space<hbm>>
        %dma_wait3A_624 = tpu.memref_squeeze %dma_wait3A_623 : memref<1x1x1x2048xf32, #tpu.memory_space<hbm>> -> memref<2048xf32, #tpu.memory_space<hbm>>
        %dma_wait3A_625 = arith.constant 0 : i32
        %dma_wait3A_626 = tpu.memref_slice %arg16[%dma_wait3A_625] : memref<24576xf32, #tpu.memory_space<vmem>> -> memref<2048xf32, #tpu.memory_space<vmem>>
        tpu.wait_dma2 semaphore(%arg18 : memref<!tpu.dma_semaphore, #tpu.memory_space<semaphore_mem>>) src(%dma_wait3A_626 : memref<2048xf32, #tpu.memory_space<vmem>>) dst(%dma_wait3A_624 : memref<2048xf32, #tpu.memory_space<hbm>>)
        %dma_wait3A_627 = arith.constant 1 : i32
        %dma_wait3A_628 = arith.constant 2048 : i32
        %dma_wait3A_629 = tpu.memref_slice %arg16[%dma_wait3A_628] : memref<24576xf32, #tpu.memory_space<vmem>> -> memref<2048xf32, #tpu.memory_space<vmem>>
        %dma_wait3A_630 = arith.constant 0 : i32
        %dma_wait3A_631 = tpu.memref_slice %arg8[%select_n3A, %dma_wait3A_627, %add3A_615, %dma_wait3A_630] : memref<2x12x2048x2048xf32, #tpu.memory_space<hbm>> -> memref<1x1x1x2048xf32, #tpu.memory_space<hbm>>
        %dma_wait3A_632 = tpu.memref_squeeze %dma_wait3A_631 : memref<1x1x1x2048xf32, #tpu.memory_space<hbm>> -> memref<2048xf32, #tpu.memory_space<hbm>>
        %dma_wait3A_633 = arith.constant 0 : i32
        %dma_wait3A_634 = tpu.memref_slice %arg8[%select_n3A, %dma_wait3A_627, %add3A_615, %dma_wait3A_633] : memref<2x12x2048x2048xf32, #tpu.memory_space<hbm>> -> memref<1x1x1x2048xf32, #tpu.memory_space<hbm>>
        %dma_wait3A_635 = tpu.memref_squeeze %dma_wait3A_634 : memref<1x1x1x2048xf32, #tpu.memory_space<hbm>> -> memref<2048xf32, #tpu.memory_space<hbm>>
        %dma_wait3A_636 = arith.constant 2048 : i32
        %dma_wait3A_637 = tpu.memref_slice %arg16[%dma_wait3A_636] : memref<24576xf32, #tpu.memory_space<vmem>> -> memref<2048xf32, #tpu.memory_space<vmem>>
        tpu.wait_dma2 semaphore(%arg18 : memref<!tpu.dma_semaphore, #tpu.memory_space<semaphore_mem>>) src(%dma_wait3A_637 : memref<2048xf32, #tpu.memory_space<vmem>>) dst(%dma_wait3A_635 : memref<2048xf32, #tpu.memory_space<hbm>>)
        %dma_wait3A_638 = arith.constant 2 : i32
        %dma_wait3A_639 = arith.constant 4096 : i32
        %dma_wait3A_640 = tpu.memref_slice %arg16[%dma_wait3A_639] : memref<24576xf32, #tpu.memory_space<vmem>> -> memref<2048xf32, #tpu.memory_space<vmem>>
        %dma_wait3A_641 = arith.constant 0 : i32
        %dma_wait3A_642 = tpu.memref_slice %arg8[%select_n3A, %dma_wait3A_638, %add3A_615, %dma_wait3A_641] : memref<2x12x2048x2048xf32, #tpu.memory_space<hbm>> -> memref<1x1x1x2048xf32, #tpu.memory_space<hbm>>
        %dma_wait3A_643 = tpu.memref_squeeze %dma_wait3A_642 : memref<1x1x1x2048xf32, #tpu.memory_space<hbm>> -> memref<2048xf32, #tpu.memory_space<hbm>>
        %dma_wait3A_644 = arith.constant 0 : i32
        %dma_wait3A_645 = tpu.memref_slice %arg8[%select_n3A, %dma_wait3A_638, %add3A_615, %dma_wait3A_644] : memref<2x12x2048x2048xf32, #tpu.memory_space<hbm>> -> memref<1x1x1x2048xf32, #tpu.memory_space<hbm>>
        %dma_wait3A_646 = tpu.memref_squeeze %dma_wait3A_645 : memref<1x1x1x2048xf32, #tpu.memory_space<hbm>> -> memref<2048xf32, #tpu.memory_space<hbm>>
        %dma_wait3A_647 = arith.constant 4096 : i32
        %dma_wait3A_648 = tpu.memref_slice %arg16[%dma_wait3A_647] : memref<24576xf32, #tpu.memory_space<vmem>> -> memref<2048xf32, #tpu.memory_space<vmem>>
        tpu.wait_dma2 semaphore(%arg18 : memref<!tpu.dma_semaphore, #tpu.memory_space<semaphore_mem>>) src(%dma_wait3A_648 : memref<2048xf32, #tpu.memory_space<vmem>>) dst(%dma_wait3A_646 : memref<2048xf32, #tpu.memory_space<hbm>>)
        %dma_wait3A_649 = arith.constant 3 : i32
        %dma_wait3A_650 = arith.constant 6144 : i32
        %dma_wait3A_651 = tpu.memref_slice %arg16[%dma_wait3A_650] : memref<24576xf32, #tpu.memory_space<vmem>> -> memref<2048xf32, #tpu.memory_space<vmem>>
        %dma_wait3A_652 = arith.constant 0 : i32
        %dma_wait3A_653 = tpu.memref_slice %arg8[%select_n3A, %dma_wait3A_649, %add3A_615, %dma_wait3A_652] : memref<2x12x2048x2048xf32, #tpu.memory_space<hbm>> -> memref<1x1x1x2048xf32, #tpu.memory_space<hbm>>
        %dma_wait3A_654 = tpu.memref_squeeze %dma_wait3A_653 : memref<1x1x1x2048xf32, #tpu.memory_space<hbm>> -> memref<2048xf32, #tpu.memory_space<hbm>>
        %dma_wait3A_655 = arith.constant 0 : i32
        %dma_wait3A_656 = tpu.memref_slice %arg8[%select_n3A, %dma_wait3A_649, %add3A_615, %dma_wait3A_655] : memref<2x12x2048x2048xf32, #tpu.memory_space<hbm>> -> memref<1x1x1x2048xf32, #tpu.memory_space<hbm>>
        %dma_wait3A_657 = tpu.memref_squeeze %dma_wait3A_656 : memref<1x1x1x2048xf32, #tpu.memory_space<hbm>> -> memref<2048xf32, #tpu.memory_space<hbm>>
        %dma_wait3A_658 = arith.constant 6144 : i32
        %dma_wait3A_659 = tpu.memref_slice %arg16[%dma_wait3A_658] : memref<24576xf32, #tpu.memory_space<vmem>> -> memref<2048xf32, #tpu.memory_space<vmem>>
        tpu.wait_dma2 semaphore(%arg18 : memref<!tpu.dma_semaphore, #tpu.memory_space<semaphore_mem>>) src(%dma_wait3A_659 : memref<2048xf32, #tpu.memory_space<vmem>>) dst(%dma_wait3A_657 : memref<2048xf32, #tpu.memory_space<hbm>>)
        %dma_wait3A_660 = arith.constant 4 : i32
        %dma_wait3A_661 = arith.constant 8192 : i32
        %dma_wait3A_662 = tpu.memref_slice %arg16[%dma_wait3A_661] : memref<24576xf32, #tpu.memory_space<vmem>> -> memref<2048xf32, #tpu.memory_space<vmem>>
        %dma_wait3A_663 = arith.constant 0 : i32
        %dma_wait3A_664 = tpu.memref_slice %arg8[%select_n3A, %dma_wait3A_660, %add3A_615, %dma_wait3A_663] : memref<2x12x2048x2048xf32, #tpu.memory_space<hbm>> -> memref<1x1x1x2048xf32, #tpu.memory_space<hbm>>
        %dma_wait3A_665 = tpu.memref_squeeze %dma_wait3A_664 : memref<1x1x1x2048xf32, #tpu.memory_space<hbm>> -> memref<2048xf32, #tpu.memory_space<hbm>>
        %dma_wait3A_666 = arith.constant 0 : i32
        %dma_wait3A_667 = tpu.memref_slice %arg8[%select_n3A, %dma_wait3A_660, %add3A_615, %dma_wait3A_666] : memref<2x12x2048x2048xf32, #tpu.memory_space<hbm>> -> memref<1x1x1x2048xf32, #tpu.memory_space<hbm>>
        %dma_wait3A_668 = tpu.memref_squeeze %dma_wait3A_667 : memref<1x1x1x2048xf32, #tpu.memory_space<hbm>> -> memref<2048xf32, #tpu.memory_space<hbm>>
        %dma_wait3A_669 = arith.constant 8192 : i32
        %dma_wait3A_670 = tpu.memref_slice %arg16[%dma_wait3A_669] : memref<24576xf32, #tpu.memory_space<vmem>> -> memref<2048xf32, #tpu.memory_space<vmem>>
        tpu.wait_dma2 semaphore(%arg18 : memref<!tpu.dma_semaphore, #tpu.memory_space<semaphore_mem>>) src(%dma_wait3A_670 : memref<2048xf32, #tpu.memory_space<vmem>>) dst(%dma_wait3A_668 : memref<2048xf32, #tpu.memory_space<hbm>>)
        %dma_wait3A_671 = arith.constant 5 : i32
        %dma_wait3A_672 = arith.constant 10240 : i32
        %dma_wait3A_673 = tpu.memref_slice %arg16[%dma_wait3A_672] : memref<24576xf32, #tpu.memory_space<vmem>> -> memref<2048xf32, #tpu.memory_space<vmem>>
        %dma_wait3A_674 = arith.constant 0 : i32
        %dma_wait3A_675 = tpu.memref_slice %arg8[%select_n3A, %dma_wait3A_671, %add3A_615, %dma_wait3A_674] : memref<2x12x2048x2048xf32, #tpu.memory_space<hbm>> -> memref<1x1x1x2048xf32, #tpu.memory_space<hbm>>
        %dma_wait3A_676 = tpu.memref_squeeze %dma_wait3A_675 : memref<1x1x1x2048xf32, #tpu.memory_space<hbm>> -> memref<2048xf32, #tpu.memory_space<hbm>>
        %dma_wait3A_677 = arith.constant 0 : i32
        %dma_wait3A_678 = tpu.memref_slice %arg8[%select_n3A, %dma_wait3A_671, %add3A_615, %dma_wait3A_677] : memref<2x12x2048x2048xf32, #tpu.memory_space<hbm>> -> memref<1x1x1x2048xf32, #tpu.memory_space<hbm>>
        %dma_wait3A_679 = tpu.memref_squeeze %dma_wait3A_678 : memref<1x1x1x2048xf32, #tpu.memory_space<hbm>> -> memref<2048xf32, #tpu.memory_space<hbm>>
        %dma_wait3A_680 = arith.constant 10240 : i32
        %dma_wait3A_681 = tpu.memref_slice %arg16[%dma_wait3A_680] : memref<24576xf32, #tpu.memory_space<vmem>> -> memref<2048xf32, #tpu.memory_space<vmem>>
        tpu.wait_dma2 semaphore(%arg18 : memref<!tpu.dma_semaphore, #tpu.memory_space<semaphore_mem>>) src(%dma_wait3A_681 : memref<2048xf32, #tpu.memory_space<vmem>>) dst(%dma_wait3A_679 : memref<2048xf32, #tpu.memory_space<hbm>>)
        %dma_wait3A_682 = arith.constant 6 : i32
        %dma_wait3A_683 = arith.constant 12288 : i32
        %dma_wait3A_684 = tpu.memref_slice %arg16[%dma_wait3A_683] : memref<24576xf32, #tpu.memory_space<vmem>> -> memref<2048xf32, #tpu.memory_space<vmem>>
        %dma_wait3A_685 = arith.constant 0 : i32
        %dma_wait3A_686 = tpu.memref_slice %arg8[%select_n3A, %dma_wait3A_682, %add3A_615, %dma_wait3A_685] : memref<2x12x2048x2048xf32, #tpu.memory_space<hbm>> -> memref<1x1x1x2048xf32, #tpu.memory_space<hbm>>
        %dma_wait3A_687 = tpu.memref_squeeze %dma_wait3A_686 : memref<1x1x1x2048xf32, #tpu.memory_space<hbm>> -> memref<2048xf32, #tpu.memory_space<hbm>>
        %dma_wait3A_688 = arith.constant 0 : i32
        %dma_wait3A_689 = tpu.memref_slice %arg8[%select_n3A, %dma_wait3A_682, %add3A_615, %dma_wait3A_688] : memref<2x12x2048x2048xf32, #tpu.memory_space<hbm>> -> memref<1x1x1x2048xf32, #tpu.memory_space<hbm>>
        %dma_wait3A_690 = tpu.memref_squeeze %dma_wait3A_689 : memref<1x1x1x2048xf32, #tpu.memory_space<hbm>> -> memref<2048xf32, #tpu.memory_space<hbm>>
        %dma_wait3A_691 = arith.constant 12288 : i32
        %dma_wait3A_692 = tpu.memref_slice %arg16[%dma_wait3A_691] : memref<24576xf32, #tpu.memory_space<vmem>> -> memref<2048xf32, #tpu.memory_space<vmem>>
        tpu.wait_dma2 semaphore(%arg18 : memref<!tpu.dma_semaphore, #tpu.memory_space<semaphore_mem>>) src(%dma_wait3A_692 : memref<2048xf32, #tpu.memory_space<vmem>>) dst(%dma_wait3A_690 : memref<2048xf32, #tpu.memory_space<hbm>>)
        %dma_wait3A_693 = arith.constant 7 : i32
        %dma_wait3A_694 = arith.constant 14336 : i32
        %dma_wait3A_695 = tpu.memref_slice %arg16[%dma_wait3A_694] : memref<24576xf32, #tpu.memory_space<vmem>> -> memref<2048xf32, #tpu.memory_space<vmem>>
        %dma_wait3A_696 = arith.constant 0 : i32
        %dma_wait3A_697 = tpu.memref_slice %arg8[%select_n3A, %dma_wait3A_693, %add3A_615, %dma_wait3A_696] : memref<2x12x2048x2048xf32, #tpu.memory_space<hbm>> -> memref<1x1x1x2048xf32, #tpu.memory_space<hbm>>
        %dma_wait3A_698 = tpu.memref_squeeze %dma_wait3A_697 : memref<1x1x1x2048xf32, #tpu.memory_space<hbm>> -> memref<2048xf32, #tpu.memory_space<hbm>>
        %dma_wait3A_699 = arith.constant 0 : i32
        %dma_wait3A_700 = tpu.memref_slice %arg8[%select_n3A, %dma_wait3A_693, %add3A_615, %dma_wait3A_699] : memref<2x12x2048x2048xf32, #tpu.memory_space<hbm>> -> memref<1x1x1x2048xf32, #tpu.memory_space<hbm>>
        %dma_wait3A_701 = tpu.memref_squeeze %dma_wait3A_700 : memref<1x1x1x2048xf32, #tpu.memory_space<hbm>> -> memref<2048xf32, #tpu.memory_space<hbm>>
        %dma_wait3A_702 = arith.constant 14336 : i32
        %dma_wait3A_703 = tpu.memref_slice %arg16[%dma_wait3A_702] : memref<24576xf32, #tpu.memory_space<vmem>> -> memref<2048xf32, #tpu.memory_space<vmem>>
        tpu.wait_dma2 semaphore(%arg18 : memref<!tpu.dma_semaphore, #tpu.memory_space<semaphore_mem>>) src(%dma_wait3A_703 : memref<2048xf32, #tpu.memory_space<vmem>>) dst(%dma_wait3A_701 : memref<2048xf32, #tpu.memory_space<hbm>>)
        %dma_wait3A_704 = arith.constant 8 : i32
        %dma_wait3A_705 = arith.constant 16384 : i32
        %dma_wait3A_706 = tpu.memref_slice %arg16[%dma_wait3A_705] : memref<24576xf32, #tpu.memory_space<vmem>> -> memref<2048xf32, #tpu.memory_space<vmem>>
        %dma_wait3A_707 = arith.constant 0 : i32
        %dma_wait3A_708 = tpu.memref_slice %arg8[%select_n3A, %dma_wait3A_704, %add3A_615, %dma_wait3A_707] : memref<2x12x2048x2048xf32, #tpu.memory_space<hbm>> -> memref<1x1x1x2048xf32, #tpu.memory_space<hbm>>
        %dma_wait3A_709 = tpu.memref_squeeze %dma_wait3A_708 : memref<1x1x1x2048xf32, #tpu.memory_space<hbm>> -> memref<2048xf32, #tpu.memory_space<hbm>>
        %dma_wait3A_710 = arith.constant 0 : i32
        %dma_wait3A_711 = tpu.memref_slice %arg8[%select_n3A, %dma_wait3A_704, %add3A_615, %dma_wait3A_710] : memref<2x12x2048x2048xf32, #tpu.memory_space<hbm>> -> memref<1x1x1x2048xf32, #tpu.memory_space<hbm>>
        %dma_wait3A_712 = tpu.memref_squeeze %dma_wait3A_711 : memref<1x1x1x2048xf32, #tpu.memory_space<hbm>> -> memref<2048xf32, #tpu.memory_space<hbm>>
        %dma_wait3A_713 = arith.constant 16384 : i32
        %dma_wait3A_714 = tpu.memref_slice %arg16[%dma_wait3A_713] : memref<24576xf32, #tpu.memory_space<vmem>> -> memref<2048xf32, #tpu.memory_space<vmem>>
        tpu.wait_dma2 semaphore(%arg18 : memref<!tpu.dma_semaphore, #tpu.memory_space<semaphore_mem>>) src(%dma_wait3A_714 : memref<2048xf32, #tpu.memory_space<vmem>>) dst(%dma_wait3A_712 : memref<2048xf32, #tpu.memory_space<hbm>>)
        %dma_wait3A_715 = arith.constant 9 : i32
        %dma_wait3A_716 = arith.constant 18432 : i32
        %dma_wait3A_717 = tpu.memref_slice %arg16[%dma_wait3A_716] : memref<24576xf32, #tpu.memory_space<vmem>> -> memref<2048xf32, #tpu.memory_space<vmem>>
        %dma_wait3A_718 = arith.constant 0 : i32
        %dma_wait3A_719 = tpu.memref_slice %arg8[%select_n3A, %dma_wait3A_715, %add3A_615, %dma_wait3A_718] : memref<2x12x2048x2048xf32, #tpu.memory_space<hbm>> -> memref<1x1x1x2048xf32, #tpu.memory_space<hbm>>
        %dma_wait3A_720 = tpu.memref_squeeze %dma_wait3A_719 : memref<1x1x1x2048xf32, #tpu.memory_space<hbm>> -> memref<2048xf32, #tpu.memory_space<hbm>>
        %dma_wait3A_721 = arith.constant 0 : i32
        %dma_wait3A_722 = tpu.memref_slice %arg8[%select_n3A, %dma_wait3A_715, %add3A_615, %dma_wait3A_721] : memref<2x12x2048x2048xf32, #tpu.memory_space<hbm>> -> memref<1x1x1x2048xf32, #tpu.memory_space<hbm>>
        %dma_wait3A_723 = tpu.memref_squeeze %dma_wait3A_722 : memref<1x1x1x2048xf32, #tpu.memory_space<hbm>> -> memref<2048xf32, #tpu.memory_space<hbm>>
        %dma_wait3A_724 = arith.constant 18432 : i32
        %dma_wait3A_725 = tpu.memref_slice %arg16[%dma_wait3A_724] : memref<24576xf32, #tpu.memory_space<vmem>> -> memref<2048xf32, #tpu.memory_space<vmem>>
        tpu.wait_dma2 semaphore(%arg18 : memref<!tpu.dma_semaphore, #tpu.memory_space<semaphore_mem>>) src(%dma_wait3A_725 : memref<2048xf32, #tpu.memory_space<vmem>>) dst(%dma_wait3A_723 : memref<2048xf32, #tpu.memory_space<hbm>>)
        %dma_wait3A_726 = arith.constant 10 : i32
        %dma_wait3A_727 = arith.constant 20480 : i32
        %dma_wait3A_728 = tpu.memref_slice %arg16[%dma_wait3A_727] : memref<24576xf32, #tpu.memory_space<vmem>> -> memref<2048xf32, #tpu.memory_space<vmem>>
        %dma_wait3A_729 = arith.constant 0 : i32
        %dma_wait3A_730 = tpu.memref_slice %arg8[%select_n3A, %dma_wait3A_726, %add3A_615, %dma_wait3A_729] : memref<2x12x2048x2048xf32, #tpu.memory_space<hbm>> -> memref<1x1x1x2048xf32, #tpu.memory_space<hbm>>
        %dma_wait3A_731 = tpu.memref_squeeze %dma_wait3A_730 : memref<1x1x1x2048xf32, #tpu.memory_space<hbm>> -> memref<2048xf32, #tpu.memory_space<hbm>>
        %dma_wait3A_732 = arith.constant 0 : i32
        %dma_wait3A_733 = tpu.memref_slice %arg8[%select_n3A, %dma_wait3A_726, %add3A_615, %dma_wait3A_732] : memref<2x12x2048x2048xf32, #tpu.memory_space<hbm>> -> memref<1x1x1x2048xf32, #tpu.memory_space<hbm>>
        %dma_wait3A_734 = tpu.memref_squeeze %dma_wait3A_733 : memref<1x1x1x2048xf32, #tpu.memory_space<hbm>> -> memref<2048xf32, #tpu.memory_space<hbm>>
        %dma_wait3A_735 = arith.constant 20480 : i32
        %dma_wait3A_736 = tpu.memref_slice %arg16[%dma_wait3A_735] : memref<24576xf32, #tpu.memory_space<vmem>> -> memref<2048xf32, #tpu.memory_space<vmem>>
        tpu.wait_dma2 semaphore(%arg18 : memref<!tpu.dma_semaphore, #tpu.memory_space<semaphore_mem>>) src(%dma_wait3A_736 : memref<2048xf32, #tpu.memory_space<vmem>>) dst(%dma_wait3A_734 : memref<2048xf32, #tpu.memory_space<hbm>>)
        %dma_wait3A_737 = arith.constant 11 : i32
        %dma_wait3A_738 = arith.constant 22528 : i32
        %dma_wait3A_739 = tpu.memref_slice %arg16[%dma_wait3A_738] : memref<24576xf32, #tpu.memory_space<vmem>> -> memref<2048xf32, #tpu.memory_space<vmem>>
        %dma_wait3A_740 = arith.constant 0 : i32
        %dma_wait3A_741 = tpu.memref_slice %arg8[%select_n3A, %dma_wait3A_737, %add3A_615, %dma_wait3A_740] : memref<2x12x2048x2048xf32, #tpu.memory_space<hbm>> -> memref<1x1x1x2048xf32, #tpu.memory_space<hbm>>
        %dma_wait3A_742 = tpu.memref_squeeze %dma_wait3A_741 : memref<1x1x1x2048xf32, #tpu.memory_space<hbm>> -> memref<2048xf32, #tpu.memory_space<hbm>>
        %dma_wait3A_743 = arith.constant 0 : i32
        %dma_wait3A_744 = tpu.memref_slice %arg8[%select_n3A, %dma_wait3A_737, %add3A_615, %dma_wait3A_743] : memref<2x12x2048x2048xf32, #tpu.memory_space<hbm>> -> memref<1x1x1x2048xf32, #tpu.memory_space<hbm>>
        %dma_wait3A_745 = tpu.memref_squeeze %dma_wait3A_744 : memref<1x1x1x2048xf32, #tpu.memory_space<hbm>> -> memref<2048xf32, #tpu.memory_space<hbm>>
        %dma_wait3A_746 = arith.constant 22528 : i32
        %dma_wait3A_747 = tpu.memref_slice %arg16[%dma_wait3A_746] : memref<24576xf32, #tpu.memory_space<vmem>> -> memref<2048xf32, #tpu.memory_space<vmem>>
        tpu.wait_dma2 semaphore(%arg18 : memref<!tpu.dma_semaphore, #tpu.memory_space<semaphore_mem>>) src(%dma_wait3A_747 : memref<2048xf32, #tpu.memory_space<vmem>>) dst(%dma_wait3A_745 : memref<2048xf32, #tpu.memory_space<hbm>>)
      } else {
      }
      %mul3A_314 = arith.constant 2 : i32
      %mul3A_315 = arith.muli %mul3A_314, %scan3A_311 : i32
      %broadcast_in_dim3A = vector.broadcast %mul3A_315 : i32 to vector<16xi32>
      %gather3A = tpu.vector_load_idx %arg11[%broadcast_in_dim3A] : memref<128xf32, #tpu.memory_space<vmem>>[vector<16xi32>], vector<16xf32>,
      %gather3A_316 = tpu.vector_load_idx %arg12[%broadcast_in_dim3A] : memref<128xi32, #tpu.memory_space<vmem>>[vector<16xi32>], vector<16xi32>,
      %mul3A_317 = arith.constant 82 : i32
      %mul3A_318 = vector.broadcast %mul3A_317 : i32 to vector<16xi32>
      %mul3A_319 = arith.muli %gather3A_316, %mul3A_318 : vector<16xi32>
      %parallel_loop3A = arith.constant 0 : i32
      %parallel_loop3A_320 = arith.constant 128 : i32
      %parallel_loop3A_321 = arith.constant 1 : i32
      scf.for %parallel_loop3A_611 = %parallel_loop3A to %parallel_loop3A_320 step %parallel_loop3A_321  : i32 {
        %parallel_loop3A_612 = arith.constant 16 : i32
        %parallel_loop3A_613 = arith.muli %parallel_loop3A_611, %parallel_loop3A_612 : i32
        %parallel_loop3A_614 = tpu.assume_multiple %parallel_loop3A_613, 16 : i32
        %parallel_loop3A_615 = arith.index_cast %parallel_loop3A_614 : i32 to index
        %parallel_loop3A_616 = tpu.vector_load %arg9[%parallel_loop3A_615] {strides = array<i32>} : memref<2048xf32, #tpu.memory_space<vmem>>, vector<16xf32>,
        %parallel_loop3A_617 = arith.subf %gather3A, %parallel_loop3A_616 : vector<16xf32>
        %parallel_loop3A_618 = arith.constant -2.000000e+01 : f32
        %parallel_loop3A_619 = vector.broadcast %parallel_loop3A_618 : f32 to vector<16xf32>
        %parallel_loop3A_620 = arith.maximumf %parallel_loop3A_617, %parallel_loop3A_619 : vector<16xf32>
        %parallel_loop3A_621 = arith.constant 2.000000e+01 : f32
        %parallel_loop3A_622 = vector.broadcast %parallel_loop3A_621 : f32 to vector<16xf32>
        %parallel_loop3A_623 = arith.minimumf %parallel_loop3A_620, %parallel_loop3A_622 : vector<16xf32>
        %parallel_loop3A_624 = arith.constant 2.000000e+01 : f32
        %parallel_loop3A_625 = vector.broadcast %parallel_loop3A_624 : f32 to vector<16xf32>
        %parallel_loop3A_626 = arith.addf %parallel_loop3A_623, %parallel_loop3A_625 : vector<16xf32>
        %parallel_loop3A_627 = arith.constant 5.000000e-01 : f32
        %parallel_loop3A_628 = vector.broadcast %parallel_loop3A_627 : f32 to vector<16xf32>
        %parallel_loop3A_629 = arith.addf %parallel_loop3A_626, %parallel_loop3A_628 : vector<16xf32>
        %parallel_loop3A_630 = arith.fptosi %parallel_loop3A_629 : vector<16xf32> to vector<16xi32>
        %parallel_loop3A_631 = arith.sitofp %parallel_loop3A_630 : vector<16xi32> to vector<16xf32>
        %parallel_loop3A_632 = arith.cmpf oeq, %parallel_loop3A_631, %parallel_loop3A_629 : vector<16xf32>
        %parallel_loop3A_633 = arith.constant 1 : i32
        %parallel_loop3A_634 = vector.broadcast %parallel_loop3A_633 : i32 to vector<16xi32>
        %parallel_loop3A_635 = arith.andi %parallel_loop3A_630, %parallel_loop3A_634 : vector<16xi32>
        %parallel_loop3A_636 = arith.constant 1 : i32
        %parallel_loop3A_637 = vector.broadcast %parallel_loop3A_636 : i32 to vector<16xi32>
        %parallel_loop3A_638 = arith.cmpi eq, %parallel_loop3A_635, %parallel_loop3A_637 : vector<16xi32>
        %parallel_loop3A_639 = arith.andi %parallel_loop3A_632, %parallel_loop3A_638 : vector<16xi1>
        %parallel_loop3A_640 = arith.extui %parallel_loop3A_639 : vector<16xi1> to vector<16xi32>
        %parallel_loop3A_641 = arith.subi %parallel_loop3A_630, %parallel_loop3A_640 : vector<16xi32>
        %parallel_loop3A_642 = arith.constant 2 : i32
        %parallel_loop3A_643 = vector.broadcast %parallel_loop3A_642 : i32 to vector<16xi32>
        %parallel_loop3A_644 = arith.muli %parallel_loop3A_641, %parallel_loop3A_643 : vector<16xi32>
        %parallel_loop3A_645 = arith.index_cast %parallel_loop3A_614 : i32 to index
        %parallel_loop3A_646 = tpu.vector_load %arg10[%parallel_loop3A_645] {strides = array<i32>} : memref<2048xi32, #tpu.memory_space<vmem>>, vector<16xi32>,
        %parallel_loop3A_647 = arith.addi %parallel_loop3A_644, %parallel_loop3A_646 : vector<16xi32>
        %parallel_loop3A_648 = arith.addi %parallel_loop3A_647, %mul3A_319 : vector<16xi32>
        %parallel_loop3A_649 = arith.constant 0 : i32
        %parallel_loop3A_650 = vector.broadcast %parallel_loop3A_649 : i32 to vector<16xi32>
        %parallel_loop3A_651 = arith.addi %parallel_loop3A_648, %parallel_loop3A_650 : vector<16xi32>
        %parallel_loop3A_652 = tpu.vector_load_idx %arg15[%parallel_loop3A_651] : memref<1968xf32, #tpu.memory_space<vmem>>[vector<16xi32>], vector<16xf32>,
        %parallel_loop3A_653 = arith.constant 164 : i32
        %parallel_loop3A_654 = vector.broadcast %parallel_loop3A_653 : i32 to vector<16xi32>
        %parallel_loop3A_655 = arith.addi %parallel_loop3A_648, %parallel_loop3A_654 : vector<16xi32>
        %parallel_loop3A_656 = tpu.vector_load_idx %arg15[%parallel_loop3A_655] : memref<1968xf32, #tpu.memory_space<vmem>>[vector<16xi32>], vector<16xf32>,
        %parallel_loop3A_657 = arith.constant 328 : i32
        %parallel_loop3A_658 = vector.broadcast %parallel_loop3A_657 : i32 to vector<16xi32>
        %parallel_loop3A_659 = arith.addi %parallel_loop3A_648, %parallel_loop3A_658 : vector<16xi32>
        %parallel_loop3A_660 = tpu.vector_load_idx %arg15[%parallel_loop3A_659] : memref<1968xf32, #tpu.memory_space<vmem>>[vector<16xi32>], vector<16xf32>,
        %parallel_loop3A_661 = arith.constant 492 : i32
        %parallel_loop3A_662 = vector.broadcast %parallel_loop3A_661 : i32 to vector<16xi32>
        %parallel_loop3A_663 = arith.addi %parallel_loop3A_648, %parallel_loop3A_662 : vector<16xi32>
        %parallel_loop3A_664 = tpu.vector_load_idx %arg15[%parallel_loop3A_663] : memref<1968xf32, #tpu.memory_space<vmem>>[vector<16xi32>], vector<16xf32>,
        %parallel_loop3A_665 = arith.constant 656 : i32
        %parallel_loop3A_666 = vector.broadcast %parallel_loop3A_665 : i32 to vector<16xi32>
        %parallel_loop3A_667 = arith.addi %parallel_loop3A_648, %parallel_loop3A_666 : vector<16xi32>
        %parallel_loop3A_668 = tpu.vector_load_idx %arg15[%parallel_loop3A_667] : memref<1968xf32, #tpu.memory_space<vmem>>[vector<16xi32>], vector<16xf32>,
        %parallel_loop3A_669 = arith.constant 820 : i32
        %parallel_loop3A_670 = vector.broadcast %parallel_loop3A_669 : i32 to vector<16xi32>
        %parallel_loop3A_671 = arith.addi %parallel_loop3A_648, %parallel_loop3A_670 : vector<16xi32>
        %parallel_loop3A_672 = tpu.vector_load_idx %arg15[%parallel_loop3A_671] : memref<1968xf32, #tpu.memory_space<vmem>>[vector<16xi32>], vector<16xf32>,
        %parallel_loop3A_673 = arith.constant 984 : i32
        %parallel_loop3A_674 = vector.broadcast %parallel_loop3A_673 : i32 to vector<16xi32>
        %parallel_loop3A_675 = arith.addi %parallel_loop3A_648, %parallel_loop3A_674 : vector<16xi32>
        %parallel_loop3A_676 = tpu.vector_load_idx %arg15[%parallel_loop3A_675] : memref<1968xf32, #tpu.memory_space<vmem>>[vector<16xi32>], vector<16xf32>,
        %parallel_loop3A_677 = arith.constant 1148 : i32
        %parallel_loop3A_678 = vector.broadcast %parallel_loop3A_677 : i32 to vector<16xi32>
        %parallel_loop3A_679 = arith.addi %parallel_loop3A_648, %parallel_loop3A_678 : vector<16xi32>
        %parallel_loop3A_680 = tpu.vector_load_idx %arg15[%parallel_loop3A_679] : memref<1968xf32, #tpu.memory_space<vmem>>[vector<16xi32>], vector<16xf32>,
        %parallel_loop3A_681 = arith.constant 1312 : i32
        %parallel_loop3A_682 = vector.broadcast %parallel_loop3A_681 : i32 to vector<16xi32>
        %parallel_loop3A_683 = arith.addi %parallel_loop3A_648, %parallel_loop3A_682 : vector<16xi32>
        %parallel_loop3A_684 = tpu.vector_load_idx %arg15[%parallel_loop3A_683] : memref<1968xf32, #tpu.memory_space<vmem>>[vector<16xi32>], vector<16xf32>,
        %parallel_loop3A_685 = arith.constant 1476 : i32
        %parallel_loop3A_686 = vector.broadcast %parallel_loop3A_685 : i32 to vector<16xi32>
        %parallel_loop3A_687 = arith.addi %parallel_loop3A_648, %parallel_loop3A_686 : vector<16xi32>
        %parallel_loop3A_688 = tpu.vector_load_idx %arg15[%parallel_loop3A_687] : memref<1968xf32, #tpu.memory_space<vmem>>[vector<16xi32>], vector<16xf32>,
        %parallel_loop3A_689 = arith.constant 1640 : i32
        %parallel_loop3A_690 = vector.broadcast %parallel_loop3A_689 : i32 to vector<16xi32>
        %parallel_loop3A_691 = arith.addi %parallel_loop3A_648, %parallel_loop3A_690 : vector<16xi32>
        %parallel_loop3A_692 = tpu.vector_load_idx %arg15[%parallel_loop3A_691] : memref<1968xf32, #tpu.memory_space<vmem>>[vector<16xi32>], vector<16xf32>,
        %parallel_loop3A_693 = arith.constant 1804 : i32
        %parallel_loop3A_694 = vector.broadcast %parallel_loop3A_693 : i32 to vector<16xi32>
        %parallel_loop3A_695 = arith.addi %parallel_loop3A_648, %parallel_loop3A_694 : vector<16xi32>
        %parallel_loop3A_696 = tpu.vector_load_idx %arg15[%parallel_loop3A_695] : memref<1968xf32, #tpu.memory_space<vmem>>[vector<16xi32>], vector<16xf32>,
        %parallel_loop3A_697 = arith.constant 0 : i32
        %parallel_loop3A_698 = arith.addi %parallel_loop3A_697, %parallel_loop3A_614 : i32
        %parallel_loop3A_699 = arith.index_cast %parallel_loop3A_698 : i32 to index
        %parallel_loop3A_700 = tpu.vector_load %arg16[%parallel_loop3A_699] {strides = array<i32>} : memref<24576xf32, #tpu.memory_space<vmem>>, vector<16xf32>,
        tpu.vector_store %arg16[%parallel_loop3A_699], %parallel_loop3A_652 {strides = array<i32>} : memref<24576xf32, #tpu.memory_space<vmem>>, vector<16xf32>,
        %parallel_loop3A_701 = arith.constant 2048 : i32
        %parallel_loop3A_702 = arith.addi %parallel_loop3A_701, %parallel_loop3A_614 : i32
        %parallel_loop3A_703 = arith.index_cast %parallel_loop3A_702 : i32 to index
        %parallel_loop3A_704 = tpu.vector_load %arg16[%parallel_loop3A_703] {strides = array<i32>} : memref<24576xf32, #tpu.memory_space<vmem>>, vector<16xf32>,
        tpu.vector_store %arg16[%parallel_loop3A_703], %parallel_loop3A_656 {strides = array<i32>} : memref<24576xf32, #tpu.memory_space<vmem>>, vector<16xf32>,
        %parallel_loop3A_705 = arith.constant 4096 : i32
        %parallel_loop3A_706 = arith.addi %parallel_loop3A_705, %parallel_loop3A_614 : i32
        %parallel_loop3A_707 = arith.index_cast %parallel_loop3A_706 : i32 to index
        %parallel_loop3A_708 = tpu.vector_load %arg16[%parallel_loop3A_707] {strides = array<i32>} : memref<24576xf32, #tpu.memory_space<vmem>>, vector<16xf32>,
        tpu.vector_store %arg16[%parallel_loop3A_707], %parallel_loop3A_660 {strides = array<i32>} : memref<24576xf32, #tpu.memory_space<vmem>>, vector<16xf32>,
        %parallel_loop3A_709 = arith.constant 6144 : i32
        %parallel_loop3A_710 = arith.addi %parallel_loop3A_709, %parallel_loop3A_614 : i32
        %parallel_loop3A_711 = arith.index_cast %parallel_loop3A_710 : i32 to index
        %parallel_loop3A_712 = tpu.vector_load %arg16[%parallel_loop3A_711] {strides = array<i32>} : memref<24576xf32, #tpu.memory_space<vmem>>, vector<16xf32>,
        tpu.vector_store %arg16[%parallel_loop3A_711], %parallel_loop3A_664 {strides = array<i32>} : memref<24576xf32, #tpu.memory_space<vmem>>, vector<16xf32>,
        %parallel_loop3A_713 = arith.constant 8192 : i32
        %parallel_loop3A_714 = arith.addi %parallel_loop3A_713, %parallel_loop3A_614 : i32
        %parallel_loop3A_715 = arith.index_cast %parallel_loop3A_714 : i32 to index
        %parallel_loop3A_716 = tpu.vector_load %arg16[%parallel_loop3A_715] {strides = array<i32>} : memref<24576xf32, #tpu.memory_space<vmem>>, vector<16xf32>,
        tpu.vector_store %arg16[%parallel_loop3A_715], %parallel_loop3A_668 {strides = array<i32>} : memref<24576xf32, #tpu.memory_space<vmem>>, vector<16xf32>,
        %parallel_loop3A_717 = arith.constant 10240 : i32
        %parallel_loop3A_718 = arith.addi %parallel_loop3A_717, %parallel_loop3A_614 : i32
        %parallel_loop3A_719 = arith.index_cast %parallel_loop3A_718 : i32 to index
        %parallel_loop3A_720 = tpu.vector_load %arg16[%parallel_loop3A_719] {strides = array<i32>} : memref<24576xf32, #tpu.memory_space<vmem>>, vector<16xf32>,
        tpu.vector_store %arg16[%parallel_loop3A_719], %parallel_loop3A_672 {strides = array<i32>} : memref<24576xf32, #tpu.memory_space<vmem>>, vector<16xf32>,
        %parallel_loop3A_721 = arith.constant 12288 : i32
        %parallel_loop3A_722 = arith.addi %parallel_loop3A_721, %parallel_loop3A_614 : i32
        %parallel_loop3A_723 = arith.index_cast %parallel_loop3A_722 : i32 to index
        %parallel_loop3A_724 = tpu.vector_load %arg16[%parallel_loop3A_723] {strides = array<i32>} : memref<24576xf32, #tpu.memory_space<vmem>>, vector<16xf32>,
        tpu.vector_store %arg16[%parallel_loop3A_723], %parallel_loop3A_676 {strides = array<i32>} : memref<24576xf32, #tpu.memory_space<vmem>>, vector<16xf32>,
        %parallel_loop3A_725 = arith.constant 14336 : i32
        %parallel_loop3A_726 = arith.addi %parallel_loop3A_725, %parallel_loop3A_614 : i32
        %parallel_loop3A_727 = arith.index_cast %parallel_loop3A_726 : i32 to index
        %parallel_loop3A_728 = tpu.vector_load %arg16[%parallel_loop3A_727] {strides = array<i32>} : memref<24576xf32, #tpu.memory_space<vmem>>, vector<16xf32>,
        tpu.vector_store %arg16[%parallel_loop3A_727], %parallel_loop3A_680 {strides = array<i32>} : memref<24576xf32, #tpu.memory_space<vmem>>, vector<16xf32>,
        %parallel_loop3A_729 = arith.constant 16384 : i32
        %parallel_loop3A_730 = arith.addi %parallel_loop3A_729, %parallel_loop3A_614 : i32
        %parallel_loop3A_731 = arith.index_cast %parallel_loop3A_730 : i32 to index
        %parallel_loop3A_732 = tpu.vector_load %arg16[%parallel_loop3A_731] {strides = array<i32>} : memref<24576xf32, #tpu.memory_space<vmem>>, vector<16xf32>,
        tpu.vector_store %arg16[%parallel_loop3A_731], %parallel_loop3A_684 {strides = array<i32>} : memref<24576xf32, #tpu.memory_space<vmem>>, vector<16xf32>,
        %parallel_loop3A_733 = arith.constant 18432 : i32
        %parallel_loop3A_734 = arith.addi %parallel_loop3A_733, %parallel_loop3A_614 : i32
        %parallel_loop3A_735 = arith.index_cast %parallel_loop3A_734 : i32 to index
        %parallel_loop3A_736 = tpu.vector_load %arg16[%parallel_loop3A_735] {strides = array<i32>} : memref<24576xf32, #tpu.memory_space<vmem>>, vector<16xf32>,
        tpu.vector_store %arg16[%parallel_loop3A_735], %parallel_loop3A_688 {strides = array<i32>} : memref<24576xf32, #tpu.memory_space<vmem>>, vector<16xf32>,
        %parallel_loop3A_737 = arith.constant 20480 : i32
        %parallel_loop3A_738 = arith.addi %parallel_loop3A_737, %parallel_loop3A_614 : i32
        %parallel_loop3A_739 = arith.index_cast %parallel_loop3A_738 : i32 to index
        %parallel_loop3A_740 = tpu.vector_load %arg16[%parallel_loop3A_739] {strides = array<i32>} : memref<24576xf32, #tpu.memory_space<vmem>>, vector<16xf32>,
        tpu.vector_store %arg16[%parallel_loop3A_739], %parallel_loop3A_692 {strides = array<i32>} : memref<24576xf32, #tpu.memory_space<vmem>>, vector<16xf32>,
        %parallel_loop3A_741 = arith.constant 22528 : i32
        %parallel_loop3A_742 = arith.addi %parallel_loop3A_741, %parallel_loop3A_614 : i32
        %parallel_loop3A_743 = arith.index_cast %parallel_loop3A_742 : i32 to index
        %parallel_loop3A_744 = tpu.vector_load %arg16[%parallel_loop3A_743] {strides = array<i32>} : memref<24576xf32, #tpu.memory_space<vmem>>, vector<16xf32>,
        tpu.vector_store %arg16[%parallel_loop3A_743], %parallel_loop3A_696 {strides = array<i32>} : memref<24576xf32, #tpu.memory_space<vmem>>, vector<16xf32>,
      } {sc.loop_unroll_factor = 2 : i64, sc.parallel_access}
      %mul3A_322 = arith.constant 2 : i32
      %mul3A_323 = arith.muli %mul3A_322, %scan3A_311 : i32
      %add3A_324 = arith.addi %mul3A_32, %mul3A_323 : i32
      %dma_start3A = arith.constant 0 : i32
      %dma_start3A_325 = arith.constant 0 : i32
      %dma_start3A_326 = tpu.memref_slice %arg16[%dma_start3A_325] : memref<24576xf32, #tpu.memory_space<vmem>> -> memref<2048xf32, #tpu.memory_space<vmem>>
      %dma_start3A_327 = arith.constant 0 : i32
      %dma_start3A_328 = tpu.memref_slice %arg8[%select_n3A, %dma_start3A, %add3A_324, %dma_start3A_327] : memref<2x12x2048x2048xf32, #tpu.memory_space<hbm>> -> memref<1x1x1x2048xf32, #tpu.memory_space<hbm>>
      %dma_start3A_329 = tpu.memref_squeeze %dma_start3A_328 : memref<1x1x1x2048xf32, #tpu.memory_space<hbm>> -> memref<2048xf32, #tpu.memory_space<hbm>>
      %dma_start3A_330 = arith.constant 0 : i32
      %dma_start3A_331 = tpu.memref_slice %arg8[%select_n3A, %dma_start3A, %add3A_324, %dma_start3A_330] : memref<2x12x2048x2048xf32, #tpu.memory_space<hbm>> -> memref<1x1x1x2048xf32, #tpu.memory_space<hbm>>
      %dma_start3A_332 = tpu.memref_squeeze %dma_start3A_331 : memref<1x1x1x2048xf32, #tpu.memory_space<hbm>> -> memref<2048xf32, #tpu.memory_space<hbm>>
      %dma_start3A_333 = arith.constant 0 : i32
      %dma_start3A_334 = tpu.memref_slice %arg16[%dma_start3A_333] : memref<24576xf32, #tpu.memory_space<vmem>> -> memref<2048xf32, #tpu.memory_space<vmem>>
      tpu.enqueue_dma source(%dma_start3A_334 : memref<2048xf32, #tpu.memory_space<vmem>>) target(%dma_start3A_332 : memref<2048xf32, #tpu.memory_space<hbm>>) target_semaphore(%arg18 : memref<!tpu.dma_semaphore, #tpu.memory_space<semaphore_mem>>)
      %dma_start3A_335 = arith.constant 1 : i32
      %dma_start3A_336 = arith.constant 2048 : i32
      %dma_start3A_337 = tpu.memref_slice %arg16[%dma_start3A_336] : memref<24576xf32, #tpu.memory_space<vmem>> -> memref<2048xf32, #tpu.memory_space<vmem>>
      %dma_start3A_338 = arith.constant 0 : i32
      %dma_start3A_339 = tpu.memref_slice %arg8[%select_n3A, %dma_start3A_335, %add3A_324, %dma_start3A_338] : memref<2x12x2048x2048xf32, #tpu.memory_space<hbm>> -> memref<1x1x1x2048xf32, #tpu.memory_space<hbm>>
      %dma_start3A_340 = tpu.memref_squeeze %dma_start3A_339 : memref<1x1x1x2048xf32, #tpu.memory_space<hbm>> -> memref<2048xf32, #tpu.memory_space<hbm>>
      %dma_start3A_341 = arith.constant 0 : i32
      %dma_start3A_342 = tpu.memref_slice %arg8[%select_n3A, %dma_start3A_335, %add3A_324, %dma_start3A_341] : memref<2x12x2048x2048xf32, #tpu.memory_space<hbm>> -> memref<1x1x1x2048xf32, #tpu.memory_space<hbm>>
      %dma_start3A_343 = tpu.memref_squeeze %dma_start3A_342 : memref<1x1x1x2048xf32, #tpu.memory_space<hbm>> -> memref<2048xf32, #tpu.memory_space<hbm>>
      %dma_start3A_344 = arith.constant 2048 : i32
      %dma_start3A_345 = tpu.memref_slice %arg16[%dma_start3A_344] : memref<24576xf32, #tpu.memory_space<vmem>> -> memref<2048xf32, #tpu.memory_space<vmem>>
      tpu.enqueue_dma source(%dma_start3A_345 : memref<2048xf32, #tpu.memory_space<vmem>>) target(%dma_start3A_343 : memref<2048xf32, #tpu.memory_space<hbm>>) target_semaphore(%arg18 : memref<!tpu.dma_semaphore, #tpu.memory_space<semaphore_mem>>)
      %dma_start3A_346 = arith.constant 2 : i32
      %dma_start3A_347 = arith.constant 4096 : i32
      %dma_start3A_348 = tpu.memref_slice %arg16[%dma_start3A_347] : memref<24576xf32, #tpu.memory_space<vmem>> -> memref<2048xf32, #tpu.memory_space<vmem>>
      %dma_start3A_349 = arith.constant 0 : i32
      %dma_start3A_350 = tpu.memref_slice %arg8[%select_n3A, %dma_start3A_346, %add3A_324, %dma_start3A_349] : memref<2x12x2048x2048xf32, #tpu.memory_space<hbm>> -> memref<1x1x1x2048xf32, #tpu.memory_space<hbm>>
      %dma_start3A_351 = tpu.memref_squeeze %dma_start3A_350 : memref<1x1x1x2048xf32, #tpu.memory_space<hbm>> -> memref<2048xf32, #tpu.memory_space<hbm>>
      %dma_start3A_352 = arith.constant 0 : i32
      %dma_start3A_353 = tpu.memref_slice %arg8[%select_n3A, %dma_start3A_346, %add3A_324, %dma_start3A_352] : memref<2x12x2048x2048xf32, #tpu.memory_space<hbm>> -> memref<1x1x1x2048xf32, #tpu.memory_space<hbm>>
      %dma_start3A_354 = tpu.memref_squeeze %dma_start3A_353 : memref<1x1x1x2048xf32, #tpu.memory_space<hbm>> -> memref<2048xf32, #tpu.memory_space<hbm>>
      %dma_start3A_355 = arith.constant 4096 : i32
      %dma_start3A_356 = tpu.memref_slice %arg16[%dma_start3A_355] : memref<24576xf32, #tpu.memory_space<vmem>> -> memref<2048xf32, #tpu.memory_space<vmem>>
      tpu.enqueue_dma source(%dma_start3A_356 : memref<2048xf32, #tpu.memory_space<vmem>>) target(%dma_start3A_354 : memref<2048xf32, #tpu.memory_space<hbm>>) target_semaphore(%arg18 : memref<!tpu.dma_semaphore, #tpu.memory_space<semaphore_mem>>)
      %dma_start3A_357 = arith.constant 3 : i32
      %dma_start3A_358 = arith.constant 6144 : i32
      %dma_start3A_359 = tpu.memref_slice %arg16[%dma_start3A_358] : memref<24576xf32, #tpu.memory_space<vmem>> -> memref<2048xf32, #tpu.memory_space<vmem>>
      %dma_start3A_360 = arith.constant 0 : i32
      %dma_start3A_361 = tpu.memref_slice %arg8[%select_n3A, %dma_start3A_357, %add3A_324, %dma_start3A_360] : memref<2x12x2048x2048xf32, #tpu.memory_space<hbm>> -> memref<1x1x1x2048xf32, #tpu.memory_space<hbm>>
      %dma_start3A_362 = tpu.memref_squeeze %dma_start3A_361 : memref<1x1x1x2048xf32, #tpu.memory_space<hbm>> -> memref<2048xf32, #tpu.memory_space<hbm>>
      %dma_start3A_363 = arith.constant 0 : i32
      %dma_start3A_364 = tpu.memref_slice %arg8[%select_n3A, %dma_start3A_357, %add3A_324, %dma_start3A_363] : memref<2x12x2048x2048xf32, #tpu.memory_space<hbm>> -> memref<1x1x1x2048xf32, #tpu.memory_space<hbm>>
      %dma_start3A_365 = tpu.memref_squeeze %dma_start3A_364 : memref<1x1x1x2048xf32, #tpu.memory_space<hbm>> -> memref<2048xf32, #tpu.memory_space<hbm>>
      %dma_start3A_366 = arith.constant 6144 : i32
      %dma_start3A_367 = tpu.memref_slice %arg16[%dma_start3A_366] : memref<24576xf32, #tpu.memory_space<vmem>> -> memref<2048xf32, #tpu.memory_space<vmem>>
      tpu.enqueue_dma source(%dma_start3A_367 : memref<2048xf32, #tpu.memory_space<vmem>>) target(%dma_start3A_365 : memref<2048xf32, #tpu.memory_space<hbm>>) target_semaphore(%arg18 : memref<!tpu.dma_semaphore, #tpu.memory_space<semaphore_mem>>)
      %dma_start3A_368 = arith.constant 4 : i32
      %dma_start3A_369 = arith.constant 8192 : i32
      %dma_start3A_370 = tpu.memref_slice %arg16[%dma_start3A_369] : memref<24576xf32, #tpu.memory_space<vmem>> -> memref<2048xf32, #tpu.memory_space<vmem>>
      %dma_start3A_371 = arith.constant 0 : i32
      %dma_start3A_372 = tpu.memref_slice %arg8[%select_n3A, %dma_start3A_368, %add3A_324, %dma_start3A_371] : memref<2x12x2048x2048xf32, #tpu.memory_space<hbm>> -> memref<1x1x1x2048xf32, #tpu.memory_space<hbm>>
      %dma_start3A_373 = tpu.memref_squeeze %dma_start3A_372 : memref<1x1x1x2048xf32, #tpu.memory_space<hbm>> -> memref<2048xf32, #tpu.memory_space<hbm>>
      %dma_start3A_374 = arith.constant 0 : i32
      %dma_start3A_375 = tpu.memref_slice %arg8[%select_n3A, %dma_start3A_368, %add3A_324, %dma_start3A_374] : memref<2x12x2048x2048xf32, #tpu.memory_space<hbm>> -> memref<1x1x1x2048xf32, #tpu.memory_space<hbm>>
      %dma_start3A_376 = tpu.memref_squeeze %dma_start3A_375 : memref<1x1x1x2048xf32, #tpu.memory_space<hbm>> -> memref<2048xf32, #tpu.memory_space<hbm>>
      %dma_start3A_377 = arith.constant 8192 : i32
      %dma_start3A_378 = tpu.memref_slice %arg16[%dma_start3A_377] : memref<24576xf32, #tpu.memory_space<vmem>> -> memref<2048xf32, #tpu.memory_space<vmem>>
      tpu.enqueue_dma source(%dma_start3A_378 : memref<2048xf32, #tpu.memory_space<vmem>>) target(%dma_start3A_376 : memref<2048xf32, #tpu.memory_space<hbm>>) target_semaphore(%arg18 : memref<!tpu.dma_semaphore, #tpu.memory_space<semaphore_mem>>)
      %dma_start3A_379 = arith.constant 5 : i32
      %dma_start3A_380 = arith.constant 10240 : i32
      %dma_start3A_381 = tpu.memref_slice %arg16[%dma_start3A_380] : memref<24576xf32, #tpu.memory_space<vmem>> -> memref<2048xf32, #tpu.memory_space<vmem>>
      %dma_start3A_382 = arith.constant 0 : i32
      %dma_start3A_383 = tpu.memref_slice %arg8[%select_n3A, %dma_start3A_379, %add3A_324, %dma_start3A_382] : memref<2x12x2048x2048xf32, #tpu.memory_space<hbm>> -> memref<1x1x1x2048xf32, #tpu.memory_space<hbm>>
      %dma_start3A_384 = tpu.memref_squeeze %dma_start3A_383 : memref<1x1x1x2048xf32, #tpu.memory_space<hbm>> -> memref<2048xf32, #tpu.memory_space<hbm>>
      %dma_start3A_385 = arith.constant 0 : i32
      %dma_start3A_386 = tpu.memref_slice %arg8[%select_n3A, %dma_start3A_379, %add3A_324, %dma_start3A_385] : memref<2x12x2048x2048xf32, #tpu.memory_space<hbm>> -> memref<1x1x1x2048xf32, #tpu.memory_space<hbm>>
      %dma_start3A_387 = tpu.memref_squeeze %dma_start3A_386 : memref<1x1x1x2048xf32, #tpu.memory_space<hbm>> -> memref<2048xf32, #tpu.memory_space<hbm>>
      %dma_start3A_388 = arith.constant 10240 : i32
      %dma_start3A_389 = tpu.memref_slice %arg16[%dma_start3A_388] : memref<24576xf32, #tpu.memory_space<vmem>> -> memref<2048xf32, #tpu.memory_space<vmem>>
      tpu.enqueue_dma source(%dma_start3A_389 : memref<2048xf32, #tpu.memory_space<vmem>>) target(%dma_start3A_387 : memref<2048xf32, #tpu.memory_space<hbm>>) target_semaphore(%arg18 : memref<!tpu.dma_semaphore, #tpu.memory_space<semaphore_mem>>)
      %dma_start3A_390 = arith.constant 6 : i32
      %dma_start3A_391 = arith.constant 12288 : i32
      %dma_start3A_392 = tpu.memref_slice %arg16[%dma_start3A_391] : memref<24576xf32, #tpu.memory_space<vmem>> -> memref<2048xf32, #tpu.memory_space<vmem>>
      %dma_start3A_393 = arith.constant 0 : i32
      %dma_start3A_394 = tpu.memref_slice %arg8[%select_n3A, %dma_start3A_390, %add3A_324, %dma_start3A_393] : memref<2x12x2048x2048xf32, #tpu.memory_space<hbm>> -> memref<1x1x1x2048xf32, #tpu.memory_space<hbm>>
      %dma_start3A_395 = tpu.memref_squeeze %dma_start3A_394 : memref<1x1x1x2048xf32, #tpu.memory_space<hbm>> -> memref<2048xf32, #tpu.memory_space<hbm>>
      %dma_start3A_396 = arith.constant 0 : i32
      %dma_start3A_397 = tpu.memref_slice %arg8[%select_n3A, %dma_start3A_390, %add3A_324, %dma_start3A_396] : memref<2x12x2048x2048xf32, #tpu.memory_space<hbm>> -> memref<1x1x1x2048xf32, #tpu.memory_space<hbm>>
      %dma_start3A_398 = tpu.memref_squeeze %dma_start3A_397 : memref<1x1x1x2048xf32, #tpu.memory_space<hbm>> -> memref<2048xf32, #tpu.memory_space<hbm>>
      %dma_start3A_399 = arith.constant 12288 : i32
      %dma_start3A_400 = tpu.memref_slice %arg16[%dma_start3A_399] : memref<24576xf32, #tpu.memory_space<vmem>> -> memref<2048xf32, #tpu.memory_space<vmem>>
      tpu.enqueue_dma source(%dma_start3A_400 : memref<2048xf32, #tpu.memory_space<vmem>>) target(%dma_start3A_398 : memref<2048xf32, #tpu.memory_space<hbm>>) target_semaphore(%arg18 : memref<!tpu.dma_semaphore, #tpu.memory_space<semaphore_mem>>)
      %dma_start3A_401 = arith.constant 7 : i32
      %dma_start3A_402 = arith.constant 14336 : i32
      %dma_start3A_403 = tpu.memref_slice %arg16[%dma_start3A_402] : memref<24576xf32, #tpu.memory_space<vmem>> -> memref<2048xf32, #tpu.memory_space<vmem>>
      %dma_start3A_404 = arith.constant 0 : i32
      %dma_start3A_405 = tpu.memref_slice %arg8[%select_n3A, %dma_start3A_401, %add3A_324, %dma_start3A_404] : memref<2x12x2048x2048xf32, #tpu.memory_space<hbm>> -> memref<1x1x1x2048xf32, #tpu.memory_space<hbm>>
      %dma_start3A_406 = tpu.memref_squeeze %dma_start3A_405 : memref<1x1x1x2048xf32, #tpu.memory_space<hbm>> -> memref<2048xf32, #tpu.memory_space<hbm>>
      %dma_start3A_407 = arith.constant 0 : i32
      %dma_start3A_408 = tpu.memref_slice %arg8[%select_n3A, %dma_start3A_401, %add3A_324, %dma_start3A_407] : memref<2x12x2048x2048xf32, #tpu.memory_space<hbm>> -> memref<1x1x1x2048xf32, #tpu.memory_space<hbm>>
      %dma_start3A_409 = tpu.memref_squeeze %dma_start3A_408 : memref<1x1x1x2048xf32, #tpu.memory_space<hbm>> -> memref<2048xf32, #tpu.memory_space<hbm>>
      %dma_start3A_410 = arith.constant 14336 : i32
      %dma_start3A_411 = tpu.memref_slice %arg16[%dma_start3A_410] : memref<24576xf32, #tpu.memory_space<vmem>> -> memref<2048xf32, #tpu.memory_space<vmem>>
      tpu.enqueue_dma source(%dma_start3A_411 : memref<2048xf32, #tpu.memory_space<vmem>>) target(%dma_start3A_409 : memref<2048xf32, #tpu.memory_space<hbm>>) target_semaphore(%arg18 : memref<!tpu.dma_semaphore, #tpu.memory_space<semaphore_mem>>)
      %dma_start3A_412 = arith.constant 8 : i32
      %dma_start3A_413 = arith.constant 16384 : i32
      %dma_start3A_414 = tpu.memref_slice %arg16[%dma_start3A_413] : memref<24576xf32, #tpu.memory_space<vmem>> -> memref<2048xf32, #tpu.memory_space<vmem>>
      %dma_start3A_415 = arith.constant 0 : i32
      %dma_start3A_416 = tpu.memref_slice %arg8[%select_n3A, %dma_start3A_412, %add3A_324, %dma_start3A_415] : memref<2x12x2048x2048xf32, #tpu.memory_space<hbm>> -> memref<1x1x1x2048xf32, #tpu.memory_space<hbm>>
      %dma_start3A_417 = tpu.memref_squeeze %dma_start3A_416 : memref<1x1x1x2048xf32, #tpu.memory_space<hbm>> -> memref<2048xf32, #tpu.memory_space<hbm>>
      %dma_start3A_418 = arith.constant 0 : i32
      %dma_start3A_419 = tpu.memref_slice %arg8[%select_n3A, %dma_start3A_412, %add3A_324, %dma_start3A_418] : memref<2x12x2048x2048xf32, #tpu.memory_space<hbm>> -> memref<1x1x1x2048xf32, #tpu.memory_space<hbm>>
      %dma_start3A_420 = tpu.memref_squeeze %dma_start3A_419 : memref<1x1x1x2048xf32, #tpu.memory_space<hbm>> -> memref<2048xf32, #tpu.memory_space<hbm>>
      %dma_start3A_421 = arith.constant 16384 : i32
      %dma_start3A_422 = tpu.memref_slice %arg16[%dma_start3A_421] : memref<24576xf32, #tpu.memory_space<vmem>> -> memref<2048xf32, #tpu.memory_space<vmem>>
      tpu.enqueue_dma source(%dma_start3A_422 : memref<2048xf32, #tpu.memory_space<vmem>>) target(%dma_start3A_420 : memref<2048xf32, #tpu.memory_space<hbm>>) target_semaphore(%arg18 : memref<!tpu.dma_semaphore, #tpu.memory_space<semaphore_mem>>)
      %dma_start3A_423 = arith.constant 9 : i32
      %dma_start3A_424 = arith.constant 18432 : i32
      %dma_start3A_425 = tpu.memref_slice %arg16[%dma_start3A_424] : memref<24576xf32, #tpu.memory_space<vmem>> -> memref<2048xf32, #tpu.memory_space<vmem>>
      %dma_start3A_426 = arith.constant 0 : i32
      %dma_start3A_427 = tpu.memref_slice %arg8[%select_n3A, %dma_start3A_423, %add3A_324, %dma_start3A_426] : memref<2x12x2048x2048xf32, #tpu.memory_space<hbm>> -> memref<1x1x1x2048xf32, #tpu.memory_space<hbm>>
      %dma_start3A_428 = tpu.memref_squeeze %dma_start3A_427 : memref<1x1x1x2048xf32, #tpu.memory_space<hbm>> -> memref<2048xf32, #tpu.memory_space<hbm>>
      %dma_start3A_429 = arith.constant 0 : i32
      %dma_start3A_430 = tpu.memref_slice %arg8[%select_n3A, %dma_start3A_423, %add3A_324, %dma_start3A_429] : memref<2x12x2048x2048xf32, #tpu.memory_space<hbm>> -> memref<1x1x1x2048xf32, #tpu.memory_space<hbm>>
      %dma_start3A_431 = tpu.memref_squeeze %dma_start3A_430 : memref<1x1x1x2048xf32, #tpu.memory_space<hbm>> -> memref<2048xf32, #tpu.memory_space<hbm>>
      %dma_start3A_432 = arith.constant 18432 : i32
      %dma_start3A_433 = tpu.memref_slice %arg16[%dma_start3A_432] : memref<24576xf32, #tpu.memory_space<vmem>> -> memref<2048xf32, #tpu.memory_space<vmem>>
      tpu.enqueue_dma source(%dma_start3A_433 : memref<2048xf32, #tpu.memory_space<vmem>>) target(%dma_start3A_431 : memref<2048xf32, #tpu.memory_space<hbm>>) target_semaphore(%arg18 : memref<!tpu.dma_semaphore, #tpu.memory_space<semaphore_mem>>)
      %dma_start3A_434 = arith.constant 10 : i32
      %dma_start3A_435 = arith.constant 20480 : i32
      %dma_start3A_436 = tpu.memref_slice %arg16[%dma_start3A_435] : memref<24576xf32, #tpu.memory_space<vmem>> -> memref<2048xf32, #tpu.memory_space<vmem>>
      %dma_start3A_437 = arith.constant 0 : i32
      %dma_start3A_438 = tpu.memref_slice %arg8[%select_n3A, %dma_start3A_434, %add3A_324, %dma_start3A_437] : memref<2x12x2048x2048xf32, #tpu.memory_space<hbm>> -> memref<1x1x1x2048xf32, #tpu.memory_space<hbm>>
      %dma_start3A_439 = tpu.memref_squeeze %dma_start3A_438 : memref<1x1x1x2048xf32, #tpu.memory_space<hbm>> -> memref<2048xf32, #tpu.memory_space<hbm>>
      %dma_start3A_440 = arith.constant 0 : i32
      %dma_start3A_441 = tpu.memref_slice %arg8[%select_n3A, %dma_start3A_434, %add3A_324, %dma_start3A_440] : memref<2x12x2048x2048xf32, #tpu.memory_space<hbm>> -> memref<1x1x1x2048xf32, #tpu.memory_space<hbm>>
      %dma_start3A_442 = tpu.memref_squeeze %dma_start3A_441 : memref<1x1x1x2048xf32, #tpu.memory_space<hbm>> -> memref<2048xf32, #tpu.memory_space<hbm>>
      %dma_start3A_443 = arith.constant 20480 : i32
      %dma_start3A_444 = tpu.memref_slice %arg16[%dma_start3A_443] : memref<24576xf32, #tpu.memory_space<vmem>> -> memref<2048xf32, #tpu.memory_space<vmem>>
      tpu.enqueue_dma source(%dma_start3A_444 : memref<2048xf32, #tpu.memory_space<vmem>>) target(%dma_start3A_442 : memref<2048xf32, #tpu.memory_space<hbm>>) target_semaphore(%arg18 : memref<!tpu.dma_semaphore, #tpu.memory_space<semaphore_mem>>)
      %dma_start3A_445 = arith.constant 11 : i32
      %dma_start3A_446 = arith.constant 22528 : i32
      %dma_start3A_447 = tpu.memref_slice %arg16[%dma_start3A_446] : memref<24576xf32, #tpu.memory_space<vmem>> -> memref<2048xf32, #tpu.memory_space<vmem>>
      %dma_start3A_448 = arith.constant 0 : i32
      %dma_start3A_449 = tpu.memref_slice %arg8[%select_n3A, %dma_start3A_445, %add3A_324, %dma_start3A_448] : memref<2x12x2048x2048xf32, #tpu.memory_space<hbm>> -> memref<1x1x1x2048xf32, #tpu.memory_space<hbm>>
      %dma_start3A_450 = tpu.memref_squeeze %dma_start3A_449 : memref<1x1x1x2048xf32, #tpu.memory_space<hbm>> -> memref<2048xf32, #tpu.memory_space<hbm>>
      %dma_start3A_451 = arith.constant 0 : i32
      %dma_start3A_452 = tpu.memref_slice %arg8[%select_n3A, %dma_start3A_445, %add3A_324, %dma_start3A_451] : memref<2x12x2048x2048xf32, #tpu.memory_space<hbm>> -> memref<1x1x1x2048xf32, #tpu.memory_space<hbm>>
      %dma_start3A_453 = tpu.memref_squeeze %dma_start3A_452 : memref<1x1x1x2048xf32, #tpu.memory_space<hbm>> -> memref<2048xf32, #tpu.memory_space<hbm>>
      %dma_start3A_454 = arith.constant 22528 : i32
      %dma_start3A_455 = tpu.memref_slice %arg16[%dma_start3A_454] : memref<24576xf32, #tpu.memory_space<vmem>> -> memref<2048xf32, #tpu.memory_space<vmem>>
      tpu.enqueue_dma source(%dma_start3A_455 : memref<2048xf32, #tpu.memory_space<vmem>>) target(%dma_start3A_453 : memref<2048xf32, #tpu.memory_space<hbm>>) target_semaphore(%arg18 : memref<!tpu.dma_semaphore, #tpu.memory_space<semaphore_mem>>)
      %gt3A_456 = arith.constant 0 : i32
      %gt3A_457 = arith.cmpi sgt, %scan3A_311, %gt3A_456 : i32
      %convert_element_type3A_458 = arith.extui %gt3A_457 : i1 to i32
      %cond3A_459 = arith.constant 0 : i32
      %cond3A_460 = arith.cmpi ne, %convert_element_type3A_458, %cond3A_459 : i32
      scf.if %cond3A_460 {
        %mul3A_611 = arith.constant 2 : i32
        %mul3A_612 = arith.muli %mul3A_611, %scan3A_311 : i32
        %sub3A_613 = arith.constant 1 : i32
        %sub3A_614 = arith.subi %mul3A_612, %sub3A_613 : i32
        %add3A_615 = arith.addi %mul3A_32, %sub3A_614 : i32
        %dma_wait3A_616 = arith.constant 0 : i32
        %dma_wait3A_617 = arith.constant 0 : i32
        %dma_wait3A_618 = tpu.memref_slice %arg17[%dma_wait3A_617] : memref<24576xf32, #tpu.memory_space<vmem>> -> memref<2048xf32, #tpu.memory_space<vmem>>
        %dma_wait3A_619 = arith.constant 0 : i32
        %dma_wait3A_620 = tpu.memref_slice %arg8[%select_n3A, %dma_wait3A_616, %add3A_615, %dma_wait3A_619] : memref<2x12x2048x2048xf32, #tpu.memory_space<hbm>> -> memref<1x1x1x2048xf32, #tpu.memory_space<hbm>>
        %dma_wait3A_621 = tpu.memref_squeeze %dma_wait3A_620 : memref<1x1x1x2048xf32, #tpu.memory_space<hbm>> -> memref<2048xf32, #tpu.memory_space<hbm>>
        %dma_wait3A_622 = arith.constant 0 : i32
        %dma_wait3A_623 = tpu.memref_slice %arg8[%select_n3A, %dma_wait3A_616, %add3A_615, %dma_wait3A_622] : memref<2x12x2048x2048xf32, #tpu.memory_space<hbm>> -> memref<1x1x1x2048xf32, #tpu.memory_space<hbm>>
        %dma_wait3A_624 = tpu.memref_squeeze %dma_wait3A_623 : memref<1x1x1x2048xf32, #tpu.memory_space<hbm>> -> memref<2048xf32, #tpu.memory_space<hbm>>
        %dma_wait3A_625 = arith.constant 0 : i32
        %dma_wait3A_626 = tpu.memref_slice %arg17[%dma_wait3A_625] : memref<24576xf32, #tpu.memory_space<vmem>> -> memref<2048xf32, #tpu.memory_space<vmem>>
        tpu.wait_dma2 semaphore(%arg19 : memref<!tpu.dma_semaphore, #tpu.memory_space<semaphore_mem>>) src(%dma_wait3A_626 : memref<2048xf32, #tpu.memory_space<vmem>>) dst(%dma_wait3A_624 : memref<2048xf32, #tpu.memory_space<hbm>>)
        %dma_wait3A_627 = arith.constant 1 : i32
        %dma_wait3A_628 = arith.constant 2048 : i32
        %dma_wait3A_629 = tpu.memref_slice %arg17[%dma_wait3A_628] : memref<24576xf32, #tpu.memory_space<vmem>> -> memref<2048xf32, #tpu.memory_space<vmem>>
        %dma_wait3A_630 = arith.constant 0 : i32
        %dma_wait3A_631 = tpu.memref_slice %arg8[%select_n3A, %dma_wait3A_627, %add3A_615, %dma_wait3A_630] : memref<2x12x2048x2048xf32, #tpu.memory_space<hbm>> -> memref<1x1x1x2048xf32, #tpu.memory_space<hbm>>
        %dma_wait3A_632 = tpu.memref_squeeze %dma_wait3A_631 : memref<1x1x1x2048xf32, #tpu.memory_space<hbm>> -> memref<2048xf32, #tpu.memory_space<hbm>>
        %dma_wait3A_633 = arith.constant 0 : i32
        %dma_wait3A_634 = tpu.memref_slice %arg8[%select_n3A, %dma_wait3A_627, %add3A_615, %dma_wait3A_633] : memref<2x12x2048x2048xf32, #tpu.memory_space<hbm>> -> memref<1x1x1x2048xf32, #tpu.memory_space<hbm>>
        %dma_wait3A_635 = tpu.memref_squeeze %dma_wait3A_634 : memref<1x1x1x2048xf32, #tpu.memory_space<hbm>> -> memref<2048xf32, #tpu.memory_space<hbm>>
        %dma_wait3A_636 = arith.constant 2048 : i32
        %dma_wait3A_637 = tpu.memref_slice %arg17[%dma_wait3A_636] : memref<24576xf32, #tpu.memory_space<vmem>> -> memref<2048xf32, #tpu.memory_space<vmem>>
        tpu.wait_dma2 semaphore(%arg19 : memref<!tpu.dma_semaphore, #tpu.memory_space<semaphore_mem>>) src(%dma_wait3A_637 : memref<2048xf32, #tpu.memory_space<vmem>>) dst(%dma_wait3A_635 : memref<2048xf32, #tpu.memory_space<hbm>>)
        %dma_wait3A_638 = arith.constant 2 : i32
        %dma_wait3A_639 = arith.constant 4096 : i32
        %dma_wait3A_640 = tpu.memref_slice %arg17[%dma_wait3A_639] : memref<24576xf32, #tpu.memory_space<vmem>> -> memref<2048xf32, #tpu.memory_space<vmem>>
        %dma_wait3A_641 = arith.constant 0 : i32
        %dma_wait3A_642 = tpu.memref_slice %arg8[%select_n3A, %dma_wait3A_638, %add3A_615, %dma_wait3A_641] : memref<2x12x2048x2048xf32, #tpu.memory_space<hbm>> -> memref<1x1x1x2048xf32, #tpu.memory_space<hbm>>
        %dma_wait3A_643 = tpu.memref_squeeze %dma_wait3A_642 : memref<1x1x1x2048xf32, #tpu.memory_space<hbm>> -> memref<2048xf32, #tpu.memory_space<hbm>>
        %dma_wait3A_644 = arith.constant 0 : i32
        %dma_wait3A_645 = tpu.memref_slice %arg8[%select_n3A, %dma_wait3A_638, %add3A_615, %dma_wait3A_644] : memref<2x12x2048x2048xf32, #tpu.memory_space<hbm>> -> memref<1x1x1x2048xf32, #tpu.memory_space<hbm>>
        %dma_wait3A_646 = tpu.memref_squeeze %dma_wait3A_645 : memref<1x1x1x2048xf32, #tpu.memory_space<hbm>> -> memref<2048xf32, #tpu.memory_space<hbm>>
        %dma_wait3A_647 = arith.constant 4096 : i32
        %dma_wait3A_648 = tpu.memref_slice %arg17[%dma_wait3A_647] : memref<24576xf32, #tpu.memory_space<vmem>> -> memref<2048xf32, #tpu.memory_space<vmem>>
        tpu.wait_dma2 semaphore(%arg19 : memref<!tpu.dma_semaphore, #tpu.memory_space<semaphore_mem>>) src(%dma_wait3A_648 : memref<2048xf32, #tpu.memory_space<vmem>>) dst(%dma_wait3A_646 : memref<2048xf32, #tpu.memory_space<hbm>>)
        %dma_wait3A_649 = arith.constant 3 : i32
        %dma_wait3A_650 = arith.constant 6144 : i32
        %dma_wait3A_651 = tpu.memref_slice %arg17[%dma_wait3A_650] : memref<24576xf32, #tpu.memory_space<vmem>> -> memref<2048xf32, #tpu.memory_space<vmem>>
        %dma_wait3A_652 = arith.constant 0 : i32
        %dma_wait3A_653 = tpu.memref_slice %arg8[%select_n3A, %dma_wait3A_649, %add3A_615, %dma_wait3A_652] : memref<2x12x2048x2048xf32, #tpu.memory_space<hbm>> -> memref<1x1x1x2048xf32, #tpu.memory_space<hbm>>
        %dma_wait3A_654 = tpu.memref_squeeze %dma_wait3A_653 : memref<1x1x1x2048xf32, #tpu.memory_space<hbm>> -> memref<2048xf32, #tpu.memory_space<hbm>>
        %dma_wait3A_655 = arith.constant 0 : i32
        %dma_wait3A_656 = tpu.memref_slice %arg8[%select_n3A, %dma_wait3A_649, %add3A_615, %dma_wait3A_655] : memref<2x12x2048x2048xf32, #tpu.memory_space<hbm>> -> memref<1x1x1x2048xf32, #tpu.memory_space<hbm>>
        %dma_wait3A_657 = tpu.memref_squeeze %dma_wait3A_656 : memref<1x1x1x2048xf32, #tpu.memory_space<hbm>> -> memref<2048xf32, #tpu.memory_space<hbm>>
        %dma_wait3A_658 = arith.constant 6144 : i32
        %dma_wait3A_659 = tpu.memref_slice %arg17[%dma_wait3A_658] : memref<24576xf32, #tpu.memory_space<vmem>> -> memref<2048xf32, #tpu.memory_space<vmem>>
        tpu.wait_dma2 semaphore(%arg19 : memref<!tpu.dma_semaphore, #tpu.memory_space<semaphore_mem>>) src(%dma_wait3A_659 : memref<2048xf32, #tpu.memory_space<vmem>>) dst(%dma_wait3A_657 : memref<2048xf32, #tpu.memory_space<hbm>>)
        %dma_wait3A_660 = arith.constant 4 : i32
        %dma_wait3A_661 = arith.constant 8192 : i32
        %dma_wait3A_662 = tpu.memref_slice %arg17[%dma_wait3A_661] : memref<24576xf32, #tpu.memory_space<vmem>> -> memref<2048xf32, #tpu.memory_space<vmem>>
        %dma_wait3A_663 = arith.constant 0 : i32
        %dma_wait3A_664 = tpu.memref_slice %arg8[%select_n3A, %dma_wait3A_660, %add3A_615, %dma_wait3A_663] : memref<2x12x2048x2048xf32, #tpu.memory_space<hbm>> -> memref<1x1x1x2048xf32, #tpu.memory_space<hbm>>
        %dma_wait3A_665 = tpu.memref_squeeze %dma_wait3A_664 : memref<1x1x1x2048xf32, #tpu.memory_space<hbm>> -> memref<2048xf32, #tpu.memory_space<hbm>>
        %dma_wait3A_666 = arith.constant 0 : i32
        %dma_wait3A_667 = tpu.memref_slice %arg8[%select_n3A, %dma_wait3A_660, %add3A_615, %dma_wait3A_666] : memref<2x12x2048x2048xf32, #tpu.memory_space<hbm>> -> memref<1x1x1x2048xf32, #tpu.memory_space<hbm>>
        %dma_wait3A_668 = tpu.memref_squeeze %dma_wait3A_667 : memref<1x1x1x2048xf32, #tpu.memory_space<hbm>> -> memref<2048xf32, #tpu.memory_space<hbm>>
        %dma_wait3A_669 = arith.constant 8192 : i32
        %dma_wait3A_670 = tpu.memref_slice %arg17[%dma_wait3A_669] : memref<24576xf32, #tpu.memory_space<vmem>> -> memref<2048xf32, #tpu.memory_space<vmem>>
        tpu.wait_dma2 semaphore(%arg19 : memref<!tpu.dma_semaphore, #tpu.memory_space<semaphore_mem>>) src(%dma_wait3A_670 : memref<2048xf32, #tpu.memory_space<vmem>>) dst(%dma_wait3A_668 : memref<2048xf32, #tpu.memory_space<hbm>>)
        %dma_wait3A_671 = arith.constant 5 : i32
        %dma_wait3A_672 = arith.constant 10240 : i32
        %dma_wait3A_673 = tpu.memref_slice %arg17[%dma_wait3A_672] : memref<24576xf32, #tpu.memory_space<vmem>> -> memref<2048xf32, #tpu.memory_space<vmem>>
        %dma_wait3A_674 = arith.constant 0 : i32
        %dma_wait3A_675 = tpu.memref_slice %arg8[%select_n3A, %dma_wait3A_671, %add3A_615, %dma_wait3A_674] : memref<2x12x2048x2048xf32, #tpu.memory_space<hbm>> -> memref<1x1x1x2048xf32, #tpu.memory_space<hbm>>
        %dma_wait3A_676 = tpu.memref_squeeze %dma_wait3A_675 : memref<1x1x1x2048xf32, #tpu.memory_space<hbm>> -> memref<2048xf32, #tpu.memory_space<hbm>>
        %dma_wait3A_677 = arith.constant 0 : i32
        %dma_wait3A_678 = tpu.memref_slice %arg8[%select_n3A, %dma_wait3A_671, %add3A_615, %dma_wait3A_677] : memref<2x12x2048x2048xf32, #tpu.memory_space<hbm>> -> memref<1x1x1x2048xf32, #tpu.memory_space<hbm>>
        %dma_wait3A_679 = tpu.memref_squeeze %dma_wait3A_678 : memref<1x1x1x2048xf32, #tpu.memory_space<hbm>> -> memref<2048xf32, #tpu.memory_space<hbm>>
        %dma_wait3A_680 = arith.constant 10240 : i32
        %dma_wait3A_681 = tpu.memref_slice %arg17[%dma_wait3A_680] : memref<24576xf32, #tpu.memory_space<vmem>> -> memref<2048xf32, #tpu.memory_space<vmem>>
        tpu.wait_dma2 semaphore(%arg19 : memref<!tpu.dma_semaphore, #tpu.memory_space<semaphore_mem>>) src(%dma_wait3A_681 : memref<2048xf32, #tpu.memory_space<vmem>>) dst(%dma_wait3A_679 : memref<2048xf32, #tpu.memory_space<hbm>>)
        %dma_wait3A_682 = arith.constant 6 : i32
        %dma_wait3A_683 = arith.constant 12288 : i32
        %dma_wait3A_684 = tpu.memref_slice %arg17[%dma_wait3A_683] : memref<24576xf32, #tpu.memory_space<vmem>> -> memref<2048xf32, #tpu.memory_space<vmem>>
        %dma_wait3A_685 = arith.constant 0 : i32
        %dma_wait3A_686 = tpu.memref_slice %arg8[%select_n3A, %dma_wait3A_682, %add3A_615, %dma_wait3A_685] : memref<2x12x2048x2048xf32, #tpu.memory_space<hbm>> -> memref<1x1x1x2048xf32, #tpu.memory_space<hbm>>
        %dma_wait3A_687 = tpu.memref_squeeze %dma_wait3A_686 : memref<1x1x1x2048xf32, #tpu.memory_space<hbm>> -> memref<2048xf32, #tpu.memory_space<hbm>>
        %dma_wait3A_688 = arith.constant 0 : i32
        %dma_wait3A_689 = tpu.memref_slice %arg8[%select_n3A, %dma_wait3A_682, %add3A_615, %dma_wait3A_688] : memref<2x12x2048x2048xf32, #tpu.memory_space<hbm>> -> memref<1x1x1x2048xf32, #tpu.memory_space<hbm>>
        %dma_wait3A_690 = tpu.memref_squeeze %dma_wait3A_689 : memref<1x1x1x2048xf32, #tpu.memory_space<hbm>> -> memref<2048xf32, #tpu.memory_space<hbm>>
        %dma_wait3A_691 = arith.constant 12288 : i32
        %dma_wait3A_692 = tpu.memref_slice %arg17[%dma_wait3A_691] : memref<24576xf32, #tpu.memory_space<vmem>> -> memref<2048xf32, #tpu.memory_space<vmem>>
        tpu.wait_dma2 semaphore(%arg19 : memref<!tpu.dma_semaphore, #tpu.memory_space<semaphore_mem>>) src(%dma_wait3A_692 : memref<2048xf32, #tpu.memory_space<vmem>>) dst(%dma_wait3A_690 : memref<2048xf32, #tpu.memory_space<hbm>>)
        %dma_wait3A_693 = arith.constant 7 : i32
        %dma_wait3A_694 = arith.constant 14336 : i32
        %dma_wait3A_695 = tpu.memref_slice %arg17[%dma_wait3A_694] : memref<24576xf32, #tpu.memory_space<vmem>> -> memref<2048xf32, #tpu.memory_space<vmem>>
        %dma_wait3A_696 = arith.constant 0 : i32
        %dma_wait3A_697 = tpu.memref_slice %arg8[%select_n3A, %dma_wait3A_693, %add3A_615, %dma_wait3A_696] : memref<2x12x2048x2048xf32, #tpu.memory_space<hbm>> -> memref<1x1x1x2048xf32, #tpu.memory_space<hbm>>
        %dma_wait3A_698 = tpu.memref_squeeze %dma_wait3A_697 : memref<1x1x1x2048xf32, #tpu.memory_space<hbm>> -> memref<2048xf32, #tpu.memory_space<hbm>>
        %dma_wait3A_699 = arith.constant 0 : i32
        %dma_wait3A_700 = tpu.memref_slice %arg8[%select_n3A, %dma_wait3A_693, %add3A_615, %dma_wait3A_699] : memref<2x12x2048x2048xf32, #tpu.memory_space<hbm>> -> memref<1x1x1x2048xf32, #tpu.memory_space<hbm>>
        %dma_wait3A_701 = tpu.memref_squeeze %dma_wait3A_700 : memref<1x1x1x2048xf32, #tpu.memory_space<hbm>> -> memref<2048xf32, #tpu.memory_space<hbm>>
        %dma_wait3A_702 = arith.constant 14336 : i32
        %dma_wait3A_703 = tpu.memref_slice %arg17[%dma_wait3A_702] : memref<24576xf32, #tpu.memory_space<vmem>> -> memref<2048xf32, #tpu.memory_space<vmem>>
        tpu.wait_dma2 semaphore(%arg19 : memref<!tpu.dma_semaphore, #tpu.memory_space<semaphore_mem>>) src(%dma_wait3A_703 : memref<2048xf32, #tpu.memory_space<vmem>>) dst(%dma_wait3A_701 : memref<2048xf32, #tpu.memory_space<hbm>>)
        %dma_wait3A_704 = arith.constant 8 : i32
        %dma_wait3A_705 = arith.constant 16384 : i32
        %dma_wait3A_706 = tpu.memref_slice %arg17[%dma_wait3A_705] : memref<24576xf32, #tpu.memory_space<vmem>> -> memref<2048xf32, #tpu.memory_space<vmem>>
        %dma_wait3A_707 = arith.constant 0 : i32
        %dma_wait3A_708 = tpu.memref_slice %arg8[%select_n3A, %dma_wait3A_704, %add3A_615, %dma_wait3A_707] : memref<2x12x2048x2048xf32, #tpu.memory_space<hbm>> -> memref<1x1x1x2048xf32, #tpu.memory_space<hbm>>
        %dma_wait3A_709 = tpu.memref_squeeze %dma_wait3A_708 : memref<1x1x1x2048xf32, #tpu.memory_space<hbm>> -> memref<2048xf32, #tpu.memory_space<hbm>>
        %dma_wait3A_710 = arith.constant 0 : i32
        %dma_wait3A_711 = tpu.memref_slice %arg8[%select_n3A, %dma_wait3A_704, %add3A_615, %dma_wait3A_710] : memref<2x12x2048x2048xf32, #tpu.memory_space<hbm>> -> memref<1x1x1x2048xf32, #tpu.memory_space<hbm>>
        %dma_wait3A_712 = tpu.memref_squeeze %dma_wait3A_711 : memref<1x1x1x2048xf32, #tpu.memory_space<hbm>> -> memref<2048xf32, #tpu.memory_space<hbm>>
        %dma_wait3A_713 = arith.constant 16384 : i32
        %dma_wait3A_714 = tpu.memref_slice %arg17[%dma_wait3A_713] : memref<24576xf32, #tpu.memory_space<vmem>> -> memref<2048xf32, #tpu.memory_space<vmem>>
        tpu.wait_dma2 semaphore(%arg19 : memref<!tpu.dma_semaphore, #tpu.memory_space<semaphore_mem>>) src(%dma_wait3A_714 : memref<2048xf32, #tpu.memory_space<vmem>>) dst(%dma_wait3A_712 : memref<2048xf32, #tpu.memory_space<hbm>>)
        %dma_wait3A_715 = arith.constant 9 : i32
        %dma_wait3A_716 = arith.constant 18432 : i32
        %dma_wait3A_717 = tpu.memref_slice %arg17[%dma_wait3A_716] : memref<24576xf32, #tpu.memory_space<vmem>> -> memref<2048xf32, #tpu.memory_space<vmem>>
        %dma_wait3A_718 = arith.constant 0 : i32
        %dma_wait3A_719 = tpu.memref_slice %arg8[%select_n3A, %dma_wait3A_715, %add3A_615, %dma_wait3A_718] : memref<2x12x2048x2048xf32, #tpu.memory_space<hbm>> -> memref<1x1x1x2048xf32, #tpu.memory_space<hbm>>
        %dma_wait3A_720 = tpu.memref_squeeze %dma_wait3A_719 : memref<1x1x1x2048xf32, #tpu.memory_space<hbm>> -> memref<2048xf32, #tpu.memory_space<hbm>>
        %dma_wait3A_721 = arith.constant 0 : i32
        %dma_wait3A_722 = tpu.memref_slice %arg8[%select_n3A, %dma_wait3A_715, %add3A_615, %dma_wait3A_721] : memref<2x12x2048x2048xf32, #tpu.memory_space<hbm>> -> memref<1x1x1x2048xf32, #tpu.memory_space<hbm>>
        %dma_wait3A_723 = tpu.memref_squeeze %dma_wait3A_722 : memref<1x1x1x2048xf32, #tpu.memory_space<hbm>> -> memref<2048xf32, #tpu.memory_space<hbm>>
        %dma_wait3A_724 = arith.constant 18432 : i32
        %dma_wait3A_725 = tpu.memref_slice %arg17[%dma_wait3A_724] : memref<24576xf32, #tpu.memory_space<vmem>> -> memref<2048xf32, #tpu.memory_space<vmem>>
        tpu.wait_dma2 semaphore(%arg19 : memref<!tpu.dma_semaphore, #tpu.memory_space<semaphore_mem>>) src(%dma_wait3A_725 : memref<2048xf32, #tpu.memory_space<vmem>>) dst(%dma_wait3A_723 : memref<2048xf32, #tpu.memory_space<hbm>>)
        %dma_wait3A_726 = arith.constant 10 : i32
        %dma_wait3A_727 = arith.constant 20480 : i32
        %dma_wait3A_728 = tpu.memref_slice %arg17[%dma_wait3A_727] : memref<24576xf32, #tpu.memory_space<vmem>> -> memref<2048xf32, #tpu.memory_space<vmem>>
        %dma_wait3A_729 = arith.constant 0 : i32
        %dma_wait3A_730 = tpu.memref_slice %arg8[%select_n3A, %dma_wait3A_726, %add3A_615, %dma_wait3A_729] : memref<2x12x2048x2048xf32, #tpu.memory_space<hbm>> -> memref<1x1x1x2048xf32, #tpu.memory_space<hbm>>
        %dma_wait3A_731 = tpu.memref_squeeze %dma_wait3A_730 : memref<1x1x1x2048xf32, #tpu.memory_space<hbm>> -> memref<2048xf32, #tpu.memory_space<hbm>>
        %dma_wait3A_732 = arith.constant 0 : i32
        %dma_wait3A_733 = tpu.memref_slice %arg8[%select_n3A, %dma_wait3A_726, %add3A_615, %dma_wait3A_732] : memref<2x12x2048x2048xf32, #tpu.memory_space<hbm>> -> memref<1x1x1x2048xf32, #tpu.memory_space<hbm>>
        %dma_wait3A_734 = tpu.memref_squeeze %dma_wait3A_733 : memref<1x1x1x2048xf32, #tpu.memory_space<hbm>> -> memref<2048xf32, #tpu.memory_space<hbm>>
        %dma_wait3A_735 = arith.constant 20480 : i32
        %dma_wait3A_736 = tpu.memref_slice %arg17[%dma_wait3A_735] : memref<24576xf32, #tpu.memory_space<vmem>> -> memref<2048xf32, #tpu.memory_space<vmem>>
        tpu.wait_dma2 semaphore(%arg19 : memref<!tpu.dma_semaphore, #tpu.memory_space<semaphore_mem>>) src(%dma_wait3A_736 : memref<2048xf32, #tpu.memory_space<vmem>>) dst(%dma_wait3A_734 : memref<2048xf32, #tpu.memory_space<hbm>>)
        %dma_wait3A_737 = arith.constant 11 : i32
        %dma_wait3A_738 = arith.constant 22528 : i32
        %dma_wait3A_739 = tpu.memref_slice %arg17[%dma_wait3A_738] : memref<24576xf32, #tpu.memory_space<vmem>> -> memref<2048xf32, #tpu.memory_space<vmem>>
        %dma_wait3A_740 = arith.constant 0 : i32
        %dma_wait3A_741 = tpu.memref_slice %arg8[%select_n3A, %dma_wait3A_737, %add3A_615, %dma_wait3A_740] : memref<2x12x2048x2048xf32, #tpu.memory_space<hbm>> -> memref<1x1x1x2048xf32, #tpu.memory_space<hbm>>
        %dma_wait3A_742 = tpu.memref_squeeze %dma_wait3A_741 : memref<1x1x1x2048xf32, #tpu.memory_space<hbm>> -> memref<2048xf32, #tpu.memory_space<hbm>>
        %dma_wait3A_743 = arith.constant 0 : i32
        %dma_wait3A_744 = tpu.memref_slice %arg8[%select_n3A, %dma_wait3A_737, %add3A_615, %dma_wait3A_743] : memref<2x12x2048x2048xf32, #tpu.memory_space<hbm>> -> memref<1x1x1x2048xf32, #tpu.memory_space<hbm>>
        %dma_wait3A_745 = tpu.memref_squeeze %dma_wait3A_744 : memref<1x1x1x2048xf32, #tpu.memory_space<hbm>> -> memref<2048xf32, #tpu.memory_space<hbm>>
        %dma_wait3A_746 = arith.constant 22528 : i32
        %dma_wait3A_747 = tpu.memref_slice %arg17[%dma_wait3A_746] : memref<24576xf32, #tpu.memory_space<vmem>> -> memref<2048xf32, #tpu.memory_space<vmem>>
        tpu.wait_dma2 semaphore(%arg19 : memref<!tpu.dma_semaphore, #tpu.memory_space<semaphore_mem>>) src(%dma_wait3A_747 : memref<2048xf32, #tpu.memory_space<vmem>>) dst(%dma_wait3A_745 : memref<2048xf32, #tpu.memory_space<hbm>>)
      } else {
      }
      %mul3A_461 = arith.constant 2 : i32
      %mul3A_462 = arith.muli %mul3A_461, %scan3A_311 : i32
      %add3A_463 = arith.constant 1 : i32
      %add3A_464 = arith.addi %mul3A_462, %add3A_463 : i32
      %broadcast_in_dim3A_465 = vector.broadcast %add3A_464 : i32 to vector<16xi32>
      %gather3A_466 = tpu.vector_load_idx %arg11[%broadcast_in_dim3A_465] : memref<128xf32, #tpu.memory_space<vmem>>[vector<16xi32>], vector<16xf32>,
      %gather3A_467 = tpu.vector_load_idx %arg12[%broadcast_in_dim3A_465] : memref<128xi32, #tpu.memory_space<vmem>>[vector<16xi32>], vector<16xi32>,
      %mul3A_468 = arith.constant 82 : i32
      %mul3A_469 = vector.broadcast %mul3A_468 : i32 to vector<16xi32>
      %mul3A_470 = arith.muli %gather3A_467, %mul3A_469 : vector<16xi32>
      %parallel_loop3A_471 = arith.constant 0 : i32
      %parallel_loop3A_472 = arith.constant 128 : i32
      %parallel_loop3A_473 = arith.constant 1 : i32
      scf.for %parallel_loop3A_611 = %parallel_loop3A_471 to %parallel_loop3A_472 step %parallel_loop3A_473  : i32 {
        %parallel_loop3A_612 = arith.constant 16 : i32
        %parallel_loop3A_613 = arith.muli %parallel_loop3A_611, %parallel_loop3A_612 : i32
        %parallel_loop3A_614 = tpu.assume_multiple %parallel_loop3A_613, 16 : i32
        %parallel_loop3A_615 = arith.index_cast %parallel_loop3A_614 : i32 to index
        %parallel_loop3A_616 = tpu.vector_load %arg9[%parallel_loop3A_615] {strides = array<i32>} : memref<2048xf32, #tpu.memory_space<vmem>>, vector<16xf32>,
        %parallel_loop3A_617 = arith.subf %gather3A_466, %parallel_loop3A_616 : vector<16xf32>
        %parallel_loop3A_618 = arith.constant -2.000000e+01 : f32
        %parallel_loop3A_619 = vector.broadcast %parallel_loop3A_618 : f32 to vector<16xf32>
        %parallel_loop3A_620 = arith.maximumf %parallel_loop3A_617, %parallel_loop3A_619 : vector<16xf32>
        %parallel_loop3A_621 = arith.constant 2.000000e+01 : f32
        %parallel_loop3A_622 = vector.broadcast %parallel_loop3A_621 : f32 to vector<16xf32>
        %parallel_loop3A_623 = arith.minimumf %parallel_loop3A_620, %parallel_loop3A_622 : vector<16xf32>
        %parallel_loop3A_624 = arith.constant 2.000000e+01 : f32
        %parallel_loop3A_625 = vector.broadcast %parallel_loop3A_624 : f32 to vector<16xf32>
        %parallel_loop3A_626 = arith.addf %parallel_loop3A_623, %parallel_loop3A_625 : vector<16xf32>
        %parallel_loop3A_627 = arith.constant 5.000000e-01 : f32
        %parallel_loop3A_628 = vector.broadcast %parallel_loop3A_627 : f32 to vector<16xf32>
        %parallel_loop3A_629 = arith.addf %parallel_loop3A_626, %parallel_loop3A_628 : vector<16xf32>
        %parallel_loop3A_630 = arith.fptosi %parallel_loop3A_629 : vector<16xf32> to vector<16xi32>
        %parallel_loop3A_631 = arith.sitofp %parallel_loop3A_630 : vector<16xi32> to vector<16xf32>
        %parallel_loop3A_632 = arith.cmpf oeq, %parallel_loop3A_631, %parallel_loop3A_629 : vector<16xf32>
        %parallel_loop3A_633 = arith.constant 1 : i32
        %parallel_loop3A_634 = vector.broadcast %parallel_loop3A_633 : i32 to vector<16xi32>
        %parallel_loop3A_635 = arith.andi %parallel_loop3A_630, %parallel_loop3A_634 : vector<16xi32>
        %parallel_loop3A_636 = arith.constant 1 : i32
        %parallel_loop3A_637 = vector.broadcast %parallel_loop3A_636 : i32 to vector<16xi32>
        %parallel_loop3A_638 = arith.cmpi eq, %parallel_loop3A_635, %parallel_loop3A_637 : vector<16xi32>
        %parallel_loop3A_639 = arith.andi %parallel_loop3A_632, %parallel_loop3A_638 : vector<16xi1>
        %parallel_loop3A_640 = arith.extui %parallel_loop3A_639 : vector<16xi1> to vector<16xi32>
        %parallel_loop3A_641 = arith.subi %parallel_loop3A_630, %parallel_loop3A_640 : vector<16xi32>
        %parallel_loop3A_642 = arith.constant 2 : i32
        %parallel_loop3A_643 = vector.broadcast %parallel_loop3A_642 : i32 to vector<16xi32>
        %parallel_loop3A_644 = arith.muli %parallel_loop3A_641, %parallel_loop3A_643 : vector<16xi32>
        %parallel_loop3A_645 = arith.index_cast %parallel_loop3A_614 : i32 to index
        %parallel_loop3A_646 = tpu.vector_load %arg10[%parallel_loop3A_645] {strides = array<i32>} : memref<2048xi32, #tpu.memory_space<vmem>>, vector<16xi32>,
        %parallel_loop3A_647 = arith.addi %parallel_loop3A_644, %parallel_loop3A_646 : vector<16xi32>
        %parallel_loop3A_648 = arith.addi %parallel_loop3A_647, %mul3A_470 : vector<16xi32>
        %parallel_loop3A_649 = arith.constant 0 : i32
        %parallel_loop3A_650 = vector.broadcast %parallel_loop3A_649 : i32 to vector<16xi32>
        %parallel_loop3A_651 = arith.addi %parallel_loop3A_648, %parallel_loop3A_650 : vector<16xi32>
        %parallel_loop3A_652 = tpu.vector_load_idx %arg15[%parallel_loop3A_651] : memref<1968xf32, #tpu.memory_space<vmem>>[vector<16xi32>], vector<16xf32>,
        %parallel_loop3A_653 = arith.constant 164 : i32
        %parallel_loop3A_654 = vector.broadcast %parallel_loop3A_653 : i32 to vector<16xi32>
        %parallel_loop3A_655 = arith.addi %parallel_loop3A_648, %parallel_loop3A_654 : vector<16xi32>
        %parallel_loop3A_656 = tpu.vector_load_idx %arg15[%parallel_loop3A_655] : memref<1968xf32, #tpu.memory_space<vmem>>[vector<16xi32>], vector<16xf32>,
        %parallel_loop3A_657 = arith.constant 328 : i32
        %parallel_loop3A_658 = vector.broadcast %parallel_loop3A_657 : i32 to vector<16xi32>
        %parallel_loop3A_659 = arith.addi %parallel_loop3A_648, %parallel_loop3A_658 : vector<16xi32>
        %parallel_loop3A_660 = tpu.vector_load_idx %arg15[%parallel_loop3A_659] : memref<1968xf32, #tpu.memory_space<vmem>>[vector<16xi32>], vector<16xf32>,
        %parallel_loop3A_661 = arith.constant 492 : i32
        %parallel_loop3A_662 = vector.broadcast %parallel_loop3A_661 : i32 to vector<16xi32>
        %parallel_loop3A_663 = arith.addi %parallel_loop3A_648, %parallel_loop3A_662 : vector<16xi32>
        %parallel_loop3A_664 = tpu.vector_load_idx %arg15[%parallel_loop3A_663] : memref<1968xf32, #tpu.memory_space<vmem>>[vector<16xi32>], vector<16xf32>,
        %parallel_loop3A_665 = arith.constant 656 : i32
        %parallel_loop3A_666 = vector.broadcast %parallel_loop3A_665 : i32 to vector<16xi32>
        %parallel_loop3A_667 = arith.addi %parallel_loop3A_648, %parallel_loop3A_666 : vector<16xi32>
        %parallel_loop3A_668 = tpu.vector_load_idx %arg15[%parallel_loop3A_667] : memref<1968xf32, #tpu.memory_space<vmem>>[vector<16xi32>], vector<16xf32>,
        %parallel_loop3A_669 = arith.constant 820 : i32
        %parallel_loop3A_670 = vector.broadcast %parallel_loop3A_669 : i32 to vector<16xi32>
        %parallel_loop3A_671 = arith.addi %parallel_loop3A_648, %parallel_loop3A_670 : vector<16xi32>
        %parallel_loop3A_672 = tpu.vector_load_idx %arg15[%parallel_loop3A_671] : memref<1968xf32, #tpu.memory_space<vmem>>[vector<16xi32>], vector<16xf32>,
        %parallel_loop3A_673 = arith.constant 984 : i32
        %parallel_loop3A_674 = vector.broadcast %parallel_loop3A_673 : i32 to vector<16xi32>
        %parallel_loop3A_675 = arith.addi %parallel_loop3A_648, %parallel_loop3A_674 : vector<16xi32>
        %parallel_loop3A_676 = tpu.vector_load_idx %arg15[%parallel_loop3A_675] : memref<1968xf32, #tpu.memory_space<vmem>>[vector<16xi32>], vector<16xf32>,
        %parallel_loop3A_677 = arith.constant 1148 : i32
        %parallel_loop3A_678 = vector.broadcast %parallel_loop3A_677 : i32 to vector<16xi32>
        %parallel_loop3A_679 = arith.addi %parallel_loop3A_648, %parallel_loop3A_678 : vector<16xi32>
        %parallel_loop3A_680 = tpu.vector_load_idx %arg15[%parallel_loop3A_679] : memref<1968xf32, #tpu.memory_space<vmem>>[vector<16xi32>], vector<16xf32>,
        %parallel_loop3A_681 = arith.constant 1312 : i32
        %parallel_loop3A_682 = vector.broadcast %parallel_loop3A_681 : i32 to vector<16xi32>
        %parallel_loop3A_683 = arith.addi %parallel_loop3A_648, %parallel_loop3A_682 : vector<16xi32>
        %parallel_loop3A_684 = tpu.vector_load_idx %arg15[%parallel_loop3A_683] : memref<1968xf32, #tpu.memory_space<vmem>>[vector<16xi32>], vector<16xf32>,
        %parallel_loop3A_685 = arith.constant 1476 : i32
        %parallel_loop3A_686 = vector.broadcast %parallel_loop3A_685 : i32 to vector<16xi32>
        %parallel_loop3A_687 = arith.addi %parallel_loop3A_648, %parallel_loop3A_686 : vector<16xi32>
        %parallel_loop3A_688 = tpu.vector_load_idx %arg15[%parallel_loop3A_687] : memref<1968xf32, #tpu.memory_space<vmem>>[vector<16xi32>], vector<16xf32>,
        %parallel_loop3A_689 = arith.constant 1640 : i32
        %parallel_loop3A_690 = vector.broadcast %parallel_loop3A_689 : i32 to vector<16xi32>
        %parallel_loop3A_691 = arith.addi %parallel_loop3A_648, %parallel_loop3A_690 : vector<16xi32>
        %parallel_loop3A_692 = tpu.vector_load_idx %arg15[%parallel_loop3A_691] : memref<1968xf32, #tpu.memory_space<vmem>>[vector<16xi32>], vector<16xf32>,
        %parallel_loop3A_693 = arith.constant 1804 : i32
        %parallel_loop3A_694 = vector.broadcast %parallel_loop3A_693 : i32 to vector<16xi32>
        %parallel_loop3A_695 = arith.addi %parallel_loop3A_648, %parallel_loop3A_694 : vector<16xi32>
        %parallel_loop3A_696 = tpu.vector_load_idx %arg15[%parallel_loop3A_695] : memref<1968xf32, #tpu.memory_space<vmem>>[vector<16xi32>], vector<16xf32>,
        %parallel_loop3A_697 = arith.constant 0 : i32
        %parallel_loop3A_698 = arith.addi %parallel_loop3A_697, %parallel_loop3A_614 : i32
        %parallel_loop3A_699 = arith.index_cast %parallel_loop3A_698 : i32 to index
        %parallel_loop3A_700 = tpu.vector_load %arg17[%parallel_loop3A_699] {strides = array<i32>} : memref<24576xf32, #tpu.memory_space<vmem>>, vector<16xf32>,
        tpu.vector_store %arg17[%parallel_loop3A_699], %parallel_loop3A_652 {strides = array<i32>} : memref<24576xf32, #tpu.memory_space<vmem>>, vector<16xf32>,
        %parallel_loop3A_701 = arith.constant 2048 : i32
        %parallel_loop3A_702 = arith.addi %parallel_loop3A_701, %parallel_loop3A_614 : i32
        %parallel_loop3A_703 = arith.index_cast %parallel_loop3A_702 : i32 to index
        %parallel_loop3A_704 = tpu.vector_load %arg17[%parallel_loop3A_703] {strides = array<i32>} : memref<24576xf32, #tpu.memory_space<vmem>>, vector<16xf32>,
        tpu.vector_store %arg17[%parallel_loop3A_703], %parallel_loop3A_656 {strides = array<i32>} : memref<24576xf32, #tpu.memory_space<vmem>>, vector<16xf32>,
        %parallel_loop3A_705 = arith.constant 4096 : i32
        %parallel_loop3A_706 = arith.addi %parallel_loop3A_705, %parallel_loop3A_614 : i32
        %parallel_loop3A_707 = arith.index_cast %parallel_loop3A_706 : i32 to index
        %parallel_loop3A_708 = tpu.vector_load %arg17[%parallel_loop3A_707] {strides = array<i32>} : memref<24576xf32, #tpu.memory_space<vmem>>, vector<16xf32>,
        tpu.vector_store %arg17[%parallel_loop3A_707], %parallel_loop3A_660 {strides = array<i32>} : memref<24576xf32, #tpu.memory_space<vmem>>, vector<16xf32>,
        %parallel_loop3A_709 = arith.constant 6144 : i32
        %parallel_loop3A_710 = arith.addi %parallel_loop3A_709, %parallel_loop3A_614 : i32
        %parallel_loop3A_711 = arith.index_cast %parallel_loop3A_710 : i32 to index
        %parallel_loop3A_712 = tpu.vector_load %arg17[%parallel_loop3A_711] {strides = array<i32>} : memref<24576xf32, #tpu.memory_space<vmem>>, vector<16xf32>,
        tpu.vector_store %arg17[%parallel_loop3A_711], %parallel_loop3A_664 {strides = array<i32>} : memref<24576xf32, #tpu.memory_space<vmem>>, vector<16xf32>,
        %parallel_loop3A_713 = arith.constant 8192 : i32
        %parallel_loop3A_714 = arith.addi %parallel_loop3A_713, %parallel_loop3A_614 : i32
        %parallel_loop3A_715 = arith.index_cast %parallel_loop3A_714 : i32 to index
        %parallel_loop3A_716 = tpu.vector_load %arg17[%parallel_loop3A_715] {strides = array<i32>} : memref<24576xf32, #tpu.memory_space<vmem>>, vector<16xf32>,
        tpu.vector_store %arg17[%parallel_loop3A_715], %parallel_loop3A_668 {strides = array<i32>} : memref<24576xf32, #tpu.memory_space<vmem>>, vector<16xf32>,
        %parallel_loop3A_717 = arith.constant 10240 : i32
        %parallel_loop3A_718 = arith.addi %parallel_loop3A_717, %parallel_loop3A_614 : i32
        %parallel_loop3A_719 = arith.index_cast %parallel_loop3A_718 : i32 to index
        %parallel_loop3A_720 = tpu.vector_load %arg17[%parallel_loop3A_719] {strides = array<i32>} : memref<24576xf32, #tpu.memory_space<vmem>>, vector<16xf32>,
        tpu.vector_store %arg17[%parallel_loop3A_719], %parallel_loop3A_672 {strides = array<i32>} : memref<24576xf32, #tpu.memory_space<vmem>>, vector<16xf32>,
        %parallel_loop3A_721 = arith.constant 12288 : i32
        %parallel_loop3A_722 = arith.addi %parallel_loop3A_721, %parallel_loop3A_614 : i32
        %parallel_loop3A_723 = arith.index_cast %parallel_loop3A_722 : i32 to index
        %parallel_loop3A_724 = tpu.vector_load %arg17[%parallel_loop3A_723] {strides = array<i32>} : memref<24576xf32, #tpu.memory_space<vmem>>, vector<16xf32>,
        tpu.vector_store %arg17[%parallel_loop3A_723], %parallel_loop3A_676 {strides = array<i32>} : memref<24576xf32, #tpu.memory_space<vmem>>, vector<16xf32>,
        %parallel_loop3A_725 = arith.constant 14336 : i32
        %parallel_loop3A_726 = arith.addi %parallel_loop3A_725, %parallel_loop3A_614 : i32
        %parallel_loop3A_727 = arith.index_cast %parallel_loop3A_726 : i32 to index
        %parallel_loop3A_728 = tpu.vector_load %arg17[%parallel_loop3A_727] {strides = array<i32>} : memref<24576xf32, #tpu.memory_space<vmem>>, vector<16xf32>,
        tpu.vector_store %arg17[%parallel_loop3A_727], %parallel_loop3A_680 {strides = array<i32>} : memref<24576xf32, #tpu.memory_space<vmem>>, vector<16xf32>,
        %parallel_loop3A_729 = arith.constant 16384 : i32
        %parallel_loop3A_730 = arith.addi %parallel_loop3A_729, %parallel_loop3A_614 : i32
        %parallel_loop3A_731 = arith.index_cast %parallel_loop3A_730 : i32 to index
        %parallel_loop3A_732 = tpu.vector_load %arg17[%parallel_loop3A_731] {strides = array<i32>} : memref<24576xf32, #tpu.memory_space<vmem>>, vector<16xf32>,
        tpu.vector_store %arg17[%parallel_loop3A_731], %parallel_loop3A_684 {strides = array<i32>} : memref<24576xf32, #tpu.memory_space<vmem>>, vector<16xf32>,
        %parallel_loop3A_733 = arith.constant 18432 : i32
        %parallel_loop3A_734 = arith.addi %parallel_loop3A_733, %parallel_loop3A_614 : i32
        %parallel_loop3A_735 = arith.index_cast %parallel_loop3A_734 : i32 to index
        %parallel_loop3A_736 = tpu.vector_load %arg17[%parallel_loop3A_735] {strides = array<i32>} : memref<24576xf32, #tpu.memory_space<vmem>>, vector<16xf32>,
        tpu.vector_store %arg17[%parallel_loop3A_735], %parallel_loop3A_688 {strides = array<i32>} : memref<24576xf32, #tpu.memory_space<vmem>>, vector<16xf32>,
        %parallel_loop3A_737 = arith.constant 20480 : i32
        %parallel_loop3A_738 = arith.addi %parallel_loop3A_737, %parallel_loop3A_614 : i32
        %parallel_loop3A_739 = arith.index_cast %parallel_loop3A_738 : i32 to index
        %parallel_loop3A_740 = tpu.vector_load %arg17[%parallel_loop3A_739] {strides = array<i32>} : memref<24576xf32, #tpu.memory_space<vmem>>, vector<16xf32>,
        tpu.vector_store %arg17[%parallel_loop3A_739], %parallel_loop3A_692 {strides = array<i32>} : memref<24576xf32, #tpu.memory_space<vmem>>, vector<16xf32>,
        %parallel_loop3A_741 = arith.constant 22528 : i32
        %parallel_loop3A_742 = arith.addi %parallel_loop3A_741, %parallel_loop3A_614 : i32
        %parallel_loop3A_743 = arith.index_cast %parallel_loop3A_742 : i32 to index
        %parallel_loop3A_744 = tpu.vector_load %arg17[%parallel_loop3A_743] {strides = array<i32>} : memref<24576xf32, #tpu.memory_space<vmem>>, vector<16xf32>,
        tpu.vector_store %arg17[%parallel_loop3A_743], %parallel_loop3A_696 {strides = array<i32>} : memref<24576xf32, #tpu.memory_space<vmem>>, vector<16xf32>,
      } {sc.loop_unroll_factor = 2 : i64, sc.parallel_access}
      %mul3A_474 = arith.constant 2 : i32
      %mul3A_475 = arith.muli %mul3A_474, %scan3A_311 : i32
      %add3A_476 = arith.constant 1 : i32
      %add3A_477 = arith.addi %mul3A_475, %add3A_476 : i32
      %add3A_478 = arith.addi %mul3A_32, %add3A_477 : i32
      %dma_start3A_479 = arith.constant 0 : i32
      %dma_start3A_480 = arith.constant 0 : i32
      %dma_start3A_481 = tpu.memref_slice %arg17[%dma_start3A_480] : memref<24576xf32, #tpu.memory_space<vmem>> -> memref<2048xf32, #tpu.memory_space<vmem>>
      %dma_start3A_482 = arith.constant 0 : i32
      %dma_start3A_483 = tpu.memref_slice %arg8[%select_n3A, %dma_start3A_479, %add3A_478, %dma_start3A_482] : memref<2x12x2048x2048xf32, #tpu.memory_space<hbm>> -> memref<1x1x1x2048xf32, #tpu.memory_space<hbm>>
      %dma_start3A_484 = tpu.memref_squeeze %dma_start3A_483 : memref<1x1x1x2048xf32, #tpu.memory_space<hbm>> -> memref<2048xf32, #tpu.memory_space<hbm>>
      %dma_start3A_485 = arith.constant 0 : i32
      %dma_start3A_486 = tpu.memref_slice %arg8[%select_n3A, %dma_start3A_479, %add3A_478, %dma_start3A_485] : memref<2x12x2048x2048xf32, #tpu.memory_space<hbm>> -> memref<1x1x1x2048xf32, #tpu.memory_space<hbm>>
      %dma_start3A_487 = tpu.memref_squeeze %dma_start3A_486 : memref<1x1x1x2048xf32, #tpu.memory_space<hbm>> -> memref<2048xf32, #tpu.memory_space<hbm>>
      %dma_start3A_488 = arith.constant 0 : i32
      %dma_start3A_489 = tpu.memref_slice %arg17[%dma_start3A_488] : memref<24576xf32, #tpu.memory_space<vmem>> -> memref<2048xf32, #tpu.memory_space<vmem>>
      tpu.enqueue_dma source(%dma_start3A_489 : memref<2048xf32, #tpu.memory_space<vmem>>) target(%dma_start3A_487 : memref<2048xf32, #tpu.memory_space<hbm>>) target_semaphore(%arg19 : memref<!tpu.dma_semaphore, #tpu.memory_space<semaphore_mem>>)
      %dma_start3A_490 = arith.constant 1 : i32
      %dma_start3A_491 = arith.constant 2048 : i32
      %dma_start3A_492 = tpu.memref_slice %arg17[%dma_start3A_491] : memref<24576xf32, #tpu.memory_space<vmem>> -> memref<2048xf32, #tpu.memory_space<vmem>>
      %dma_start3A_493 = arith.constant 0 : i32
      %dma_start3A_494 = tpu.memref_slice %arg8[%select_n3A, %dma_start3A_490, %add3A_478, %dma_start3A_493] : memref<2x12x2048x2048xf32, #tpu.memory_space<hbm>> -> memref<1x1x1x2048xf32, #tpu.memory_space<hbm>>
      %dma_start3A_495 = tpu.memref_squeeze %dma_start3A_494 : memref<1x1x1x2048xf32, #tpu.memory_space<hbm>> -> memref<2048xf32, #tpu.memory_space<hbm>>
      %dma_start3A_496 = arith.constant 0 : i32
      %dma_start3A_497 = tpu.memref_slice %arg8[%select_n3A, %dma_start3A_490, %add3A_478, %dma_start3A_496] : memref<2x12x2048x2048xf32, #tpu.memory_space<hbm>> -> memref<1x1x1x2048xf32, #tpu.memory_space<hbm>>
      %dma_start3A_498 = tpu.memref_squeeze %dma_start3A_497 : memref<1x1x1x2048xf32, #tpu.memory_space<hbm>> -> memref<2048xf32, #tpu.memory_space<hbm>>
      %dma_start3A_499 = arith.constant 2048 : i32
      %dma_start3A_500 = tpu.memref_slice %arg17[%dma_start3A_499] : memref<24576xf32, #tpu.memory_space<vmem>> -> memref<2048xf32, #tpu.memory_space<vmem>>
      tpu.enqueue_dma source(%dma_start3A_500 : memref<2048xf32, #tpu.memory_space<vmem>>) target(%dma_start3A_498 : memref<2048xf32, #tpu.memory_space<hbm>>) target_semaphore(%arg19 : memref<!tpu.dma_semaphore, #tpu.memory_space<semaphore_mem>>)
      %dma_start3A_501 = arith.constant 2 : i32
      %dma_start3A_502 = arith.constant 4096 : i32
      %dma_start3A_503 = tpu.memref_slice %arg17[%dma_start3A_502] : memref<24576xf32, #tpu.memory_space<vmem>> -> memref<2048xf32, #tpu.memory_space<vmem>>
      %dma_start3A_504 = arith.constant 0 : i32
      %dma_start3A_505 = tpu.memref_slice %arg8[%select_n3A, %dma_start3A_501, %add3A_478, %dma_start3A_504] : memref<2x12x2048x2048xf32, #tpu.memory_space<hbm>> -> memref<1x1x1x2048xf32, #tpu.memory_space<hbm>>
      %dma_start3A_506 = tpu.memref_squeeze %dma_start3A_505 : memref<1x1x1x2048xf32, #tpu.memory_space<hbm>> -> memref<2048xf32, #tpu.memory_space<hbm>>
      %dma_start3A_507 = arith.constant 0 : i32
      %dma_start3A_508 = tpu.memref_slice %arg8[%select_n3A, %dma_start3A_501, %add3A_478, %dma_start3A_507] : memref<2x12x2048x2048xf32, #tpu.memory_space<hbm>> -> memref<1x1x1x2048xf32, #tpu.memory_space<hbm>>
      %dma_start3A_509 = tpu.memref_squeeze %dma_start3A_508 : memref<1x1x1x2048xf32, #tpu.memory_space<hbm>> -> memref<2048xf32, #tpu.memory_space<hbm>>
      %dma_start3A_510 = arith.constant 4096 : i32
      %dma_start3A_511 = tpu.memref_slice %arg17[%dma_start3A_510] : memref<24576xf32, #tpu.memory_space<vmem>> -> memref<2048xf32, #tpu.memory_space<vmem>>
      tpu.enqueue_dma source(%dma_start3A_511 : memref<2048xf32, #tpu.memory_space<vmem>>) target(%dma_start3A_509 : memref<2048xf32, #tpu.memory_space<hbm>>) target_semaphore(%arg19 : memref<!tpu.dma_semaphore, #tpu.memory_space<semaphore_mem>>)
      %dma_start3A_512 = arith.constant 3 : i32
      %dma_start3A_513 = arith.constant 6144 : i32
      %dma_start3A_514 = tpu.memref_slice %arg17[%dma_start3A_513] : memref<24576xf32, #tpu.memory_space<vmem>> -> memref<2048xf32, #tpu.memory_space<vmem>>
      %dma_start3A_515 = arith.constant 0 : i32
      %dma_start3A_516 = tpu.memref_slice %arg8[%select_n3A, %dma_start3A_512, %add3A_478, %dma_start3A_515] : memref<2x12x2048x2048xf32, #tpu.memory_space<hbm>> -> memref<1x1x1x2048xf32, #tpu.memory_space<hbm>>
      %dma_start3A_517 = tpu.memref_squeeze %dma_start3A_516 : memref<1x1x1x2048xf32, #tpu.memory_space<hbm>> -> memref<2048xf32, #tpu.memory_space<hbm>>
      %dma_start3A_518 = arith.constant 0 : i32
      %dma_start3A_519 = tpu.memref_slice %arg8[%select_n3A, %dma_start3A_512, %add3A_478, %dma_start3A_518] : memref<2x12x2048x2048xf32, #tpu.memory_space<hbm>> -> memref<1x1x1x2048xf32, #tpu.memory_space<hbm>>
      %dma_start3A_520 = tpu.memref_squeeze %dma_start3A_519 : memref<1x1x1x2048xf32, #tpu.memory_space<hbm>> -> memref<2048xf32, #tpu.memory_space<hbm>>
      %dma_start3A_521 = arith.constant 6144 : i32
      %dma_start3A_522 = tpu.memref_slice %arg17[%dma_start3A_521] : memref<24576xf32, #tpu.memory_space<vmem>> -> memref<2048xf32, #tpu.memory_space<vmem>>
      tpu.enqueue_dma source(%dma_start3A_522 : memref<2048xf32, #tpu.memory_space<vmem>>) target(%dma_start3A_520 : memref<2048xf32, #tpu.memory_space<hbm>>) target_semaphore(%arg19 : memref<!tpu.dma_semaphore, #tpu.memory_space<semaphore_mem>>)
      %dma_start3A_523 = arith.constant 4 : i32
      %dma_start3A_524 = arith.constant 8192 : i32
      %dma_start3A_525 = tpu.memref_slice %arg17[%dma_start3A_524] : memref<24576xf32, #tpu.memory_space<vmem>> -> memref<2048xf32, #tpu.memory_space<vmem>>
      %dma_start3A_526 = arith.constant 0 : i32
      %dma_start3A_527 = tpu.memref_slice %arg8[%select_n3A, %dma_start3A_523, %add3A_478, %dma_start3A_526] : memref<2x12x2048x2048xf32, #tpu.memory_space<hbm>> -> memref<1x1x1x2048xf32, #tpu.memory_space<hbm>>
      %dma_start3A_528 = tpu.memref_squeeze %dma_start3A_527 : memref<1x1x1x2048xf32, #tpu.memory_space<hbm>> -> memref<2048xf32, #tpu.memory_space<hbm>>
      %dma_start3A_529 = arith.constant 0 : i32
      %dma_start3A_530 = tpu.memref_slice %arg8[%select_n3A, %dma_start3A_523, %add3A_478, %dma_start3A_529] : memref<2x12x2048x2048xf32, #tpu.memory_space<hbm>> -> memref<1x1x1x2048xf32, #tpu.memory_space<hbm>>
      %dma_start3A_531 = tpu.memref_squeeze %dma_start3A_530 : memref<1x1x1x2048xf32, #tpu.memory_space<hbm>> -> memref<2048xf32, #tpu.memory_space<hbm>>
      %dma_start3A_532 = arith.constant 8192 : i32
      %dma_start3A_533 = tpu.memref_slice %arg17[%dma_start3A_532] : memref<24576xf32, #tpu.memory_space<vmem>> -> memref<2048xf32, #tpu.memory_space<vmem>>
      tpu.enqueue_dma source(%dma_start3A_533 : memref<2048xf32, #tpu.memory_space<vmem>>) target(%dma_start3A_531 : memref<2048xf32, #tpu.memory_space<hbm>>) target_semaphore(%arg19 : memref<!tpu.dma_semaphore, #tpu.memory_space<semaphore_mem>>)
      %dma_start3A_534 = arith.constant 5 : i32
      %dma_start3A_535 = arith.constant 10240 : i32
      %dma_start3A_536 = tpu.memref_slice %arg17[%dma_start3A_535] : memref<24576xf32, #tpu.memory_space<vmem>> -> memref<2048xf32, #tpu.memory_space<vmem>>
      %dma_start3A_537 = arith.constant 0 : i32
      %dma_start3A_538 = tpu.memref_slice %arg8[%select_n3A, %dma_start3A_534, %add3A_478, %dma_start3A_537] : memref<2x12x2048x2048xf32, #tpu.memory_space<hbm>> -> memref<1x1x1x2048xf32, #tpu.memory_space<hbm>>
      %dma_start3A_539 = tpu.memref_squeeze %dma_start3A_538 : memref<1x1x1x2048xf32, #tpu.memory_space<hbm>> -> memref<2048xf32, #tpu.memory_space<hbm>>
      %dma_start3A_540 = arith.constant 0 : i32
      %dma_start3A_541 = tpu.memref_slice %arg8[%select_n3A, %dma_start3A_534, %add3A_478, %dma_start3A_540] : memref<2x12x2048x2048xf32, #tpu.memory_space<hbm>> -> memref<1x1x1x2048xf32, #tpu.memory_space<hbm>>
      %dma_start3A_542 = tpu.memref_squeeze %dma_start3A_541 : memref<1x1x1x2048xf32, #tpu.memory_space<hbm>> -> memref<2048xf32, #tpu.memory_space<hbm>>
      %dma_start3A_543 = arith.constant 10240 : i32
      %dma_start3A_544 = tpu.memref_slice %arg17[%dma_start3A_543] : memref<24576xf32, #tpu.memory_space<vmem>> -> memref<2048xf32, #tpu.memory_space<vmem>>
      tpu.enqueue_dma source(%dma_start3A_544 : memref<2048xf32, #tpu.memory_space<vmem>>) target(%dma_start3A_542 : memref<2048xf32, #tpu.memory_space<hbm>>) target_semaphore(%arg19 : memref<!tpu.dma_semaphore, #tpu.memory_space<semaphore_mem>>)
      %dma_start3A_545 = arith.constant 6 : i32
      %dma_start3A_546 = arith.constant 12288 : i32
      %dma_start3A_547 = tpu.memref_slice %arg17[%dma_start3A_546] : memref<24576xf32, #tpu.memory_space<vmem>> -> memref<2048xf32, #tpu.memory_space<vmem>>
      %dma_start3A_548 = arith.constant 0 : i32
      %dma_start3A_549 = tpu.memref_slice %arg8[%select_n3A, %dma_start3A_545, %add3A_478, %dma_start3A_548] : memref<2x12x2048x2048xf32, #tpu.memory_space<hbm>> -> memref<1x1x1x2048xf32, #tpu.memory_space<hbm>>
      %dma_start3A_550 = tpu.memref_squeeze %dma_start3A_549 : memref<1x1x1x2048xf32, #tpu.memory_space<hbm>> -> memref<2048xf32, #tpu.memory_space<hbm>>
      %dma_start3A_551 = arith.constant 0 : i32
      %dma_start3A_552 = tpu.memref_slice %arg8[%select_n3A, %dma_start3A_545, %add3A_478, %dma_start3A_551] : memref<2x12x2048x2048xf32, #tpu.memory_space<hbm>> -> memref<1x1x1x2048xf32, #tpu.memory_space<hbm>>
      %dma_start3A_553 = tpu.memref_squeeze %dma_start3A_552 : memref<1x1x1x2048xf32, #tpu.memory_space<hbm>> -> memref<2048xf32, #tpu.memory_space<hbm>>
      %dma_start3A_554 = arith.constant 12288 : i32
      %dma_start3A_555 = tpu.memref_slice %arg17[%dma_start3A_554] : memref<24576xf32, #tpu.memory_space<vmem>> -> memref<2048xf32, #tpu.memory_space<vmem>>
      tpu.enqueue_dma source(%dma_start3A_555 : memref<2048xf32, #tpu.memory_space<vmem>>) target(%dma_start3A_553 : memref<2048xf32, #tpu.memory_space<hbm>>) target_semaphore(%arg19 : memref<!tpu.dma_semaphore, #tpu.memory_space<semaphore_mem>>)
      %dma_start3A_556 = arith.constant 7 : i32
      %dma_start3A_557 = arith.constant 14336 : i32
      %dma_start3A_558 = tpu.memref_slice %arg17[%dma_start3A_557] : memref<24576xf32, #tpu.memory_space<vmem>> -> memref<2048xf32, #tpu.memory_space<vmem>>
      %dma_start3A_559 = arith.constant 0 : i32
      %dma_start3A_560 = tpu.memref_slice %arg8[%select_n3A, %dma_start3A_556, %add3A_478, %dma_start3A_559] : memref<2x12x2048x2048xf32, #tpu.memory_space<hbm>> -> memref<1x1x1x2048xf32, #tpu.memory_space<hbm>>
      %dma_start3A_561 = tpu.memref_squeeze %dma_start3A_560 : memref<1x1x1x2048xf32, #tpu.memory_space<hbm>> -> memref<2048xf32, #tpu.memory_space<hbm>>
      %dma_start3A_562 = arith.constant 0 : i32
      %dma_start3A_563 = tpu.memref_slice %arg8[%select_n3A, %dma_start3A_556, %add3A_478, %dma_start3A_562] : memref<2x12x2048x2048xf32, #tpu.memory_space<hbm>> -> memref<1x1x1x2048xf32, #tpu.memory_space<hbm>>
      %dma_start3A_564 = tpu.memref_squeeze %dma_start3A_563 : memref<1x1x1x2048xf32, #tpu.memory_space<hbm>> -> memref<2048xf32, #tpu.memory_space<hbm>>
      %dma_start3A_565 = arith.constant 14336 : i32
      %dma_start3A_566 = tpu.memref_slice %arg17[%dma_start3A_565] : memref<24576xf32, #tpu.memory_space<vmem>> -> memref<2048xf32, #tpu.memory_space<vmem>>
      tpu.enqueue_dma source(%dma_start3A_566 : memref<2048xf32, #tpu.memory_space<vmem>>) target(%dma_start3A_564 : memref<2048xf32, #tpu.memory_space<hbm>>) target_semaphore(%arg19 : memref<!tpu.dma_semaphore, #tpu.memory_space<semaphore_mem>>)
      %dma_start3A_567 = arith.constant 8 : i32
      %dma_start3A_568 = arith.constant 16384 : i32
      %dma_start3A_569 = tpu.memref_slice %arg17[%dma_start3A_568] : memref<24576xf32, #tpu.memory_space<vmem>> -> memref<2048xf32, #tpu.memory_space<vmem>>
      %dma_start3A_570 = arith.constant 0 : i32
      %dma_start3A_571 = tpu.memref_slice %arg8[%select_n3A, %dma_start3A_567, %add3A_478, %dma_start3A_570] : memref<2x12x2048x2048xf32, #tpu.memory_space<hbm>> -> memref<1x1x1x2048xf32, #tpu.memory_space<hbm>>
      %dma_start3A_572 = tpu.memref_squeeze %dma_start3A_571 : memref<1x1x1x2048xf32, #tpu.memory_space<hbm>> -> memref<2048xf32, #tpu.memory_space<hbm>>
      %dma_start3A_573 = arith.constant 0 : i32
      %dma_start3A_574 = tpu.memref_slice %arg8[%select_n3A, %dma_start3A_567, %add3A_478, %dma_start3A_573] : memref<2x12x2048x2048xf32, #tpu.memory_space<hbm>> -> memref<1x1x1x2048xf32, #tpu.memory_space<hbm>>
      %dma_start3A_575 = tpu.memref_squeeze %dma_start3A_574 : memref<1x1x1x2048xf32, #tpu.memory_space<hbm>> -> memref<2048xf32, #tpu.memory_space<hbm>>
      %dma_start3A_576 = arith.constant 16384 : i32
      %dma_start3A_577 = tpu.memref_slice %arg17[%dma_start3A_576] : memref<24576xf32, #tpu.memory_space<vmem>> -> memref<2048xf32, #tpu.memory_space<vmem>>
      tpu.enqueue_dma source(%dma_start3A_577 : memref<2048xf32, #tpu.memory_space<vmem>>) target(%dma_start3A_575 : memref<2048xf32, #tpu.memory_space<hbm>>) target_semaphore(%arg19 : memref<!tpu.dma_semaphore, #tpu.memory_space<semaphore_mem>>)
      %dma_start3A_578 = arith.constant 9 : i32
      %dma_start3A_579 = arith.constant 18432 : i32
      %dma_start3A_580 = tpu.memref_slice %arg17[%dma_start3A_579] : memref<24576xf32, #tpu.memory_space<vmem>> -> memref<2048xf32, #tpu.memory_space<vmem>>
      %dma_start3A_581 = arith.constant 0 : i32
      %dma_start3A_582 = tpu.memref_slice %arg8[%select_n3A, %dma_start3A_578, %add3A_478, %dma_start3A_581] : memref<2x12x2048x2048xf32, #tpu.memory_space<hbm>> -> memref<1x1x1x2048xf32, #tpu.memory_space<hbm>>
      %dma_start3A_583 = tpu.memref_squeeze %dma_start3A_582 : memref<1x1x1x2048xf32, #tpu.memory_space<hbm>> -> memref<2048xf32, #tpu.memory_space<hbm>>
      %dma_start3A_584 = arith.constant 0 : i32
      %dma_start3A_585 = tpu.memref_slice %arg8[%select_n3A, %dma_start3A_578, %add3A_478, %dma_start3A_584] : memref<2x12x2048x2048xf32, #tpu.memory_space<hbm>> -> memref<1x1x1x2048xf32, #tpu.memory_space<hbm>>
      %dma_start3A_586 = tpu.memref_squeeze %dma_start3A_585 : memref<1x1x1x2048xf32, #tpu.memory_space<hbm>> -> memref<2048xf32, #tpu.memory_space<hbm>>
      %dma_start3A_587 = arith.constant 18432 : i32
      %dma_start3A_588 = tpu.memref_slice %arg17[%dma_start3A_587] : memref<24576xf32, #tpu.memory_space<vmem>> -> memref<2048xf32, #tpu.memory_space<vmem>>
      tpu.enqueue_dma source(%dma_start3A_588 : memref<2048xf32, #tpu.memory_space<vmem>>) target(%dma_start3A_586 : memref<2048xf32, #tpu.memory_space<hbm>>) target_semaphore(%arg19 : memref<!tpu.dma_semaphore, #tpu.memory_space<semaphore_mem>>)
      %dma_start3A_589 = arith.constant 10 : i32
      %dma_start3A_590 = arith.constant 20480 : i32
      %dma_start3A_591 = tpu.memref_slice %arg17[%dma_start3A_590] : memref<24576xf32, #tpu.memory_space<vmem>> -> memref<2048xf32, #tpu.memory_space<vmem>>
      %dma_start3A_592 = arith.constant 0 : i32
      %dma_start3A_593 = tpu.memref_slice %arg8[%select_n3A, %dma_start3A_589, %add3A_478, %dma_start3A_592] : memref<2x12x2048x2048xf32, #tpu.memory_space<hbm>> -> memref<1x1x1x2048xf32, #tpu.memory_space<hbm>>
      %dma_start3A_594 = tpu.memref_squeeze %dma_start3A_593 : memref<1x1x1x2048xf32, #tpu.memory_space<hbm>> -> memref<2048xf32, #tpu.memory_space<hbm>>
      %dma_start3A_595 = arith.constant 0 : i32
      %dma_start3A_596 = tpu.memref_slice %arg8[%select_n3A, %dma_start3A_589, %add3A_478, %dma_start3A_595] : memref<2x12x2048x2048xf32, #tpu.memory_space<hbm>> -> memref<1x1x1x2048xf32, #tpu.memory_space<hbm>>
      %dma_start3A_597 = tpu.memref_squeeze %dma_start3A_596 : memref<1x1x1x2048xf32, #tpu.memory_space<hbm>> -> memref<2048xf32, #tpu.memory_space<hbm>>
      %dma_start3A_598 = arith.constant 20480 : i32
      %dma_start3A_599 = tpu.memref_slice %arg17[%dma_start3A_598] : memref<24576xf32, #tpu.memory_space<vmem>> -> memref<2048xf32, #tpu.memory_space<vmem>>
      tpu.enqueue_dma source(%dma_start3A_599 : memref<2048xf32, #tpu.memory_space<vmem>>) target(%dma_start3A_597 : memref<2048xf32, #tpu.memory_space<hbm>>) target_semaphore(%arg19 : memref<!tpu.dma_semaphore, #tpu.memory_space<semaphore_mem>>)
      %dma_start3A_600 = arith.constant 11 : i32
      %dma_start3A_601 = arith.constant 22528 : i32
      %dma_start3A_602 = tpu.memref_slice %arg17[%dma_start3A_601] : memref<24576xf32, #tpu.memory_space<vmem>> -> memref<2048xf32, #tpu.memory_space<vmem>>
      %dma_start3A_603 = arith.constant 0 : i32
      %dma_start3A_604 = tpu.memref_slice %arg8[%select_n3A, %dma_start3A_600, %add3A_478, %dma_start3A_603] : memref<2x12x2048x2048xf32, #tpu.memory_space<hbm>> -> memref<1x1x1x2048xf32, #tpu.memory_space<hbm>>
      %dma_start3A_605 = tpu.memref_squeeze %dma_start3A_604 : memref<1x1x1x2048xf32, #tpu.memory_space<hbm>> -> memref<2048xf32, #tpu.memory_space<hbm>>
      %dma_start3A_606 = arith.constant 0 : i32
      %dma_start3A_607 = tpu.memref_slice %arg8[%select_n3A, %dma_start3A_600, %add3A_478, %dma_start3A_606] : memref<2x12x2048x2048xf32, #tpu.memory_space<hbm>> -> memref<1x1x1x2048xf32, #tpu.memory_space<hbm>>
      %dma_start3A_608 = tpu.memref_squeeze %dma_start3A_607 : memref<1x1x1x2048xf32, #tpu.memory_space<hbm>> -> memref<2048xf32, #tpu.memory_space<hbm>>
      %dma_start3A_609 = arith.constant 22528 : i32
      %dma_start3A_610 = tpu.memref_slice %arg17[%dma_start3A_609] : memref<24576xf32, #tpu.memory_space<vmem>> -> memref<2048xf32, #tpu.memory_space<vmem>>
      tpu.enqueue_dma source(%dma_start3A_610 : memref<2048xf32, #tpu.memory_space<vmem>>) target(%dma_start3A_608 : memref<2048xf32, #tpu.memory_space<hbm>>) target_semaphore(%arg19 : memref<!tpu.dma_semaphore, #tpu.memory_space<semaphore_mem>>)
    }
    %scan3A_43 = arith.constant 64 : i32
    %add3A_44 = arith.constant 126 : i32
    %add3A_45 = arith.addi %mul3A_32, %add3A_44 : i32
    %dma_wait3A = arith.constant 0 : i32
    %dma_wait3A_46 = arith.constant 0 : i32
    %dma_wait3A_47 = tpu.memref_slice %arg16[%dma_wait3A_46] : memref<24576xf32, #tpu.memory_space<vmem>> -> memref<2048xf32, #tpu.memory_space<vmem>>
    %dma_wait3A_48 = arith.constant 0 : i32
    %dma_wait3A_49 = tpu.memref_slice %arg8[%select_n3A, %dma_wait3A, %add3A_45, %dma_wait3A_48] : memref<2x12x2048x2048xf32, #tpu.memory_space<hbm>> -> memref<1x1x1x2048xf32, #tpu.memory_space<hbm>>
    %dma_wait3A_50 = tpu.memref_squeeze %dma_wait3A_49 : memref<1x1x1x2048xf32, #tpu.memory_space<hbm>> -> memref<2048xf32, #tpu.memory_space<hbm>>
    %dma_wait3A_51 = arith.constant 0 : i32
    %dma_wait3A_52 = tpu.memref_slice %arg8[%select_n3A, %dma_wait3A, %add3A_45, %dma_wait3A_51] : memref<2x12x2048x2048xf32, #tpu.memory_space<hbm>> -> memref<1x1x1x2048xf32, #tpu.memory_space<hbm>>
    %dma_wait3A_53 = tpu.memref_squeeze %dma_wait3A_52 : memref<1x1x1x2048xf32, #tpu.memory_space<hbm>> -> memref<2048xf32, #tpu.memory_space<hbm>>
    %dma_wait3A_54 = arith.constant 0 : i32
    %dma_wait3A_55 = tpu.memref_slice %arg16[%dma_wait3A_54] : memref<24576xf32, #tpu.memory_space<vmem>> -> memref<2048xf32, #tpu.memory_space<vmem>>
    tpu.wait_dma2 semaphore(%arg18 : memref<!tpu.dma_semaphore, #tpu.memory_space<semaphore_mem>>) src(%dma_wait3A_55 : memref<2048xf32, #tpu.memory_space<vmem>>) dst(%dma_wait3A_53 : memref<2048xf32, #tpu.memory_space<hbm>>)
    %dma_wait3A_56 = arith.constant 1 : i32
    %dma_wait3A_57 = arith.constant 2048 : i32
    %dma_wait3A_58 = tpu.memref_slice %arg16[%dma_wait3A_57] : memref<24576xf32, #tpu.memory_space<vmem>> -> memref<2048xf32, #tpu.memory_space<vmem>>
    %dma_wait3A_59 = arith.constant 0 : i32
    %dma_wait3A_60 = tpu.memref_slice %arg8[%select_n3A, %dma_wait3A_56, %add3A_45, %dma_wait3A_59] : memref<2x12x2048x2048xf32, #tpu.memory_space<hbm>> -> memref<1x1x1x2048xf32, #tpu.memory_space<hbm>>
    %dma_wait3A_61 = tpu.memref_squeeze %dma_wait3A_60 : memref<1x1x1x2048xf32, #tpu.memory_space<hbm>> -> memref<2048xf32, #tpu.memory_space<hbm>>
    %dma_wait3A_62 = arith.constant 0 : i32
    %dma_wait3A_63 = tpu.memref_slice %arg8[%select_n3A, %dma_wait3A_56, %add3A_45, %dma_wait3A_62] : memref<2x12x2048x2048xf32, #tpu.memory_space<hbm>> -> memref<1x1x1x2048xf32, #tpu.memory_space<hbm>>
    %dma_wait3A_64 = tpu.memref_squeeze %dma_wait3A_63 : memref<1x1x1x2048xf32, #tpu.memory_space<hbm>> -> memref<2048xf32, #tpu.memory_space<hbm>>
    %dma_wait3A_65 = arith.constant 2048 : i32
    %dma_wait3A_66 = tpu.memref_slice %arg16[%dma_wait3A_65] : memref<24576xf32, #tpu.memory_space<vmem>> -> memref<2048xf32, #tpu.memory_space<vmem>>
    tpu.wait_dma2 semaphore(%arg18 : memref<!tpu.dma_semaphore, #tpu.memory_space<semaphore_mem>>) src(%dma_wait3A_66 : memref<2048xf32, #tpu.memory_space<vmem>>) dst(%dma_wait3A_64 : memref<2048xf32, #tpu.memory_space<hbm>>)
    %dma_wait3A_67 = arith.constant 2 : i32
    %dma_wait3A_68 = arith.constant 4096 : i32
    %dma_wait3A_69 = tpu.memref_slice %arg16[%dma_wait3A_68] : memref<24576xf32, #tpu.memory_space<vmem>> -> memref<2048xf32, #tpu.memory_space<vmem>>
    %dma_wait3A_70 = arith.constant 0 : i32
    %dma_wait3A_71 = tpu.memref_slice %arg8[%select_n3A, %dma_wait3A_67, %add3A_45, %dma_wait3A_70] : memref<2x12x2048x2048xf32, #tpu.memory_space<hbm>> -> memref<1x1x1x2048xf32, #tpu.memory_space<hbm>>
    %dma_wait3A_72 = tpu.memref_squeeze %dma_wait3A_71 : memref<1x1x1x2048xf32, #tpu.memory_space<hbm>> -> memref<2048xf32, #tpu.memory_space<hbm>>
    %dma_wait3A_73 = arith.constant 0 : i32
    %dma_wait3A_74 = tpu.memref_slice %arg8[%select_n3A, %dma_wait3A_67, %add3A_45, %dma_wait3A_73] : memref<2x12x2048x2048xf32, #tpu.memory_space<hbm>> -> memref<1x1x1x2048xf32, #tpu.memory_space<hbm>>
    %dma_wait3A_75 = tpu.memref_squeeze %dma_wait3A_74 : memref<1x1x1x2048xf32, #tpu.memory_space<hbm>> -> memref<2048xf32, #tpu.memory_space<hbm>>
    %dma_wait3A_76 = arith.constant 4096 : i32
    %dma_wait3A_77 = tpu.memref_slice %arg16[%dma_wait3A_76] : memref<24576xf32, #tpu.memory_space<vmem>> -> memref<2048xf32, #tpu.memory_space<vmem>>
    tpu.wait_dma2 semaphore(%arg18 : memref<!tpu.dma_semaphore, #tpu.memory_space<semaphore_mem>>) src(%dma_wait3A_77 : memref<2048xf32, #tpu.memory_space<vmem>>) dst(%dma_wait3A_75 : memref<2048xf32, #tpu.memory_space<hbm>>)
    %dma_wait3A_78 = arith.constant 3 : i32
    %dma_wait3A_79 = arith.constant 6144 : i32
    %dma_wait3A_80 = tpu.memref_slice %arg16[%dma_wait3A_79] : memref<24576xf32, #tpu.memory_space<vmem>> -> memref<2048xf32, #tpu.memory_space<vmem>>
    %dma_wait3A_81 = arith.constant 0 : i32
    %dma_wait3A_82 = tpu.memref_slice %arg8[%select_n3A, %dma_wait3A_78, %add3A_45, %dma_wait3A_81] : memref<2x12x2048x2048xf32, #tpu.memory_space<hbm>> -> memref<1x1x1x2048xf32, #tpu.memory_space<hbm>>
    %dma_wait3A_83 = tpu.memref_squeeze %dma_wait3A_82 : memref<1x1x1x2048xf32, #tpu.memory_space<hbm>> -> memref<2048xf32, #tpu.memory_space<hbm>>
    %dma_wait3A_84 = arith.constant 0 : i32
    %dma_wait3A_85 = tpu.memref_slice %arg8[%select_n3A, %dma_wait3A_78, %add3A_45, %dma_wait3A_84] : memref<2x12x2048x2048xf32, #tpu.memory_space<hbm>> -> memref<1x1x1x2048xf32, #tpu.memory_space<hbm>>
    %dma_wait3A_86 = tpu.memref_squeeze %dma_wait3A_85 : memref<1x1x1x2048xf32, #tpu.memory_space<hbm>> -> memref<2048xf32, #tpu.memory_space<hbm>>
    %dma_wait3A_87 = arith.constant 6144 : i32
    %dma_wait3A_88 = tpu.memref_slice %arg16[%dma_wait3A_87] : memref<24576xf32, #tpu.memory_space<vmem>> -> memref<2048xf32, #tpu.memory_space<vmem>>
    tpu.wait_dma2 semaphore(%arg18 : memref<!tpu.dma_semaphore, #tpu.memory_space<semaphore_mem>>) src(%dma_wait3A_88 : memref<2048xf32, #tpu.memory_space<vmem>>) dst(%dma_wait3A_86 : memref<2048xf32, #tpu.memory_space<hbm>>)
    %dma_wait3A_89 = arith.constant 4 : i32
    %dma_wait3A_90 = arith.constant 8192 : i32
    %dma_wait3A_91 = tpu.memref_slice %arg16[%dma_wait3A_90] : memref<24576xf32, #tpu.memory_space<vmem>> -> memref<2048xf32, #tpu.memory_space<vmem>>
    %dma_wait3A_92 = arith.constant 0 : i32
    %dma_wait3A_93 = tpu.memref_slice %arg8[%select_n3A, %dma_wait3A_89, %add3A_45, %dma_wait3A_92] : memref<2x12x2048x2048xf32, #tpu.memory_space<hbm>> -> memref<1x1x1x2048xf32, #tpu.memory_space<hbm>>
    %dma_wait3A_94 = tpu.memref_squeeze %dma_wait3A_93 : memref<1x1x1x2048xf32, #tpu.memory_space<hbm>> -> memref<2048xf32, #tpu.memory_space<hbm>>
    %dma_wait3A_95 = arith.constant 0 : i32
    %dma_wait3A_96 = tpu.memref_slice %arg8[%select_n3A, %dma_wait3A_89, %add3A_45, %dma_wait3A_95] : memref<2x12x2048x2048xf32, #tpu.memory_space<hbm>> -> memref<1x1x1x2048xf32, #tpu.memory_space<hbm>>
    %dma_wait3A_97 = tpu.memref_squeeze %dma_wait3A_96 : memref<1x1x1x2048xf32, #tpu.memory_space<hbm>> -> memref<2048xf32, #tpu.memory_space<hbm>>
    %dma_wait3A_98 = arith.constant 8192 : i32
    %dma_wait3A_99 = tpu.memref_slice %arg16[%dma_wait3A_98] : memref<24576xf32, #tpu.memory_space<vmem>> -> memref<2048xf32, #tpu.memory_space<vmem>>
    tpu.wait_dma2 semaphore(%arg18 : memref<!tpu.dma_semaphore, #tpu.memory_space<semaphore_mem>>) src(%dma_wait3A_99 : memref<2048xf32, #tpu.memory_space<vmem>>) dst(%dma_wait3A_97 : memref<2048xf32, #tpu.memory_space<hbm>>)
    %dma_wait3A_100 = arith.constant 5 : i32
    %dma_wait3A_101 = arith.constant 10240 : i32
    %dma_wait3A_102 = tpu.memref_slice %arg16[%dma_wait3A_101] : memref<24576xf32, #tpu.memory_space<vmem>> -> memref<2048xf32, #tpu.memory_space<vmem>>
    %dma_wait3A_103 = arith.constant 0 : i32
    %dma_wait3A_104 = tpu.memref_slice %arg8[%select_n3A, %dma_wait3A_100, %add3A_45, %dma_wait3A_103] : memref<2x12x2048x2048xf32, #tpu.memory_space<hbm>> -> memref<1x1x1x2048xf32, #tpu.memory_space<hbm>>
    %dma_wait3A_105 = tpu.memref_squeeze %dma_wait3A_104 : memref<1x1x1x2048xf32, #tpu.memory_space<hbm>> -> memref<2048xf32, #tpu.memory_space<hbm>>
    %dma_wait3A_106 = arith.constant 0 : i32
    %dma_wait3A_107 = tpu.memref_slice %arg8[%select_n3A, %dma_wait3A_100, %add3A_45, %dma_wait3A_106] : memref<2x12x2048x2048xf32, #tpu.memory_space<hbm>> -> memref<1x1x1x2048xf32, #tpu.memory_space<hbm>>
    %dma_wait3A_108 = tpu.memref_squeeze %dma_wait3A_107 : memref<1x1x1x2048xf32, #tpu.memory_space<hbm>> -> memref<2048xf32, #tpu.memory_space<hbm>>
    %dma_wait3A_109 = arith.constant 10240 : i32
    %dma_wait3A_110 = tpu.memref_slice %arg16[%dma_wait3A_109] : memref<24576xf32, #tpu.memory_space<vmem>> -> memref<2048xf32, #tpu.memory_space<vmem>>
    tpu.wait_dma2 semaphore(%arg18 : memref<!tpu.dma_semaphore, #tpu.memory_space<semaphore_mem>>) src(%dma_wait3A_110 : memref<2048xf32, #tpu.memory_space<vmem>>) dst(%dma_wait3A_108 : memref<2048xf32, #tpu.memory_space<hbm>>)
    %dma_wait3A_111 = arith.constant 6 : i32
    %dma_wait3A_112 = arith.constant 12288 : i32
    %dma_wait3A_113 = tpu.memref_slice %arg16[%dma_wait3A_112] : memref<24576xf32, #tpu.memory_space<vmem>> -> memref<2048xf32, #tpu.memory_space<vmem>>
    %dma_wait3A_114 = arith.constant 0 : i32
    %dma_wait3A_115 = tpu.memref_slice %arg8[%select_n3A, %dma_wait3A_111, %add3A_45, %dma_wait3A_114] : memref<2x12x2048x2048xf32, #tpu.memory_space<hbm>> -> memref<1x1x1x2048xf32, #tpu.memory_space<hbm>>
    %dma_wait3A_116 = tpu.memref_squeeze %dma_wait3A_115 : memref<1x1x1x2048xf32, #tpu.memory_space<hbm>> -> memref<2048xf32, #tpu.memory_space<hbm>>
    %dma_wait3A_117 = arith.constant 0 : i32
    %dma_wait3A_118 = tpu.memref_slice %arg8[%select_n3A, %dma_wait3A_111, %add3A_45, %dma_wait3A_117] : memref<2x12x2048x2048xf32, #tpu.memory_space<hbm>> -> memref<1x1x1x2048xf32, #tpu.memory_space<hbm>>
    %dma_wait3A_119 = tpu.memref_squeeze %dma_wait3A_118 : memref<1x1x1x2048xf32, #tpu.memory_space<hbm>> -> memref<2048xf32, #tpu.memory_space<hbm>>
    %dma_wait3A_120 = arith.constant 12288 : i32
    %dma_wait3A_121 = tpu.memref_slice %arg16[%dma_wait3A_120] : memref<24576xf32, #tpu.memory_space<vmem>> -> memref<2048xf32, #tpu.memory_space<vmem>>
    tpu.wait_dma2 semaphore(%arg18 : memref<!tpu.dma_semaphore, #tpu.memory_space<semaphore_mem>>) src(%dma_wait3A_121 : memref<2048xf32, #tpu.memory_space<vmem>>) dst(%dma_wait3A_119 : memref<2048xf32, #tpu.memory_space<hbm>>)
    %dma_wait3A_122 = arith.constant 7 : i32
    %dma_wait3A_123 = arith.constant 14336 : i32
    %dma_wait3A_124 = tpu.memref_slice %arg16[%dma_wait3A_123] : memref<24576xf32, #tpu.memory_space<vmem>> -> memref<2048xf32, #tpu.memory_space<vmem>>
    %dma_wait3A_125 = arith.constant 0 : i32
    %dma_wait3A_126 = tpu.memref_slice %arg8[%select_n3A, %dma_wait3A_122, %add3A_45, %dma_wait3A_125] : memref<2x12x2048x2048xf32, #tpu.memory_space<hbm>> -> memref<1x1x1x2048xf32, #tpu.memory_space<hbm>>
    %dma_wait3A_127 = tpu.memref_squeeze %dma_wait3A_126 : memref<1x1x1x2048xf32, #tpu.memory_space<hbm>> -> memref<2048xf32, #tpu.memory_space<hbm>>
    %dma_wait3A_128 = arith.constant 0 : i32
    %dma_wait3A_129 = tpu.memref_slice %arg8[%select_n3A, %dma_wait3A_122, %add3A_45, %dma_wait3A_128] : memref<2x12x2048x2048xf32, #tpu.memory_space<hbm>> -> memref<1x1x1x2048xf32, #tpu.memory_space<hbm>>
    %dma_wait3A_130 = tpu.memref_squeeze %dma_wait3A_129 : memref<1x1x1x2048xf32, #tpu.memory_space<hbm>> -> memref<2048xf32, #tpu.memory_space<hbm>>
    %dma_wait3A_131 = arith.constant 14336 : i32
    %dma_wait3A_132 = tpu.memref_slice %arg16[%dma_wait3A_131] : memref<24576xf32, #tpu.memory_space<vmem>> -> memref<2048xf32, #tpu.memory_space<vmem>>
    tpu.wait_dma2 semaphore(%arg18 : memref<!tpu.dma_semaphore, #tpu.memory_space<semaphore_mem>>) src(%dma_wait3A_132 : memref<2048xf32, #tpu.memory_space<vmem>>) dst(%dma_wait3A_130 : memref<2048xf32, #tpu.memory_space<hbm>>)
    %dma_wait3A_133 = arith.constant 8 : i32
    %dma_wait3A_134 = arith.constant 16384 : i32
    %dma_wait3A_135 = tpu.memref_slice %arg16[%dma_wait3A_134] : memref<24576xf32, #tpu.memory_space<vmem>> -> memref<2048xf32, #tpu.memory_space<vmem>>
    %dma_wait3A_136 = arith.constant 0 : i32
    %dma_wait3A_137 = tpu.memref_slice %arg8[%select_n3A, %dma_wait3A_133, %add3A_45, %dma_wait3A_136] : memref<2x12x2048x2048xf32, #tpu.memory_space<hbm>> -> memref<1x1x1x2048xf32, #tpu.memory_space<hbm>>
    %dma_wait3A_138 = tpu.memref_squeeze %dma_wait3A_137 : memref<1x1x1x2048xf32, #tpu.memory_space<hbm>> -> memref<2048xf32, #tpu.memory_space<hbm>>
    %dma_wait3A_139 = arith.constant 0 : i32
    %dma_wait3A_140 = tpu.memref_slice %arg8[%select_n3A, %dma_wait3A_133, %add3A_45, %dma_wait3A_139] : memref<2x12x2048x2048xf32, #tpu.memory_space<hbm>> -> memref<1x1x1x2048xf32, #tpu.memory_space<hbm>>
    %dma_wait3A_141 = tpu.memref_squeeze %dma_wait3A_140 : memref<1x1x1x2048xf32, #tpu.memory_space<hbm>> -> memref<2048xf32, #tpu.memory_space<hbm>>
    %dma_wait3A_142 = arith.constant 16384 : i32
    %dma_wait3A_143 = tpu.memref_slice %arg16[%dma_wait3A_142] : memref<24576xf32, #tpu.memory_space<vmem>> -> memref<2048xf32, #tpu.memory_space<vmem>>
    tpu.wait_dma2 semaphore(%arg18 : memref<!tpu.dma_semaphore, #tpu.memory_space<semaphore_mem>>) src(%dma_wait3A_143 : memref<2048xf32, #tpu.memory_space<vmem>>) dst(%dma_wait3A_141 : memref<2048xf32, #tpu.memory_space<hbm>>)
    %dma_wait3A_144 = arith.constant 9 : i32
    %dma_wait3A_145 = arith.constant 18432 : i32
    %dma_wait3A_146 = tpu.memref_slice %arg16[%dma_wait3A_145] : memref<24576xf32, #tpu.memory_space<vmem>> -> memref<2048xf32, #tpu.memory_space<vmem>>
    %dma_wait3A_147 = arith.constant 0 : i32
    %dma_wait3A_148 = tpu.memref_slice %arg8[%select_n3A, %dma_wait3A_144, %add3A_45, %dma_wait3A_147] : memref<2x12x2048x2048xf32, #tpu.memory_space<hbm>> -> memref<1x1x1x2048xf32, #tpu.memory_space<hbm>>
    %dma_wait3A_149 = tpu.memref_squeeze %dma_wait3A_148 : memref<1x1x1x2048xf32, #tpu.memory_space<hbm>> -> memref<2048xf32, #tpu.memory_space<hbm>>
    %dma_wait3A_150 = arith.constant 0 : i32
    %dma_wait3A_151 = tpu.memref_slice %arg8[%select_n3A, %dma_wait3A_144, %add3A_45, %dma_wait3A_150] : memref<2x12x2048x2048xf32, #tpu.memory_space<hbm>> -> memref<1x1x1x2048xf32, #tpu.memory_space<hbm>>
    %dma_wait3A_152 = tpu.memref_squeeze %dma_wait3A_151 : memref<1x1x1x2048xf32, #tpu.memory_space<hbm>> -> memref<2048xf32, #tpu.memory_space<hbm>>
    %dma_wait3A_153 = arith.constant 18432 : i32
    %dma_wait3A_154 = tpu.memref_slice %arg16[%dma_wait3A_153] : memref<24576xf32, #tpu.memory_space<vmem>> -> memref<2048xf32, #tpu.memory_space<vmem>>
    tpu.wait_dma2 semaphore(%arg18 : memref<!tpu.dma_semaphore, #tpu.memory_space<semaphore_mem>>) src(%dma_wait3A_154 : memref<2048xf32, #tpu.memory_space<vmem>>) dst(%dma_wait3A_152 : memref<2048xf32, #tpu.memory_space<hbm>>)
    %dma_wait3A_155 = arith.constant 10 : i32
    %dma_wait3A_156 = arith.constant 20480 : i32
    %dma_wait3A_157 = tpu.memref_slice %arg16[%dma_wait3A_156] : memref<24576xf32, #tpu.memory_space<vmem>> -> memref<2048xf32, #tpu.memory_space<vmem>>
    %dma_wait3A_158 = arith.constant 0 : i32
    %dma_wait3A_159 = tpu.memref_slice %arg8[%select_n3A, %dma_wait3A_155, %add3A_45, %dma_wait3A_158] : memref<2x12x2048x2048xf32, #tpu.memory_space<hbm>> -> memref<1x1x1x2048xf32, #tpu.memory_space<hbm>>
    %dma_wait3A_160 = tpu.memref_squeeze %dma_wait3A_159 : memref<1x1x1x2048xf32, #tpu.memory_space<hbm>> -> memref<2048xf32, #tpu.memory_space<hbm>>
    %dma_wait3A_161 = arith.constant 0 : i32
    %dma_wait3A_162 = tpu.memref_slice %arg8[%select_n3A, %dma_wait3A_155, %add3A_45, %dma_wait3A_161] : memref<2x12x2048x2048xf32, #tpu.memory_space<hbm>> -> memref<1x1x1x2048xf32, #tpu.memory_space<hbm>>
    %dma_wait3A_163 = tpu.memref_squeeze %dma_wait3A_162 : memref<1x1x1x2048xf32, #tpu.memory_space<hbm>> -> memref<2048xf32, #tpu.memory_space<hbm>>
    %dma_wait3A_164 = arith.constant 20480 : i32
    %dma_wait3A_165 = tpu.memref_slice %arg16[%dma_wait3A_164] : memref<24576xf32, #tpu.memory_space<vmem>> -> memref<2048xf32, #tpu.memory_space<vmem>>
    tpu.wait_dma2 semaphore(%arg18 : memref<!tpu.dma_semaphore, #tpu.memory_space<semaphore_mem>>) src(%dma_wait3A_165 : memref<2048xf32, #tpu.memory_space<vmem>>) dst(%dma_wait3A_163 : memref<2048xf32, #tpu.memory_space<hbm>>)
    %dma_wait3A_166 = arith.constant 11 : i32
    %dma_wait3A_167 = arith.constant 22528 : i32
    %dma_wait3A_168 = tpu.memref_slice %arg16[%dma_wait3A_167] : memref<24576xf32, #tpu.memory_space<vmem>> -> memref<2048xf32, #tpu.memory_space<vmem>>
    %dma_wait3A_169 = arith.constant 0 : i32
    %dma_wait3A_170 = tpu.memref_slice %arg8[%select_n3A, %dma_wait3A_166, %add3A_45, %dma_wait3A_169] : memref<2x12x2048x2048xf32, #tpu.memory_space<hbm>> -> memref<1x1x1x2048xf32, #tpu.memory_space<hbm>>
    %dma_wait3A_171 = tpu.memref_squeeze %dma_wait3A_170 : memref<1x1x1x2048xf32, #tpu.memory_space<hbm>> -> memref<2048xf32, #tpu.memory_space<hbm>>
    %dma_wait3A_172 = arith.constant 0 : i32
    %dma_wait3A_173 = tpu.memref_slice %arg8[%select_n3A, %dma_wait3A_166, %add3A_45, %dma_wait3A_172] : memref<2x12x2048x2048xf32, #tpu.memory_space<hbm>> -> memref<1x1x1x2048xf32, #tpu.memory_space<hbm>>
    %dma_wait3A_174 = tpu.memref_squeeze %dma_wait3A_173 : memref<1x1x1x2048xf32, #tpu.memory_space<hbm>> -> memref<2048xf32, #tpu.memory_space<hbm>>
    %dma_wait3A_175 = arith.constant 22528 : i32
    %dma_wait3A_176 = tpu.memref_slice %arg16[%dma_wait3A_175] : memref<24576xf32, #tpu.memory_space<vmem>> -> memref<2048xf32, #tpu.memory_space<vmem>>
    tpu.wait_dma2 semaphore(%arg18 : memref<!tpu.dma_semaphore, #tpu.memory_space<semaphore_mem>>) src(%dma_wait3A_176 : memref<2048xf32, #tpu.memory_space<vmem>>) dst(%dma_wait3A_174 : memref<2048xf32, #tpu.memory_space<hbm>>)
    %add3A_177 = arith.constant 127 : i32
    %add3A_178 = arith.addi %mul3A_32, %add3A_177 : i32
    %dma_wait3A_179 = arith.constant 0 : i32
    %dma_wait3A_180 = arith.constant 0 : i32
    %dma_wait3A_181 = tpu.memref_slice %arg17[%dma_wait3A_180] : memref<24576xf32, #tpu.memory_space<vmem>> -> memref<2048xf32, #tpu.memory_space<vmem>>
    %dma_wait3A_182 = arith.constant 0 : i32
    %dma_wait3A_183 = tpu.memref_slice %arg8[%select_n3A, %dma_wait3A_179, %add3A_178, %dma_wait3A_182] : memref<2x12x2048x2048xf32, #tpu.memory_space<hbm>> -> memref<1x1x1x2048xf32, #tpu.memory_space<hbm>>
    %dma_wait3A_184 = tpu.memref_squeeze %dma_wait3A_183 : memref<1x1x1x2048xf32, #tpu.memory_space<hbm>> -> memref<2048xf32, #tpu.memory_space<hbm>>
    %dma_wait3A_185 = arith.constant 0 : i32
    %dma_wait3A_186 = tpu.memref_slice %arg8[%select_n3A, %dma_wait3A_179, %add3A_178, %dma_wait3A_185] : memref<2x12x2048x2048xf32, #tpu.memory_space<hbm>> -> memref<1x1x1x2048xf32, #tpu.memory_space<hbm>>
    %dma_wait3A_187 = tpu.memref_squeeze %dma_wait3A_186 : memref<1x1x1x2048xf32, #tpu.memory_space<hbm>> -> memref<2048xf32, #tpu.memory_space<hbm>>
    %dma_wait3A_188 = arith.constant 0 : i32
    %dma_wait3A_189 = tpu.memref_slice %arg17[%dma_wait3A_188] : memref<24576xf32, #tpu.memory_space<vmem>> -> memref<2048xf32, #tpu.memory_space<vmem>>
    tpu.wait_dma2 semaphore(%arg19 : memref<!tpu.dma_semaphore, #tpu.memory_space<semaphore_mem>>) src(%dma_wait3A_189 : memref<2048xf32, #tpu.memory_space<vmem>>) dst(%dma_wait3A_187 : memref<2048xf32, #tpu.memory_space<hbm>>)
    %dma_wait3A_190 = arith.constant 1 : i32
    %dma_wait3A_191 = arith.constant 2048 : i32
    %dma_wait3A_192 = tpu.memref_slice %arg17[%dma_wait3A_191] : memref<24576xf32, #tpu.memory_space<vmem>> -> memref<2048xf32, #tpu.memory_space<vmem>>
    %dma_wait3A_193 = arith.constant 0 : i32
    %dma_wait3A_194 = tpu.memref_slice %arg8[%select_n3A, %dma_wait3A_190, %add3A_178, %dma_wait3A_193] : memref<2x12x2048x2048xf32, #tpu.memory_space<hbm>> -> memref<1x1x1x2048xf32, #tpu.memory_space<hbm>>
    %dma_wait3A_195 = tpu.memref_squeeze %dma_wait3A_194 : memref<1x1x1x2048xf32, #tpu.memory_space<hbm>> -> memref<2048xf32, #tpu.memory_space<hbm>>
    %dma_wait3A_196 = arith.constant 0 : i32
    %dma_wait3A_197 = tpu.memref_slice %arg8[%select_n3A, %dma_wait3A_190, %add3A_178, %dma_wait3A_196] : memref<2x12x2048x2048xf32, #tpu.memory_space<hbm>> -> memref<1x1x1x2048xf32, #tpu.memory_space<hbm>>
    %dma_wait3A_198 = tpu.memref_squeeze %dma_wait3A_197 : memref<1x1x1x2048xf32, #tpu.memory_space<hbm>> -> memref<2048xf32, #tpu.memory_space<hbm>>
    %dma_wait3A_199 = arith.constant 2048 : i32
    %dma_wait3A_200 = tpu.memref_slice %arg17[%dma_wait3A_199] : memref<24576xf32, #tpu.memory_space<vmem>> -> memref<2048xf32, #tpu.memory_space<vmem>>
    tpu.wait_dma2 semaphore(%arg19 : memref<!tpu.dma_semaphore, #tpu.memory_space<semaphore_mem>>) src(%dma_wait3A_200 : memref<2048xf32, #tpu.memory_space<vmem>>) dst(%dma_wait3A_198 : memref<2048xf32, #tpu.memory_space<hbm>>)
    %dma_wait3A_201 = arith.constant 2 : i32
    %dma_wait3A_202 = arith.constant 4096 : i32
    %dma_wait3A_203 = tpu.memref_slice %arg17[%dma_wait3A_202] : memref<24576xf32, #tpu.memory_space<vmem>> -> memref<2048xf32, #tpu.memory_space<vmem>>
    %dma_wait3A_204 = arith.constant 0 : i32
    %dma_wait3A_205 = tpu.memref_slice %arg8[%select_n3A, %dma_wait3A_201, %add3A_178, %dma_wait3A_204] : memref<2x12x2048x2048xf32, #tpu.memory_space<hbm>> -> memref<1x1x1x2048xf32, #tpu.memory_space<hbm>>
    %dma_wait3A_206 = tpu.memref_squeeze %dma_wait3A_205 : memref<1x1x1x2048xf32, #tpu.memory_space<hbm>> -> memref<2048xf32, #tpu.memory_space<hbm>>
    %dma_wait3A_207 = arith.constant 0 : i32
    %dma_wait3A_208 = tpu.memref_slice %arg8[%select_n3A, %dma_wait3A_201, %add3A_178, %dma_wait3A_207] : memref<2x12x2048x2048xf32, #tpu.memory_space<hbm>> -> memref<1x1x1x2048xf32, #tpu.memory_space<hbm>>
    %dma_wait3A_209 = tpu.memref_squeeze %dma_wait3A_208 : memref<1x1x1x2048xf32, #tpu.memory_space<hbm>> -> memref<2048xf32, #tpu.memory_space<hbm>>
    %dma_wait3A_210 = arith.constant 4096 : i32
    %dma_wait3A_211 = tpu.memref_slice %arg17[%dma_wait3A_210] : memref<24576xf32, #tpu.memory_space<vmem>> -> memref<2048xf32, #tpu.memory_space<vmem>>
    tpu.wait_dma2 semaphore(%arg19 : memref<!tpu.dma_semaphore, #tpu.memory_space<semaphore_mem>>) src(%dma_wait3A_211 : memref<2048xf32, #tpu.memory_space<vmem>>) dst(%dma_wait3A_209 : memref<2048xf32, #tpu.memory_space<hbm>>)
    %dma_wait3A_212 = arith.constant 3 : i32
    %dma_wait3A_213 = arith.constant 6144 : i32
    %dma_wait3A_214 = tpu.memref_slice %arg17[%dma_wait3A_213] : memref<24576xf32, #tpu.memory_space<vmem>> -> memref<2048xf32, #tpu.memory_space<vmem>>
    %dma_wait3A_215 = arith.constant 0 : i32
    %dma_wait3A_216 = tpu.memref_slice %arg8[%select_n3A, %dma_wait3A_212, %add3A_178, %dma_wait3A_215] : memref<2x12x2048x2048xf32, #tpu.memory_space<hbm>> -> memref<1x1x1x2048xf32, #tpu.memory_space<hbm>>
    %dma_wait3A_217 = tpu.memref_squeeze %dma_wait3A_216 : memref<1x1x1x2048xf32, #tpu.memory_space<hbm>> -> memref<2048xf32, #tpu.memory_space<hbm>>
    %dma_wait3A_218 = arith.constant 0 : i32
    %dma_wait3A_219 = tpu.memref_slice %arg8[%select_n3A, %dma_wait3A_212, %add3A_178, %dma_wait3A_218] : memref<2x12x2048x2048xf32, #tpu.memory_space<hbm>> -> memref<1x1x1x2048xf32, #tpu.memory_space<hbm>>
    %dma_wait3A_220 = tpu.memref_squeeze %dma_wait3A_219 : memref<1x1x1x2048xf32, #tpu.memory_space<hbm>> -> memref<2048xf32, #tpu.memory_space<hbm>>
    %dma_wait3A_221 = arith.constant 6144 : i32
    %dma_wait3A_222 = tpu.memref_slice %arg17[%dma_wait3A_221] : memref<24576xf32, #tpu.memory_space<vmem>> -> memref<2048xf32, #tpu.memory_space<vmem>>
    tpu.wait_dma2 semaphore(%arg19 : memref<!tpu.dma_semaphore, #tpu.memory_space<semaphore_mem>>) src(%dma_wait3A_222 : memref<2048xf32, #tpu.memory_space<vmem>>) dst(%dma_wait3A_220 : memref<2048xf32, #tpu.memory_space<hbm>>)
    %dma_wait3A_223 = arith.constant 4 : i32
    %dma_wait3A_224 = arith.constant 8192 : i32
    %dma_wait3A_225 = tpu.memref_slice %arg17[%dma_wait3A_224] : memref<24576xf32, #tpu.memory_space<vmem>> -> memref<2048xf32, #tpu.memory_space<vmem>>
    %dma_wait3A_226 = arith.constant 0 : i32
    %dma_wait3A_227 = tpu.memref_slice %arg8[%select_n3A, %dma_wait3A_223, %add3A_178, %dma_wait3A_226] : memref<2x12x2048x2048xf32, #tpu.memory_space<hbm>> -> memref<1x1x1x2048xf32, #tpu.memory_space<hbm>>
    %dma_wait3A_228 = tpu.memref_squeeze %dma_wait3A_227 : memref<1x1x1x2048xf32, #tpu.memory_space<hbm>> -> memref<2048xf32, #tpu.memory_space<hbm>>
    %dma_wait3A_229 = arith.constant 0 : i32
    %dma_wait3A_230 = tpu.memref_slice %arg8[%select_n3A, %dma_wait3A_223, %add3A_178, %dma_wait3A_229] : memref<2x12x2048x2048xf32, #tpu.memory_space<hbm>> -> memref<1x1x1x2048xf32, #tpu.memory_space<hbm>>
    %dma_wait3A_231 = tpu.memref_squeeze %dma_wait3A_230 : memref<1x1x1x2048xf32, #tpu.memory_space<hbm>> -> memref<2048xf32, #tpu.memory_space<hbm>>
    %dma_wait3A_232 = arith.constant 8192 : i32
    %dma_wait3A_233 = tpu.memref_slice %arg17[%dma_wait3A_232] : memref<24576xf32, #tpu.memory_space<vmem>> -> memref<2048xf32, #tpu.memory_space<vmem>>
    tpu.wait_dma2 semaphore(%arg19 : memref<!tpu.dma_semaphore, #tpu.memory_space<semaphore_mem>>) src(%dma_wait3A_233 : memref<2048xf32, #tpu.memory_space<vmem>>) dst(%dma_wait3A_231 : memref<2048xf32, #tpu.memory_space<hbm>>)
    %dma_wait3A_234 = arith.constant 5 : i32
    %dma_wait3A_235 = arith.constant 10240 : i32
    %dma_wait3A_236 = tpu.memref_slice %arg17[%dma_wait3A_235] : memref<24576xf32, #tpu.memory_space<vmem>> -> memref<2048xf32, #tpu.memory_space<vmem>>
    %dma_wait3A_237 = arith.constant 0 : i32
    %dma_wait3A_238 = tpu.memref_slice %arg8[%select_n3A, %dma_wait3A_234, %add3A_178, %dma_wait3A_237] : memref<2x12x2048x2048xf32, #tpu.memory_space<hbm>> -> memref<1x1x1x2048xf32, #tpu.memory_space<hbm>>
    %dma_wait3A_239 = tpu.memref_squeeze %dma_wait3A_238 : memref<1x1x1x2048xf32, #tpu.memory_space<hbm>> -> memref<2048xf32, #tpu.memory_space<hbm>>
    %dma_wait3A_240 = arith.constant 0 : i32
    %dma_wait3A_241 = tpu.memref_slice %arg8[%select_n3A, %dma_wait3A_234, %add3A_178, %dma_wait3A_240] : memref<2x12x2048x2048xf32, #tpu.memory_space<hbm>> -> memref<1x1x1x2048xf32, #tpu.memory_space<hbm>>
    %dma_wait3A_242 = tpu.memref_squeeze %dma_wait3A_241 : memref<1x1x1x2048xf32, #tpu.memory_space<hbm>> -> memref<2048xf32, #tpu.memory_space<hbm>>
    %dma_wait3A_243 = arith.constant 10240 : i32
    %dma_wait3A_244 = tpu.memref_slice %arg17[%dma_wait3A_243] : memref<24576xf32, #tpu.memory_space<vmem>> -> memref<2048xf32, #tpu.memory_space<vmem>>
    tpu.wait_dma2 semaphore(%arg19 : memref<!tpu.dma_semaphore, #tpu.memory_space<semaphore_mem>>) src(%dma_wait3A_244 : memref<2048xf32, #tpu.memory_space<vmem>>) dst(%dma_wait3A_242 : memref<2048xf32, #tpu.memory_space<hbm>>)
    %dma_wait3A_245 = arith.constant 6 : i32
    %dma_wait3A_246 = arith.constant 12288 : i32
    %dma_wait3A_247 = tpu.memref_slice %arg17[%dma_wait3A_246] : memref<24576xf32, #tpu.memory_space<vmem>> -> memref<2048xf32, #tpu.memory_space<vmem>>
    %dma_wait3A_248 = arith.constant 0 : i32
    %dma_wait3A_249 = tpu.memref_slice %arg8[%select_n3A, %dma_wait3A_245, %add3A_178, %dma_wait3A_248] : memref<2x12x2048x2048xf32, #tpu.memory_space<hbm>> -> memref<1x1x1x2048xf32, #tpu.memory_space<hbm>>
    %dma_wait3A_250 = tpu.memref_squeeze %dma_wait3A_249 : memref<1x1x1x2048xf32, #tpu.memory_space<hbm>> -> memref<2048xf32, #tpu.memory_space<hbm>>
    %dma_wait3A_251 = arith.constant 0 : i32
    %dma_wait3A_252 = tpu.memref_slice %arg8[%select_n3A, %dma_wait3A_245, %add3A_178, %dma_wait3A_251] : memref<2x12x2048x2048xf32, #tpu.memory_space<hbm>> -> memref<1x1x1x2048xf32, #tpu.memory_space<hbm>>
    %dma_wait3A_253 = tpu.memref_squeeze %dma_wait3A_252 : memref<1x1x1x2048xf32, #tpu.memory_space<hbm>> -> memref<2048xf32, #tpu.memory_space<hbm>>
    %dma_wait3A_254 = arith.constant 12288 : i32
    %dma_wait3A_255 = tpu.memref_slice %arg17[%dma_wait3A_254] : memref<24576xf32, #tpu.memory_space<vmem>> -> memref<2048xf32, #tpu.memory_space<vmem>>
    tpu.wait_dma2 semaphore(%arg19 : memref<!tpu.dma_semaphore, #tpu.memory_space<semaphore_mem>>) src(%dma_wait3A_255 : memref<2048xf32, #tpu.memory_space<vmem>>) dst(%dma_wait3A_253 : memref<2048xf32, #tpu.memory_space<hbm>>)
    %dma_wait3A_256 = arith.constant 7 : i32
    %dma_wait3A_257 = arith.constant 14336 : i32
    %dma_wait3A_258 = tpu.memref_slice %arg17[%dma_wait3A_257] : memref<24576xf32, #tpu.memory_space<vmem>> -> memref<2048xf32, #tpu.memory_space<vmem>>
    %dma_wait3A_259 = arith.constant 0 : i32
    %dma_wait3A_260 = tpu.memref_slice %arg8[%select_n3A, %dma_wait3A_256, %add3A_178, %dma_wait3A_259] : memref<2x12x2048x2048xf32, #tpu.memory_space<hbm>> -> memref<1x1x1x2048xf32, #tpu.memory_space<hbm>>
    %dma_wait3A_261 = tpu.memref_squeeze %dma_wait3A_260 : memref<1x1x1x2048xf32, #tpu.memory_space<hbm>> -> memref<2048xf32, #tpu.memory_space<hbm>>
    %dma_wait3A_262 = arith.constant 0 : i32
    %dma_wait3A_263 = tpu.memref_slice %arg8[%select_n3A, %dma_wait3A_256, %add3A_178, %dma_wait3A_262] : memref<2x12x2048x2048xf32, #tpu.memory_space<hbm>> -> memref<1x1x1x2048xf32, #tpu.memory_space<hbm>>
    %dma_wait3A_264 = tpu.memref_squeeze %dma_wait3A_263 : memref<1x1x1x2048xf32, #tpu.memory_space<hbm>> -> memref<2048xf32, #tpu.memory_space<hbm>>
    %dma_wait3A_265 = arith.constant 14336 : i32
    %dma_wait3A_266 = tpu.memref_slice %arg17[%dma_wait3A_265] : memref<24576xf32, #tpu.memory_space<vmem>> -> memref<2048xf32, #tpu.memory_space<vmem>>
    tpu.wait_dma2 semaphore(%arg19 : memref<!tpu.dma_semaphore, #tpu.memory_space<semaphore_mem>>) src(%dma_wait3A_266 : memref<2048xf32, #tpu.memory_space<vmem>>) dst(%dma_wait3A_264 : memref<2048xf32, #tpu.memory_space<hbm>>)
    %dma_wait3A_267 = arith.constant 8 : i32
    %dma_wait3A_268 = arith.constant 16384 : i32
    %dma_wait3A_269 = tpu.memref_slice %arg17[%dma_wait3A_268] : memref<24576xf32, #tpu.memory_space<vmem>> -> memref<2048xf32, #tpu.memory_space<vmem>>
    %dma_wait3A_270 = arith.constant 0 : i32
    %dma_wait3A_271 = tpu.memref_slice %arg8[%select_n3A, %dma_wait3A_267, %add3A_178, %dma_wait3A_270] : memref<2x12x2048x2048xf32, #tpu.memory_space<hbm>> -> memref<1x1x1x2048xf32, #tpu.memory_space<hbm>>
    %dma_wait3A_272 = tpu.memref_squeeze %dma_wait3A_271 : memref<1x1x1x2048xf32, #tpu.memory_space<hbm>> -> memref<2048xf32, #tpu.memory_space<hbm>>
    %dma_wait3A_273 = arith.constant 0 : i32
    %dma_wait3A_274 = tpu.memref_slice %arg8[%select_n3A, %dma_wait3A_267, %add3A_178, %dma_wait3A_273] : memref<2x12x2048x2048xf32, #tpu.memory_space<hbm>> -> memref<1x1x1x2048xf32, #tpu.memory_space<hbm>>
    %dma_wait3A_275 = tpu.memref_squeeze %dma_wait3A_274 : memref<1x1x1x2048xf32, #tpu.memory_space<hbm>> -> memref<2048xf32, #tpu.memory_space<hbm>>
    %dma_wait3A_276 = arith.constant 16384 : i32
    %dma_wait3A_277 = tpu.memref_slice %arg17[%dma_wait3A_276] : memref<24576xf32, #tpu.memory_space<vmem>> -> memref<2048xf32, #tpu.memory_space<vmem>>
    tpu.wait_dma2 semaphore(%arg19 : memref<!tpu.dma_semaphore, #tpu.memory_space<semaphore_mem>>) src(%dma_wait3A_277 : memref<2048xf32, #tpu.memory_space<vmem>>) dst(%dma_wait3A_275 : memref<2048xf32, #tpu.memory_space<hbm>>)
    %dma_wait3A_278 = arith.constant 9 : i32
    %dma_wait3A_279 = arith.constant 18432 : i32
    %dma_wait3A_280 = tpu.memref_slice %arg17[%dma_wait3A_279] : memref<24576xf32, #tpu.memory_space<vmem>> -> memref<2048xf32, #tpu.memory_space<vmem>>
    %dma_wait3A_281 = arith.constant 0 : i32
    %dma_wait3A_282 = tpu.memref_slice %arg8[%select_n3A, %dma_wait3A_278, %add3A_178, %dma_wait3A_281] : memref<2x12x2048x2048xf32, #tpu.memory_space<hbm>> -> memref<1x1x1x2048xf32, #tpu.memory_space<hbm>>
    %dma_wait3A_283 = tpu.memref_squeeze %dma_wait3A_282 : memref<1x1x1x2048xf32, #tpu.memory_space<hbm>> -> memref<2048xf32, #tpu.memory_space<hbm>>
    %dma_wait3A_284 = arith.constant 0 : i32
    %dma_wait3A_285 = tpu.memref_slice %arg8[%select_n3A, %dma_wait3A_278, %add3A_178, %dma_wait3A_284] : memref<2x12x2048x2048xf32, #tpu.memory_space<hbm>> -> memref<1x1x1x2048xf32, #tpu.memory_space<hbm>>
    %dma_wait3A_286 = tpu.memref_squeeze %dma_wait3A_285 : memref<1x1x1x2048xf32, #tpu.memory_space<hbm>> -> memref<2048xf32, #tpu.memory_space<hbm>>
    %dma_wait3A_287 = arith.constant 18432 : i32
    %dma_wait3A_288 = tpu.memref_slice %arg17[%dma_wait3A_287] : memref<24576xf32, #tpu.memory_space<vmem>> -> memref<2048xf32, #tpu.memory_space<vmem>>
    tpu.wait_dma2 semaphore(%arg19 : memref<!tpu.dma_semaphore, #tpu.memory_space<semaphore_mem>>) src(%dma_wait3A_288 : memref<2048xf32, #tpu.memory_space<vmem>>) dst(%dma_wait3A_286 : memref<2048xf32, #tpu.memory_space<hbm>>)
    %dma_wait3A_289 = arith.constant 10 : i32
    %dma_wait3A_290 = arith.constant 20480 : i32
    %dma_wait3A_291 = tpu.memref_slice %arg17[%dma_wait3A_290] : memref<24576xf32, #tpu.memory_space<vmem>> -> memref<2048xf32, #tpu.memory_space<vmem>>
    %dma_wait3A_292 = arith.constant 0 : i32
    %dma_wait3A_293 = tpu.memref_slice %arg8[%select_n3A, %dma_wait3A_289, %add3A_178, %dma_wait3A_292] : memref<2x12x2048x2048xf32, #tpu.memory_space<hbm>> -> memref<1x1x1x2048xf32, #tpu.memory_space<hbm>>
    %dma_wait3A_294 = tpu.memref_squeeze %dma_wait3A_293 : memref<1x1x1x2048xf32, #tpu.memory_space<hbm>> -> memref<2048xf32, #tpu.memory_space<hbm>>
    %dma_wait3A_295 = arith.constant 0 : i32
    %dma_wait3A_296 = tpu.memref_slice %arg8[%select_n3A, %dma_wait3A_289, %add3A_178, %dma_wait3A_295] : memref<2x12x2048x2048xf32, #tpu.memory_space<hbm>> -> memref<1x1x1x2048xf32, #tpu.memory_space<hbm>>
    %dma_wait3A_297 = tpu.memref_squeeze %dma_wait3A_296 : memref<1x1x1x2048xf32, #tpu.memory_space<hbm>> -> memref<2048xf32, #tpu.memory_space<hbm>>
    %dma_wait3A_298 = arith.constant 20480 : i32
    %dma_wait3A_299 = tpu.memref_slice %arg17[%dma_wait3A_298] : memref<24576xf32, #tpu.memory_space<vmem>> -> memref<2048xf32, #tpu.memory_space<vmem>>
    tpu.wait_dma2 semaphore(%arg19 : memref<!tpu.dma_semaphore, #tpu.memory_space<semaphore_mem>>) src(%dma_wait3A_299 : memref<2048xf32, #tpu.memory_space<vmem>>) dst(%dma_wait3A_297 : memref<2048xf32, #tpu.memory_space<hbm>>)
    %dma_wait3A_300 = arith.constant 11 : i32
    %dma_wait3A_301 = arith.constant 22528 : i32
    %dma_wait3A_302 = tpu.memref_slice %arg17[%dma_wait3A_301] : memref<24576xf32, #tpu.memory_space<vmem>> -> memref<2048xf32, #tpu.memory_space<vmem>>
    %dma_wait3A_303 = arith.constant 0 : i32
    %dma_wait3A_304 = tpu.memref_slice %arg8[%select_n3A, %dma_wait3A_300, %add3A_178, %dma_wait3A_303] : memref<2x12x2048x2048xf32, #tpu.memory_space<hbm>> -> memref<1x1x1x2048xf32, #tpu.memory_space<hbm>>
    %dma_wait3A_305 = tpu.memref_squeeze %dma_wait3A_304 : memref<1x1x1x2048xf32, #tpu.memory_space<hbm>> -> memref<2048xf32, #tpu.memory_space<hbm>>
    %dma_wait3A_306 = arith.constant 0 : i32
    %dma_wait3A_307 = tpu.memref_slice %arg8[%select_n3A, %dma_wait3A_300, %add3A_178, %dma_wait3A_306] : memref<2x12x2048x2048xf32, #tpu.memory_space<hbm>> -> memref<1x1x1x2048xf32, #tpu.memory_space<hbm>>
    %dma_wait3A_308 = tpu.memref_squeeze %dma_wait3A_307 : memref<1x1x1x2048xf32, #tpu.memory_space<hbm>> -> memref<2048xf32, #tpu.memory_space<hbm>>
    %dma_wait3A_309 = arith.constant 22528 : i32
    %dma_wait3A_310 = tpu.memref_slice %arg17[%dma_wait3A_309] : memref<24576xf32, #tpu.memory_space<vmem>> -> memref<2048xf32, #tpu.memory_space<vmem>>
    tpu.wait_dma2 semaphore(%arg19 : memref<!tpu.dma_semaphore, #tpu.memory_space<semaphore_mem>>) src(%dma_wait3A_310 : memref<2048xf32, #tpu.memory_space<vmem>>) dst(%dma_wait3A_308 : memref<2048xf32, #tpu.memory_space<hbm>>)
    return
  }
}

</mosaic_0001>

<sc_bundles>
// kernel: kernel.3.cloned.1.call-start
scs
__scs_entry_jumppad:
0x0: {  	(pc) =	sbr.rel $0x88, $3  }
0x1: {  	(tag) =	ssettag $0x0;
	lr =	simm.s32 $0x1  }
0x2: {  	[smem:$0x3F9B] =	sst lr;
	_ =	strace $0xD0000000  }
0x3: {  	_ = 	snop  }
0x4: {  	_ = 	snop  }
0x5: {  	_ = 	snop  }
0x6: {  	_ = 	snop  }
0x7: {  	_ = 	snop  }
__scs_overlays_trampoline_lowered:
0x8: {  	[smem:$0x3FAA] =	sst s0  }
0x9: {  	[smem:$0x3FAB] =	sst s1  }
0xa: {  	[smem:$0x3FAC] =	sst s2  }
0xb: {  	[smem:$0x3FAD] =	sst s3  }
0xc: {  	[smem:$0x3FAE] =	sst s4  }
0xd: {  	[smem:$0x3FAF] =	sst s5  }
0xe: {  	[smem:$0x3FB0] =	sst s6  }
0xf: {  	[smem:$0x3FB1] =	sst s7  }
0x10: {  	[smem:$0x3FB2] =	sst s8  }
0x11: {  	[smem:$0x3FB3] =	sst s9;
	s0 =	simm.s32 @!p0 $0x0  }
0x12: {  	s1 =	sld [smem:$0x3F99];
	s0 =	simm.s32 @p0 $0x1  }
0x13: {  	[smem:$0x3FB4] =	sst s0;
	s0 =	simm.s32 @!p1 $0x0  }
0x14: {  	s2 =	sld [smem:$0x3F98];
	s0 =	simm.s32 @p1 $0x1  }
0x15: {  	[smem:$0x3FB5] =	sst s0;
	s0 =	simm.s32 @!p2 $0x0  }
0x16: {  	s3 =	sld [smem:$0x3FDB];
	s0 =	simm.s32 @p2 $0x1  }
0x17: {  	s4 =	simm.s32 $0x1BF5;
	[smem:$0x3FB7] =	sst s0  }
0x18: {  	s0 =	sld [smem:$0x3F9A];
	_ =	swait.ge [sflag:s4], $0x0  }
0x19: {  	s7 =	sld [smem:$0x3F9B]  }
0x1a: {  	s8 =	sadd.s32 $0xFFFFE003, lr  }
0x1b: {  	s9 =	sadd.s32 $0xFFFFFEF7, lr;
	s5 =	simm.s32 $0xFFFFFFFF;
	p2 =	slt.u32 s8, $0xFFFFF086  }
0x1c: {  	p1 =	slt.u32 s9, $0xF7A;
	s5 =	simm.s32 @!p2 $0x0  }
0x1d: {  	s5 =	simm.s32 @p1 $0x1;
	p0 =	seq.s32 s7, s2  }
0x1e: {  	s7 =	smul.u32 @!p0 $0xF7A, s2;
	p2 =	seq.s32 @!p0 s5, $0x0  }
0x1f: {  	s9 =	smul.u32 $0xF7A, s1;
	s8 =	simm.s32 @!p0 $0x1BF5;
	p2 =	por !p2, p0  }
0x20: {  	[sflag:s8] =	ssyncset.s32 @!p0 $0xFFFFF086;
	s6 =	sadd.s32 @!p0 s3, s7;
	s7 =	simm.s32 @!p0 $0x108  }
0x21: {  	s3 =	sadd.s32 s3, s9;
	s6 =	sadd.s32 @!p0 $0x88, s6;
	s7 =	simm.s32 @p2 $0x1082  }
0x22: {  	[simem:s7], [sflag:s8] =	dma.local @!p0 [hbm:s6], $0xF7A  }
0x23: {  	s9 =	sor.u32 $0xD0000000, s2;
	s6 =	simm.s32 $0x108;
	_ =	swait.ge @!p0 [sflag:s8], $0x0  }
0x24: {  	s3 =	sadd.s32 $0x88, s3;
	s6 =	simm.s32 @!p1 $0x1082;
	[sflag:s4] =	ssyncset.s32 $0xFFFFF086  }
0x25: {  	[simem:s6], [sflag:s4] =	dma.local [hbm:s3], $0xF7A  }
0x26: {  	[smem:$0x3F9B] =	sst s1;
	(tag) =	ssettag s2;
	_ =	strace s9  }
0x27: {  	s1 =	sld [smem:$0x3FAB]  }
0x28: {  	s2 =	sld [smem:$0x3FAC]  }
0x29: {  	s4 =	sld [smem:$0x3FAE]  }
0x2a: {  	p0 =	seq.s32 s5, $0x0;
	s5 =	sld [smem:$0x3FAF]  }
0x2b: {  	s6 =	sld [smem:$0x3FB0]  }
0x2c: {  	s7 =	sld [smem:$0x3FB1]  }
0x2d: {  	s3 =	simm.s32 $0x108;
	s8 =	sld [smem:$0x3FB2]  }
0x2e: {  	s3 =	simm.s32 @!p0 $0x1082;
	s9 =	sld [smem:$0x3FB3]  }
0x2f: {  	lr =	sadd.s32 s0, s3;
	s0 =	sld [smem:$0x3FAA]  }
0x30: {  	s3 =	sld [smem:$0x3FAD]  }
0x31: {  	[smem:$0x3FB6] =	sst s10  }
0x32: {  	s10 =	sld [smem:$0x3FB4];
	_ =	sdelay $0x3  }
0x33: {  	p0 =	seq.s32 s10, $0x1;
	s10 =	sld [smem:$0x3FB6];
	_ =	sdelay $0x3  }
0x34: {  	[smem:$0x3FB6] =	sst s10  }
0x35: {  	s10 =	sld [smem:$0x3FB5];
	_ =	sdelay $0x3  }
0x36: {  	p1 =	seq.s32 s10, $0x1;
	s10 =	sld [smem:$0x3FB6];
	_ =	sdelay $0x3  }
0x37: {  	[smem:$0x3FB6] =	sst s10  }
0x38: {  	s10 =	sld [smem:$0x3FB7]  }
0x39: {  	_ = 	snop;
	(pc) =	sbr.ind lr, $3  }
0x3a: {  	_ = 	snop  }
0x3b: {  	_ = 	snop  }
0x3c: {  	p2 =	seq.s32 s10, $0x1;
	s10 =	sld [smem:$0x3FB6]  }
0x3d: {  	_ =	shalt  }
0x3e: {  	_ =	shalt  }
0x3f: {  	_ =	shalt  }
0x40: {  	_ =	shalt  }
0x41: {  	_ =	shalt  }
0x42: {  	_ =	shalt  }
0x43: {  	_ =	shalt  }
0x44: {  	_ =	shalt  }
0x45: {  	_ =	shalt  }
0x46: {  	_ =	shalt  }
0x47: {  	_ =	shalt  }
0x48: {  	_ =	shalt  }
0x49: {  	_ =	shalt  }
0x4a: {  	_ =	shalt  }
0x4b: {  	_ =	shalt  }
0x4c: {  	_ =	shalt  }
0x4d: {  	_ =	shalt  }
0x4e: {  	_ =	shalt  }
0x4f: {  	_ =	shalt  }
0x50: {  	_ =	shalt  }
0x51: {  	_ =	shalt  }
0x52: {  	_ =	shalt  }
0x53: {  	_ =	shalt  }
0x54: {  	_ =	shalt  }
0x55: {  	_ =	shalt  }
0x56: {  	_ =	shalt  }
0x57: {  	_ =	shalt  }
0x58: {  	_ =	shalt  }
0x59: {  	_ =	shalt  }
0x5a: {  	_ =	shalt  }
0x5b: {  	_ =	shalt  }
0x5c: {  	_ =	shalt  }
0x5d: {  	_ =	shalt  }
0x5e: {  	_ =	shalt  }
0x5f: {  	_ =	shalt  }
0x60: {  	_ =	shalt  }
0x61: {  	_ =	shalt  }
0x62: {  	_ =	shalt  }
0x63: {  	_ =	shalt  }
0x64: {  	_ =	shalt  }
0x65: {  	_ =	shalt  }
0x66: {  	_ =	shalt  }
0x67: {  	_ =	shalt  }
0x68: {  	_ =	shalt  }
0x69: {  	_ =	shalt  }
0x6a: {  	_ =	shalt  }
0x6b: {  	_ =	shalt  }
0x6c: {  	_ =	shalt  }
0x6d: {  	_ =	shalt  }
0x6e: {  	_ =	shalt  }
0x6f: {  	_ =	shalt  }
0x70: {  	_ =	shalt  }
0x71: {  	_ =	shalt  }
0x72: {  	_ =	shalt  }
0x73: {  	_ =	shalt  }
0x74: {  	_ =	shalt  }
0x75: {  	_ =	shalt  }
0x76: {  	_ =	shalt  }
0x77: {  	_ =	shalt  }
0x78: {  	_ =	shalt  }
0x79: {  	_ =	shalt  }
0x7a: {  	_ =	shalt  }
0x7b: {  	_ =	shalt  }
0x7c: {  	_ =	shalt  }
0x7d: {  	_ =	shalt  }
0x7e: {  	_ =	shalt  }
0x7f: {  	_ =	shalt  }
0x80: {  	_ =	shalt  }
0x81: {  	_ =	shalt  }
0x82: {  	_ =	shalt  }
0x83: {  	_ =	shalt  }
0x84: {  	_ =	shalt  }
0x85: {  	_ =	shalt  }
0x86: {  	_ =	shalt  }
0x87: {  	_ =	shalt  }
.Lfunc_end0:
.L_simem_size_0:
called_computation_lowered:
.L_overlay_start_0:
0x88: {  	s2 =	sld [smem:$0x3FD9]  }
0x89: {  	s3 =	sld [smem:$0x3FFE];
	_ =	sdelay $0x1  }
0x8a: {  	s1 =	srdreg.scid  }
0x8b: {  	s0 =	sand.u32 $0x1, s1  }
0x8c: {  	s17 =	sshll.u32 s0, $0xA;
	s2 =	sadd.s32 s3, s2  }
0x8d: {  	s2 =	sadd.s32 s2, s17  }
0x8e: {  	[smem:$0x3FC2] =	sst s2  }
0x8f: {  	_ = 	snop  }
0x90: {  	s2 =	sld [smem:$0x3FC9]  }
0x91: {  	s18 =	sld [smem:$0x3FC8]  }
0x92: {  	s4 =	sld [smem:$0x3FC7]  }
0x93: {  	s5 =	sld [smem:$0x3FC6]  }
0x94: {  	s6 =	sld [smem:$0x3FD0];
	(tm) =	ssettm $0x1  }
0x95: {  	s7 =	sld [smem:$0x3FFB];
	_ =	sdelay $0x3  }
0x96: {  	_ =	strace s7  }
0x97: {  	s7 =	sld [smem:$0x3FFC];
	_ =	sdelay $0x3  }
0x98: {  	_ =	strace s7  }
0x99: {  	s7 =	sld [smem:$0x3FFD];
	_ =	sdelay $0x3  }
0x9a: {  	_ =	strace s7  }
0x9b: {  	_ =	strace $0x8FFFFFFF  }
0x9c: {  	s19 =	sld [smem:$0x3FDB];
	_ =	sdelay $0x1  }
0x9d: {  	s8 =	simm.s32 $_scs_section_size  }
0x9e: {  	s9 =	simm.s32 $_size__tile_overlayer_lowered;
	s10 =	simm.s32 $_tile_overlayer_lowered  }
0x9f: {  	s22 =	simm.s32 $0x1BFF;
	s21 =	sshll.u32 s10, $0x1;
	s7 =	sadd.s32 s8, s19  }
0xa0: {  	s11 =	simm.s32 $0x0;
	s20 =	sshll.u32 s9, $0x1;
	s9 =	sadd.s32 s21, s7  }
0xa1: {  	[timem:s11], [sflag:s22] =	dma.local [hbm:s9], s20  }
0xa2: {  	_ =	swait.ge [sflag:s22], s20  }
0xa3: {  	s8 =	ssub.s32 $0x0, s20;
	[sflag:s22] =	ssyncset.done $0x0  }
0xa4: {  	[sflag:s22] =	ssyncadd.s32 s8;
	_ =	sdelay $0x1  }
0xa5: {  	s23 =	simm.s32 $0x1B8B  }
0xa6: {  	_ =	swait.ge [sflag:s23], $0x1  }
0xa7: {  	[sflag:s23] =	ssyncset.done $0x0  }
0xa8: {  	s25 =	simm.s32 $0x1B8E;
	s24 =	sld [smem:$0x3FFE];
	[sflag:s23] =	ssyncadd.s32 $0xFFFFFFFF  }
0xa9: {  	s26 =	simm.s32 $execute0_lowered;
	[smem:$0x3FD2] =	sst s25  }
0xaa: {  	s9 =	sshll.u32 s26, $0x1;
	_ =	strace $0x80000046;
	[dreg:$0x1] =	wrdreg $0xFFFFFFFF  }
0xab: {  	s28 =	simm.s32 $_size_execute0_lowered;
	s7 =	sadd.s32 s7, s9;
	[dreg:$0x0] =	wrdreg $0x0  }
0xac: {  	s9 =	sshll.u32 s28, $0x1;
	[dreg:$0x2] =	wrdreg s7  }
0xad: {  	[dreg:$0x3] =	wrdreg s9  }
0xae: {  	[dreg:$0x4] =	wrdreg $0xC0  }
0xaf: {  	_ =	task [dreg:s11], $0x5FFFF  }
0xb0: {  	[dreg:$0x1] =	wrdreg $0xFFFFFFFF  }
0xb1: {  	[dreg:$0x0] =	wrdreg $0x60  }
0xb2: {  	[dreg:$0x2] =	wrdreg s2  }
0xb3: {  	[dreg:$0x3] =	wrdreg s18  }
0xb4: {  	[dreg:$0x4] =	wrdreg s4  }
0xb5: {  	[dreg:$0x5] =	wrdreg s5  }
0xb6: {  	[dreg:$0x6] =	wrdreg s24  }
0xb7: {  	[dreg:$0x7] =	wrdreg s6  }
0xb8: {  	[dreg:$0x8] =	wrdreg $0x9  }
0xb9: {  	_ =	task.clear_ibuf [dreg:s11], $0x9FFFF;
	_ =	strace $0x90000046  }
0xba: {  	s29 =	simm.s32 $0x9;
	_ =	strace $0x80000048  }
0xbb: {  	_ =	swait.ge [sflag:s29], $0x1  }
0xbc: {  	[sflag:s29] =	ssyncadd.s32 $0xFFFFFFFF  }
0xbd: {  	_ =	strace $0x90000048  }
0xbe: {  	_ =	sfence  }
0xbf: {  	s30 =	sld [smem:$0x0];
	_ =	sdelay $0x2  }
0xc0: {  	s31 =	sshll.u32 s1, $0xD;
	s1 =	sshrl.u32 s1, $0x2  }
0xc1: {  	s3 =	sand.u32 $0x4000, s31;
	s1 =	sadd.s32 s1, s30  }
0xc2: {  	s0 =	sor.u32 s3, s0;
	s1 =	sshll.u32 s1, $0x11  }
0xc3: {  	s0 =	sor.u32 s1, s0  }
0xc4: {  	s0 =	sadd.s32 $0x8F2B, s0  }
0xc5: {  	[sflag:s0] =	ssyncadd.remote.s32 $0x1  }
0xc6: {  	_ =	sfence.sel $0xFFFF  }
0xc7: {  	[dreg:$0x0] =	wrdreg $0xFFFFFFFF;
	(pc) =	sbr.abs _section_cstart, $3  }
0xc8: {  	[dreg:$0x1] =	wrdreg $0xFFFFFFFF  }
0xc9: {  	_ =	task.clear_ibuf [dreg:s11], $0x2FFFF;
	_ =	strace $0x9FFFFFFF  }
0xca: {  	(tm) =	ssettm $0x7FFFFFFF  }
0xcb: {  	_ =	shalt  }
tec
execute0_lowered:
.L_overlay_start_1:
0x0: {  	(tag) =	ssettag $0x1  }
0x1: {  	s0 =	rddreg [dreg:$0x0]  }
0x2: {  	s1 =	rddreg [dreg:$0x1]  }
0x3: {  	s2 =	rddreg [dreg:$0x2]  }
0x4: {  	s3 =	rddreg [dreg:$0x3]  }
0x5: {  	s4 =	rddreg [dreg:$0x4];
	s5 =	simm.s32 $0x0  }
0x6: {  	s7 =	stileid.u32;
	[smem:$0x7FF] =	sst s5;
	s10 =	sadd.s32 $0x600, s4  }
0x7: {  	s6 =	sshll.u32 s7, $0x1;
	s4 =	sadd.s32 $0x400, s4;
	s7 =	sshrl.u32 s7, $0x3  }
0x8: {  	_ =	strace $0x80000047;
	[dreg:$0x10] =	wrdreg s10;
	s8 =	sshll.u32 s7, $0x4  }
0x9: {  	[dreg:$0x11] =	wrdreg s4;
	s1 =	sadd.s32 s1, s8  }
0xa: {  	s25 =	smul.u32 $0x3000000, s7;
	s17 =	sadd.s32 s3, s8;
	[dreg:$0x13] =	wrdreg s1  }
0xb: {  	[dreg:$0x14] =	wrdreg s17  }
0xc: {  	s19 =	sadd.s32 $0x1C00000, s25;
	[dreg:$0x12] =	wrdreg s25  }
0xd: {  	s11 =	srdreg.scid;
	s20 =	sadd.s32 $0x2000000, s25;
	[dreg:$0x1b] =	wrdreg s19  }
0xe: {  	s12 =	sand.u32 $0x1, s11;
	s21 =	sadd.s32 $0x2400000, s25;
	[dreg:$0x1c] =	wrdreg s20  }
0xf: {  	s13 =	sand.u32 $0xE, s6;
	s22 =	sadd.s32 $0x2800000, s25;
	[dreg:$0x1d] =	wrdreg s21  }
0x10: {  	s4 =	sor.u32 s12, s13;
	s23 =	sadd.s32 $0x2C00000, s25;
	[dreg:$0x1e] =	wrdreg s22  }
0x11: {  	s14 =	ssub.s32 $0x2, s12;
	s26 =	sshll.u32 s4, $0x12;
	[dreg:$0x1f] =	wrdreg s23  }
0x12: {  	v0 =	vimm.s32 $0xECA86420;
	v1 =	vimm.s32 $0x0;
	s15 =	sshrl.u32 s14, $0x1;
	s28 =	sadd.s32 $0x1000000, s25;
	[dreg:$0x17] =	wrdreg s26  }
0x13: {  	vm0 =	vcmask $0xB08;
	vm1 =	vcmask $0x1310;
	vm2 =	vcmask $0x1B18;
	s9 =	sshll.u32 s4, $0x5;
	s29 =	sadd.s32 $0x1400000, s25;
	[dreg:$0x18] =	wrdreg s28  }
0x14: {  	vm4 =	vcmask $0x300;
	vm5 =	vcmask $0x2B28;
	vm6 =	vcmask $0x3330;
	s5 =	ssub.s32 s14, s15;
	s31 =	sadd.s32 $0x1800000, s25;
	[dreg:$0x19] =	wrdreg s29  }
0x15: {  	vm7 =	vcmask $0x3B38;
	vm8 =	vmmov $0xff;
	vm11 =	vcmask $0x704;
	s16 =	sor.u32 s8, s9;
	s24 =	smax.u32 s5, $0x1;
	[dreg:$0x1a] =	wrdreg s31  }
0x16: {  	s30 =	simm.s32 $0x1380;
	vm12 =	vcmask $0xF0C;
	vm13 =	vcmask $0x1714;
	v2 =	vunpack.c.l.s4.s8 v0;
	s0 =	sadd.s32 s0, s16;
	[smem:$0x7FD] =	sst s24  }
0x17: {  	vm14 =	vcmask $0x2F2C;
	vm15 =	vcmask $0x2724;
	v0 =	vlaneseq.u32;
	s7 =	simm.s32 $0x1300;
	s18 =	sadd.s32 s2, s16;
	[dreg:$0x15] =	wrdreg s0  }
0x18: {  	v3 =	vmul.u32 $0x2, v0;
	v4 =	vand.u32 $0x1, v0;
	v2 =	vunpack.c.0.s8.s32 v2;
	s5 =	simm.s32 $0x1100;
	s2 =	simm.s32 $0x0;
	[dreg:$0x16] =	wrdreg s18  }
.LBB2_1:
0x19: {  	[smem:$0x7EC] =	sst s2  }
0x1a: {  	s0 =	simm.s32 $0x0;
	s1 =	rddreg [dreg:$0x13]  }
0x1b: {  	s14 =	simm.s32 $0x80;
	s3 =	simm.s32 $0x100;
	s6 =	simm.s32 $0x3  }
0x1c: {  	[tilespmem:s0], [sflag:$0x3] =	stream.strided.gather [hbm4b:s1+s14], $0x800, s3, s14, $0x38;
	[tilespmem:$0xDB80] =	vst v63  }
0x1d: {  	_ =	swait.ge [sflag:s6], $0x800  }
0x1e: {  	[sflag:s6] =	ssyncset.done $0x0  }
0x1f: {  	s4 =	simm.s32 $0x800;
	s15 =	rddreg [dreg:$0x14];
	[sflag:s6] =	ssyncadd.s32 $0xFFFFF800  }
0x20: {  	[tilespmem:s4], [sflag:$0x3] =	stream.strided.gather [hbm4b:s15+s14], $0x800, s3, s14, $0x38;
	[tilespmem:$0xDB80] =	vst v63  }
0x21: {  	_ =	swait.ge [sflag:s6], $0x800  }
0x22: {  	[sflag:s6] =	ssyncset.done $0x0  }
0x23: {  	s17 =	simm.s32 $0x1000;
	s16 =	rddreg [dreg:$0x15];
	[sflag:s6] =	ssyncadd.s32 $0xFFFFF800  }
0x24: {  	[tilespmem:s17], [sflag:$0x3] =	stream.linear.gather [hbm4b:s16+s0], $0x80, $0x38;
	[tilespmem:$0xDB80] =	vst v63  }
0x25: {  	v6 =	vor.u32 s0, v0;
	_ =	swait.ge [sflag:s6], $0x80  }
0x26: {  	v5 =	vmulhi.u32 $0xC7CE0C7D, v6;
	[sflag:s6] =	ssyncset.done $0x0  }
0x27: {  	s19 =	simm.s32 $0x1080;
	s18 =	rddreg [dreg:$0x16];
	[sflag:s6] =	ssyncadd.s32 $0xFFFFFF80  }
0x28: {  	v5 =	vshrl.u32 v5, $0x7;
	[tilespmem:s19], [sflag:$0x3] =	stream.linear.gather [hbm4b:s18+s0], $0x80, $0x38;
	[tilespmem:$0xDB80] =	vst v63  }
0x29: {  	v7 =	vmul.u32 $0xFFFFFF5C, v5;
	_ =	swait.ge [sflag:s6], $0x80  }
0x2a: {  	v8 =	vmov s0;
	v9 =	vsub.s32 $0x0, v6;
	[sflag:s6] =	ssyncset.done $0x0  }
0x2b: {  	vm3 =	veq.s32 v8, v0;
	vm9 =	vne.s32 v7, v9;
	s20 =	rddreg [dreg:$0x10];
	[sflag:s6] =	ssyncadd.s32 $0xFFFFFF80  }
0x2c: {  	vm9 =	vmand vm3, vm9;
	[tilespmem:s5], [sflag:$0x3] =	stream.linear.gather [hbm4b:s20+s0], $0x200, $0x38;
	[tilespmem:$0xDB80] =	vst v63  }
0x2d: {  	v7 =	vsel vm9, $0xFFFFFFFF, v1;
	_ =	swait.ge [sflag:s6], $0x200  }
0x2e: {  	v5 =	vadd.s32 v7, v5;
	[sflag:s6] =	ssyncset.done $0x0  }
0x2f: {  	v7 =	vmul.u32 $0xFFFFFF5C, v5;
	s21 =	rddreg [dreg:$0x11];
	[sflag:s6] =	ssyncadd.s32 $0xFFFFFE00  }
0x30: {  	[tilespmem:s7], [sflag:$0x3] =	stream.linear.gather [hbm4b:s21+s0], $0x80, $0x38;
	[tilespmem:$0xDB80] =	vst v63  }
0x31: {  	v10 =	vadd.s32 v6, v7;
	_ =	swait.ge [sflag:s6], $0x80  }
0x32: {  	(v2sf) =	vpush v10, $0x8  }
0x33: {  	(v2sf) =	vpush v10, $0x2;
	_ =	sdelay $0x1  }
0x34: {  	(v2sf) =	vpush v10, $0x1  }
0x35: {  	(v2sf) =	vpush v10, $0x0  }
0x36: {  	(v2sf) =	vpush v10, $0x7  }
0x37: {  	(v2sf) =	vpush v10, $0x3  }
0x38: {  	(v2sf) =	vpush v10, $0x4  }
0x39: {  	(v2sf) =	vpush v10, $0xC  }
0x3a: {  	(v2sf) =	vpush v10, $0x9;
	_ =	sdelay $0x2  }
0x3b: {  	(v2sf) =	vpush v10, $0xD;
	_ =	sdelay $0x2  }
0x3c: {  	(v2sf) =	vpush v10, $0x6;
	s22 =	spop (v2sf)  }
0x3d: {  	(v2sf) =	vpush v10, $0xE;
	s8 =	spop (v2sf);
	s25 =	smulhi.u32 $0x63E7063F, s22  }
0x3e: {  	(v2sf) =	vpush v10, $0xA;
	s3 =	sshra.s32 s22, $0x1F;
	s23 =	smulhi.u32 $0x63E7063F, s8  }
0x3f: {  	s9 =	simm.s32 $0x10;
	s5 =	spop (v2sf);
	s12 =	smul.u32 $0x63E7063F, s3  }
0x40: {  	(v2sf) =	vpush v10, $0xB;
	s8 =	sshra.s32 s8, $0x1F;
	s2 =	spop (v2sf);
	[smem:$0x7EE] =	sst s25  }
0x41: {  	v7 =	vor.u32 s9, v0;
	s25 =	smul.u32 $0x63E7063F, s8;
	s24 =	spop (v2sf)  }
0x42: {  	v6 =	vmulhi.u32 $0xC7CE0C7D, v7;
	s4 =	spop (v2sf);
	s28 =	smulhi.u32 $0x63E7063F, s24;
	s11 =	sshra.s32 s24, $0x1F  }
0x43: {  	s10 =	spop (v2sf);
	s11 =	smul.u32 $0x63E7063F, s11  }
0x44: {  	v9 =	vmov s9;
	v6 =	vshrl.u32 v6, $0x7;
	(v2sf) =	vpush v10, $0xF;
	s26 =	smulhi.u32 $0x63E7063F, s10;
	s9 =	spop (v2sf);
	s10 =	sshra.s32 s10, $0x1F  }
0x45: {  	v8 =	vmul.u32 $0xFFFFFF5C, v6;
	s13 =	spop (v2sf);
	s10 =	smul.u32 $0x63E7063F, s10  }
0x46: {  	v11 =	vsub.s32 $0x0, v7;
	s29 =	sshra.s32 s9, $0x1F;
	s14 =	smulhi.u32 $0x63E7063F, s13  }
0x47: {  	vm3 =	veq.s32 v9, v0;
	vm9 =	vne.s32 v8, v11;
	s3 =	sshra.s32 s4, $0x1F;
	[smem:$0x7EF] =	sst s26;
	s31 =	smul.u32 $0x63E7063F, s29  }
0x48: {  	vm9 =	vmand vm3, vm9;
	s15 =	spop (v2sf);
	s26 =	smul.u32 $0x63E7063F, s3  }
0x49: {  	v8 =	vsel vm9, $0xFFFFFFFF, v1;
	s13 =	sshra.s32 s13, $0x1F;
	s17 =	smulhi.u32 $0x63E7063F, s15  }
0x4a: {  	v6 =	vadd.s32 v8, v6;
	[smem:$0x7ED] =	sst s23;
	s15 =	sshra.s32 s15, $0x1F;
	s13 =	smul.u32 $0x63E7063F, s13  }
0x4b: {  	v8 =	vmul.u32 $0xFFFFFF5C, v6;
	s16 =	spop (v2sf);
	s15 =	smul.u32 $0x63E7063F, s15  }
0x4c: {  	(v2sf) =	vpush v10, $0x5;
	s18 =	sshra.s32 s16, $0x1F;
	s23 =	smulhi.u32 $0x63E7063F, s16;
	s19 =	spop (v2sf)  }
0x4d: {  	v7 =	vadd.s32 v7, v8;
	s18 =	smul.u32 $0x63E7063F, s18;
	s20 =	spop (v2sf)  }
0x4e: {  	(v2sf) =	vpush v7, $0x8;
	s1 =	sshra.s32 s20, $0x1F;
	s8 =	smulhi.u32 $0x63E7063F, s20  }
0x4f: {  	(v2sf) =	vpush v7, $0x2;
	s21 =	spop (v2sf);
	s24 =	smul.u32 $0x63E7063F, s1  }
0x50: {  	(v2sf) =	vpush v7, $0x1;
	s20 =	sadd.s32 s11, s28;
	s29 =	smulhi.u32 $0x63E7063F, s21  }
0x51: {  	s11 =	sshra.s32 s19, $0x1F;
	s22 =	sshra.s32 s21, $0x1F;
	(v2sf) =	vpush v7, $0x0;
	s21 =	smulhi.u32 $0x63E7063F, s5  }
0x52: {  	s11 =	smul.u32 $0x63E7063F, s11  }
0x53: {  	s7 =	spop (v2sf);
	s1 =	smul.u32 $0x63E7063F, s22;
	(v2sf) =	vpush v7, $0x7  }
0x54: {  	[smem:$0x7F0] =	sst s31;
	s23 =	sadd.s32 s18, s23;
	s31 =	smulhi.u32 $0x63E7063F, s7  }
0x55: {  	s5 =	sshra.s32 s5, $0x1F;
	s16 =	sshra.s32 s7, $0x1F;
	s7 =	smulhi.u32 $0x63E7063F, s2;
	(v2sf) =	vpush v7, $0x3  }
0x56: {  	[smem:$0x7F7] =	sst s23;
	s5 =	smul.u32 $0x63E7063F, s5  }
0x57: {  	s2 =	sshra.s32 s2, $0x1F;
	s22 =	sld [smem:$0x7ED];
	s0 =	smul.u32 $0x63E7063F, s16;
	(v2sf) =	vpush v7, $0x4  }
0x58: {  	[smem:$0x7F3] =	sst s20;
	s3 =	smul.u32 $0x63E7063F, s2;
	(v2sf) =	vpush v7, $0xC  }
0x59: {  	[sflag:s6] =	ssyncset.done $0x0;
	[smem:$0x7F1] =	sst s21;
	s2 =	smulhi.u32 $0x63E7063F, s9  }
0x5a: {  	s21 =	sadd.s32 s15, s17;
	s28 =	sadd.s32 s25, s22;
	s25 =	sld [smem:$0x7EE];
	(v2sf) =	vpush v7, $0x9  }
0x5b: {  	[smem:$0x7F2] =	sst s5;
	s5 =	spop (v2sf);
	s1 =	sadd.s32 s1, s29;
	(v2sf) =	vpush v7, $0xD  }
0x5c: {  	s22 =	sadd.s32 s13, s14;
	s14 =	smulhi.u32 $0x63E7063F, s19;
	[smem:$0x7F4] =	sst s1  }
0x5d: {  	s20 =	sadd.s32 s12, s25;
	s12 =	smulhi.u32 $0x63E7063F, s4;
	s15 =	spop (v2sf)  }
0x5e: {  	[sflag:s6] =	ssyncadd.s32 $0xFFFFFF80;
	s25 =	smulhi.u32 $0x63E7063F, s5;
	s17 =	spop (v2sf)  }
0x5f: {  	s23 =	sadd.s32 s24, s8;
	(v2sf) =	vpush v7, $0x6;
	s13 =	smulhi.u32 $0x63E7063F, s15;
	s16 =	spop (v2sf)  }
0x60: {  	s9 =	sshra.s32 s5, $0x1F;
	[smem:$0x7F9] =	sst s16;
	s19 =	spop (v2sf)  }
0x61: {  	(v2sf) =	vpush v7, $0xE;
	s15 =	sshra.s32 s15, $0x1F;
	s16 =	smul.u32 $0x63E7063F, s9;
	s9 =	sld [smem:$0x7EF]  }
0x62: {  	s29 =	sadd.s32 s0, s31;
	(v2sf) =	vpush v7, $0xA;
	s15 =	smul.u32 $0x63E7063F, s15;
	s5 =	spop (v2sf)  }
0x63: {  	s7 =	sadd.s32 s3, s7;
	[smem:$0x7F8] =	sst s19;
	s24 =	smulhi.u32 $0x63E7063F, s5  }
0x64: {  	s8 =	sshra.s32 s5, $0x1F;
	s18 =	sadd.s32 s10, s9;
	s10 =	spop (v2sf)  }
0x65: {  	s14 =	sadd.s32 s11, s14;
	s31 =	smul.u32 $0x63E7063F, s8;
	[smem:$0x7FA] =	sst s10  }
0x66: {  	s26 =	sadd.s32 s26, s12;
	s10 =	smulhi.u32 $0x63E7063F, s17;
	s19 =	spop (v2sf)  }
0x67: {  	s17 =	sshra.s32 s17, $0x1F;
	[smem:$0x7F5] =	sst s19;
	s1 =	spop (v2sf)  }
0x68: {  	s25 =	sadd.s32 s16, s25;
	s5 =	smul.u32 $0x63E7063F, s17;
	s19 =	sld [smem:$0x7F0]  }
0x69: {  	s31 =	sadd.s32 s31, s24;
	[smem:$0x7F6] =	sst s1;
	s4 =	spop (v2sf)  }
0x6a: {  	s16 =	sshrl.u32 s22, $0x1F;
	[smem:$0x7FB] =	sst s31;
	s1 =	spop (v2sf)  }
0x6b: {  	s8 =	smulhi.u32 $0x63E7063F, s4;
	s31 =	sadd.s32 s5, s10;
	s5 =	sadd.s32 s15, s13  }
0x6c: {  	s10 =	sshrl.u32 s20, $0x1F;
	s13 =	sshra.s32 s20, $0x5;
	s20 =	sshrl.u32 s23, $0x1F  }
0x6d: {  	s9 =	sadd.s32 s19, s2;
	s2 =	sshra.s32 s4, $0x1F;
	s17 =	smulhi.u32 $0x63E7063F, s1  }
0x6e: {  	s19 =	sshra.s32 s1, $0x1F;
	s0 =	spop (v2sf);
	s4 =	smul.u32 $0x63E7063F, s2  }
0x6f: {  	s1 =	sld [smem:$0x7F1];
	v8 =	vmov s10;
	s10 =	sshra.s32 s7, $0x1F;
	s19 =	smul.u32 $0x63E7063F, s19  }
0x70: {  	s3 =	sshra.s32 s0, $0x1F;
	s12 =	spop (v2sf);
	s2 =	sld [smem:$0x7F2]  }
0x71: {  	(v2sf) =	vpush v7, $0xB;
	v8 =	vsel vm0, s16, v8;
	s16 =	sshrl.u32 s14, $0x1F;
	s3 =	smul.u32 $0x63E7063F, s3;
	s11 =	spop (v2sf)  }
0x72: {  	v8 =	vsel vm1, s20, v8;
	s20 =	sshrl.u32 s29, $0x1F;
	s15 =	sadd.s32 s19, s17;
	s24 =	sadd.s32 s4, s8  }
0x73: {  	s19 =	sshra.s32 s22, $0x5;
	s17 =	sshra.s32 s23, $0x5;
	s22 =	sshra.s32 s7, $0x5  }
0x74: {  	s7 =	sshrl.u32 s7, $0x1F;
	s23 =	sld [smem:$0x7F3];
	s8 =	sshrl.u32 s9, $0x1F  }
0x75: {  	s4 =	sshra.s32 s18, $0x1F;
	s1 =	sadd.s32 s2, s1;
	s2 =	smulhi.u32 $0x63E7063F, s0  }
0x76: {  	(v2sf) =	vpush v7, $0xF;
	s0 =	sshra.s32 s11, $0x1F;
	s11 =	smulhi.u32 $0x63E7063F, s11;
	v13 =	vmov s7;
	s7 =	sshra.s32 s14, $0x5  }
0x77: {  	v12 =	vmov s8;
	s8 =	simm.s32 $0x20;
	s14 =	sshra.s32 s26, $0x1F;
	s0 =	smul.u32 $0x63E7063F, s0  }
0x78: {  	v11 =	vmov s13;
	s13 =	sshrl.u32 s1, $0x1F;
	s3 =	sadd.s32 s3, s2;
	s6 =	sshra.s32 s23, $0x1F  }
0x79: {  	vm10 =	vmmov vm13;
	v11 =	vsel vm0, s19, v11;
	s2 =	sshra.s32 s21, $0x5;
	s0 =	sadd.s32 s0, s11;
	v9 =	vmov s6;
	s6 =	sld [smem:$0x7F4]  }
0x7a: {  	(v2sf) =	vpush v7, $0x5;
	v11 =	vsel vm1, s17, v11;
	s11 =	sshrl.u32 s21, $0x1F;
	s21 =	sshra.s32 s9, $0x5;
	[smem:$0x7FC] =	sst s0;
	v9 =	vsel vm4, s22, v9  }
0x7b: {  	s17 =	sshra.s32 s28, $0x1F;
	v15 =	vor.u32 s8, v0;
	s22 =	sshra.s32 s1, $0x5;
	v14 =	vmov s21;
	s21 =	sld [smem:$0x7F5];
	v9 =	vsel vm11, s10, v9  }
0x7c: {  	v13 =	vnsel vm4, $0x0, v13;
	s1 =	sshra.s32 s1, $0x1F;
	v12 =	vsel vm0, s11, v12;
	s11 =	sshrl.u32 s18, $0x1F;
	s0 =	sshra.s32 s18, $0x5;
	v9 =	vsel vm0, s22, v9  }
0x7d: {  	v18 =	vmov s8;
	s10 =	sshra.s32 s28, $0x5;
	v12 =	vsel vm1, s16, v12;
	s9 =	sshrl.u32 s6, $0x1F;
	v9 =	vsel vm12, s1, v9;
	s1 =	sshra.s32 s29, $0x5  }
0x7e: {  	v16 =	vmulhi.u32 $0xC7CE0C7D, v15;
	v12 =	vsel vm2, s20, v12;
	v8 =	vsel vm2, s9, v8;
	s20 =	smulhi.u32 $0x63E7063F, s21;
	s9 =	sld [smem:$0x7F6];
	s18 =	sshra.s32 s21, $0x1F  }
0x7f: {  	v13 =	vsel vm0, s13, v13;
	vm9 =	veq.s32 v18, v0;
	v14 =	vsel vm0, s2, v14;
	s29 =	sshra.s32 s26, $0x5;
	s21 =	smul.u32 $0x63E7063F, s18;
	s18 =	sld [smem:$0x7F7]  }
0x80: {  	v18 =	vimm.s32 $0x0;
	v14 =	vsel vm1, s7, v14;
	s16 =	spop (v2sf);
	v9 =	vsel vm1, s10, v9;
	s10 =	sshrl.u32 s26, $0x1F;
	s26 =	sld [smem:$0x7F8]  }
0x81: {  	s19 =	sshrl.u32 s28, $0x1F;
	v16 =	vshrl.u32 v16, $0x7;
	v14 =	vsel vm2, s1, v14;
	s1 =	smulhi.u32 $0x63E7063F, s16;
	v9 =	vsel vm13, s17, v9;
	s22 =	sshra.s32 s9, $0x1F  }
0x82: {  	v18 =	vsel vm9, $0xFFFFFFFF, v18;
	v17 =	vmul.u32 $0xFFFFFF5C, v16;
	s28 =	sld [smem:$0x7FB];
	v9 =	vsel vm2, s29, v9;
	s29 =	sshra.s32 s16, $0x1F;
	s17 =	smul.u32 $0x63E7063F, s22  }
0x83: {  	v19 =	vsub.s32 $0x0, v15;
	v13 =	vsel vm1, s19, v13;
	[tilespmem:$0x1FFF0] =	vst v18;
	vm13 =	vcmask $0x1F1C;
	s16 =	sshra.s32 s25, $0x5;
	s13 =	sshrl.u32 s18, $0x1F;
	s19 =	smulhi.u32 $0x63E7063F, s26  }
0x84: {  	vm9 =	vne.s32 v17, v19;
	v17 =	vld [tilespmem:$0x1FFF0];
	v9 =	vsel vm13, s14, v9;
	s2 =	sshra.s32 s18, $0x1F;
	s8 =	sshra.s32 s18, $0x5;
	s14 =	smul.u32 $0x63E7063F, s29  }
0x85: {  	vm3 =	vcmask $0x2320;
	s22 =	sshra.s32 s26, $0x1F;
	s26 =	sld [smem:$0x7F9];
	s29 =	spop (v2sf)  }
0x86: {  	v13 =	vsel vm2, s10, v13;
	v9 =	vsel vm3, s0, v9;
	s10 =	smulhi.u32 $0x63E7063F, s29;
	s7 =	sshra.s32 s29, $0x1F;
	s29 =	sshra.s32 s25, $0x1F  }
0x87: {  	v9 =	vsel vm15, s4, v9;
	s4 =	sshra.s32 s6, $0x5;
	s7 =	smul.u32 $0x63E7063F, s7;
	s6 =	smov.u32 s23  }
0x88: {  	s18 =	sshra.s32 s26, $0x1F;
	s0 =	smulhi.u32 $0x63E7063F, s26;
	s26 =	sshrl.u32 s25, $0x1F  }
0x89: {  	vm13 =	vnez.u8 v17;
	v18 =	vsel vm5, s16, v9;
	s16 =	simm.s32 $0x1390;
	s25 =	sshrl.u32 s23, $0x1F;
	s23 =	sshra.s32 s28, $0x1F  }
0x8a: {  	v13 =	vsel vm3, s11, v13;
	vm9 =	vmand vm13, vm9;
	v11 =	vsel vm2, s4, v11;
	s4 =	sadd.s32 s14, s1;
	s14 =	simm.s32 $0x13A0;
	[dreg:$0x7] =	wrdreg s16  }
0x8b: {  	v17 =	vsel vm9, $0xFFFFFFFF, v1;
	v13 =	vsel vm5, s26, v13;
	s26 =	sld [smem:$0x7FA];
	s1 =	sadd.s32 s7, s10;
	s18 =	smul.u32 $0x63E7063F, s18  }
0x8c: {  	v9 =	vadd.s32 v17, v16;
	s16 =	simm.s32 $0x30;
	s10 =	sshrl.u32 s5, $0x1F;
	v13 =	vsel vm6, s13, v13;
	s13 =	smul.u32 $0x63E7063F, s22  }
0x8d: {  	v12 =	vcombine.low v8, v12;
	v16 =	vsel vm14, s29, v18;
	[dreg:$0x8] =	wrdreg s14;
	s14 =	sadd.s32 s21, s20;
	v17 =	vmul.u32 $0xFFFFFF5C, v9;
	s22 =	smulhi.u32 $0x63E7063F, s9  }
0x8e: {  	vm3 =	vcmask $0x3734;
	s21 =	sshrl.u32 s24, $0x1F;
	v16 =	vsel vm6, s8, v16;
	s8 =	sshra.s32 s12, $0x1F;
	v13 =	vsel vm7, s25, v13;
	s25 =	smulhi.u32 $0x63E7063F, s12  }
0x8f: {  	v11 =	vcombine.low v11, v14;
	v14 =	vsel vm3, s2, v16;
	s12 =	sshra.s32 s6, $0x5;
	s8 =	smul.u32 $0x63E7063F, s8;
	s6 =	spop (v2sf);
	v8 =	vadd.s32 v15, v17  }
0x90: {  	s0 =	sadd.s32 s18, s0;
	s29 =	sshra.s32 s26, $0x1F;
	v14 =	vsel vm7, s12, v14;
	s12 =	sshra.s32 s15, $0x5;
	(v2sf) =	vpush v8, $0x8  }
0x91: {  	v12 =	vperm.xlane v12, v2;
	vm13 =	vlt.s32 v10, $0x1;
	s19 =	sadd.s32 s13, s19;
	s13 =	sadd.s32 s17, s22;
	s22 =	sshrl.u32 s15, $0x1F;
	(v2sf) =	vpush v8, $0x2  }
0x92: {  	v11 =	vperm.xlane v11, v2;
	v13 =	vperm.xlane v13, v3;
	s20 =	smulhi.u32 $0x63E7063F, s6;
	s15 =	sshra.s32 s24, $0x5;
	s24 =	smov.u32 s28;
	(v2sf) =	vpush v8, $0x1  }
0x93: {  	s17 =	sshra.s32 s6, $0x1F;
	v15 =	vsub.s32 $0x0, v10;
	v17 =	vshll.u32 v5, $0x2;
	s7 =	smul.u32 $0x63E7063F, s29;
	v14 =	vperm.xlane v14, v3;
	s18 =	sshrl.u32 s13, $0x1F  }
0x94: {  	s29 =	sshra.s32 s5, $0x5;
	s5 =	smulhi.u32 $0x63E7063F, s26;
	s8 =	sadd.s32 s8, s25;
	v12 =	vsel vm8, v13, v12;
	v16 =	vmov s18;
	(v2sf) =	vpush v8, $0x0  }
0x95: {  	s25 =	sshrl.u32 s28, $0x1F;
	s26 =	sld [smem:$0x7FC];
	s13 =	sshra.s32 s13, $0x5;
	v11 =	vsel vm8, v14, v11;
	v14 =	vmov s23;
	(v2sf) =	vpush v8, $0x7  }
0x96: {  	s2 =	smul.u32 $0x63E7063F, s17;
	s28 =	sshrl.u32 s31, $0x1F;
	s23 =	sshrl.u32 s8, $0x1F;
	v16 =	vsel vm0, s22, v16;
	v13 =	vadd.s32 v12, v11;
	(v2sf) =	vpush v8, $0x3  }
0x97: {  	s17 =	sshrl.u32 s14, $0x1F;
	[dreg:$0xb] =	wrdreg s25;
	s25 =	sshrl.u32 s1, $0x1F;
	v12 =	vmov s29;
	v16 =	vsel vm1, s23, v16;
	(v2sf) =	vpush v8, $0x4  }
0x98: {  	s18 =	sshra.s32 s8, $0x5;
	s11 =	sadd.s32 s7, s5;
	s29 =	sshra.s32 s26, $0x5;
	v11 =	vmul.u32 $0xFFFFFFAE, v13;
	v12 =	vsel vm0, s15, v12;
	(v2sf) =	vpush v8, $0xC  }
0x99: {  	v19 =	vmov s13;
	s7 =	sshrl.u32 s3, $0x1F;
	s9 =	sadd.s32 s2, s20;
	v16 =	vsel vm2, s25, v16;
	v12 =	vsel vm1, s29, v12;
	s29 =	sshrl.u32 s19, $0x1F  }
0x9a: {  	[dreg:$0xa] =	wrdreg s7;
	s5 =	sshrl.u32 s26, $0x1F;
	vm9 =	vne.s32 v11, v15;
	v11 =	vmov s10;
	s10 =	sshra.s32 s19, $0x5;
	v18 =	vmov s29  }
0x9b: {  	s7 =	sshrl.u32 s4, $0x1F;
	s26 =	sshra.s32 s19, $0x1F;
	s20 =	sshra.s32 s9, $0x5;
	vm9 =	vmand vm13, vm9;
	v11 =	vsel vm0, s21, v11;
	v14 =	vsel vm4, s10, v14  }
0x9c: {  	s8 =	sshra.s32 s11, $0x1F;
	s15 =	sshra.s32 s31, $0x5;
	s25 =	sshrl.u32 s11, $0x1F;
	v18 =	vnsel vm4, $0x0, v18;
	vm13 =	vmmov vm10;
	v15 =	vsel vm9, $0xFFFFFFFF, v1  }
0x9d: {  	s19 =	sshrl.u32 s0, $0x1F;
	s29 =	sshra.s32 s1, $0x5;
	v11 =	vsel vm1, s5, v11;
	(v2sf) =	vpush v8, $0x9;
	v14 =	vsel vm11, s26, v14;
	s5 =	sshra.s32 s0, $0x5  }
0x9e: {  	s1 =	sshra.s32 s14, $0x5;
	s0 =	sshra.s32 s0, $0x1F;
	s26 =	sshra.s32 s3, $0x1F;
	vm9 =	vcmask $0x1F1C;
	v11 =	vsel vm2, s7, v11;
	v14 =	vsel vm0, s5, v14  }
0x9f: {  	(v2sf) =	vpush v8, $0xD;
	[dreg:$0xc] =	wrdreg s26;
	s5 =	sshra.s32 s3, $0x5;
	v13 =	vadd.s32 v15, v13;
	v14 =	vsel vm12, s0, v14;
	s22 =	spop (v2sf)  }
0xa0: {  	s7 =	sshra.s32 s31, $0x1F;
	(v2sf) =	vpush v8, $0x6;
	[dreg:$0xd] =	wrdreg s5;
	v11 =	vcombine.low v11, v16;
	v14 =	vsel vm1, s15, v14;
	s31 =	spop (v2sf)  }
0xa1: {  	v16 =	vsel vm0, s19, v18;
	v15 =	vmul.u32 $0xFFFFFFAE, v13;
	v14 =	vsel vm10, s7, v14;
	s7 =	sshra.s32 s11, $0x5;
	s19 =	smulhi.u32 $0x63E7063F, s22;
	s13 =	spop (v2sf)  }
0xa2: {  	v18 =	vsel vm0, s12, v19;
	v13 =	vshll.u32 v13, $0x1;
	(v2sf) =	vpush v8, $0xE;
	s23 =	smulhi.u32 $0x63E7063F, s31;
	s21 =	sshra.s32 s31, $0x1F;
	s31 =	simm.s32 $0x1380  }
0xa3: {  	v16 =	vsel vm1, s28, v16;
	v18 =	vsel vm1, s18, v18;
	v14 =	vsel vm2, s7, v14;
	s26 =	spop (v2sf);
	s10 =	sshra.s32 s13, $0x1F;
	[dreg:$0x9] =	wrdreg s31  }
0xa4: {  	s0 =	sshra.s32 s14, $0x1F;
	v13 =	vadd.s32 v17, v13;
	v14 =	vsel vm9, s8, v14;
	vm9 =	vcmask $0x2320;
	[dreg:$0xe] =	wrdreg s10;
	s11 =	spop (v2sf)  }
0xa5: {  	v15 =	vadd.s32 v10, v15;
	v10 =	vsel vm2, s29, v18;
	v14 =	vsel vm9, s1, v14;
	s28 =	sshra.s32 s22, $0x1F;
	s12 =	spop (v2sf);
	s1 =	smulhi.u32 $0x63E7063F, s11  }
0xa6: {  	v13 =	vor.u32 v4, v13;
	(v2sf) =	vpush v8, $0xA;
	v14 =	vsel vm15, s0, v14;
	s18 =	sshra.s32 s11, $0x1F;
	s14 =	spop (v2sf);
	s22 =	sshra.s32 s12, $0x1F  }
0xa7: {  	v15 =	vshrl.u32 v15, $0x1;
	(v2sf) =	vpush v8, $0xB;
	v14 =	vsel vm5, s20, v14;
	s0 =	smul.u32 $0x63E7063F, s18;
	s18 =	sshra.s32 s26, $0x1F;
	s20 =	spop (v2sf)  }
0xa8: {  	v15 =	vmul.u32 $0xC, v15;
	vm10 =	vmmov vm9;
	(v2sf) =	vpush v8, $0xF;
	s15 =	smulhi.u32 $0x63E7063F, s14;
	s6 =	sshra.s32 s14, $0x1F;
	s14 =	sshra.s32 s20, $0x1F  }
.LBB2_2:
0xa9: {  	_ =	sdelay $0x2  }
0xaa: {  	s26 =	smulhi.u32 $0x63E7063F, s26;
	s10 =	sshrl.u32 s9, $0x1F;
	s29 =	smov.u32 s24  }
0xab: {  	s11 =	smov.u32 s16;
	s2 =	rddreg [dreg:$0x9];
	s28 =	smul.u32 $0x63E7063F, s28  }
0xac: {  	v16 =	vsel vm2, s25, v16;
	s25 =	smul.u32 $0x63E7063F, s14;
	s8 =	simm.s32 $0x1300;
	p0 =	sne.s32 s16, $0x7A0  }
0xad: {  	s22 =	smul.u32 $0x63E7063F, s22;
	s31 =	smov.u32 s2;
	s11 =	sadd.s32 s0, s1  }
0xae: {  	v15 =	vadd.s32 v5, v15;
	v5 =	vmovc v6;
	v6 =	vmov v9;
	v9 =	vsel vm10, s17, v16;
	s17 =	smul.u32 $0x63E7063F, s21;
	s2 =	rddreg [dreg:$0xa];
	v17 =	vld.idx.msk [tilespmem:v13+s8+$0x0], $0xffff;
	s8 =	sadd.s32 $0x10, s16  }
0xaf: {  	v18 =	vor.u32 s16, v0;
	v19 =	vmov s16;
	s1 =	sshra.s32 s11, $0x1F;
	s16 =	sadd.s32 s28, s19;
	s3 =	spop (v2sf)  }
0xb0: {  	v9 =	vsel vm5, s10, v9;
	s19 =	smul.u32 $0x63E7063F, s6;
	s24 =	sshra.s32 s3, $0x1F;
	s5 =	spop (v2sf)  }
0xb1: {  	v9 =	vsel vm6, s2, v9;
	s21 =	smulhi.u32 $0x63E7063F, s3;
	s3 =	sshra.s32 s4, $0x5;
	s4 =	rddreg [dreg:$0xb]  }
0xb2: {  	s14 =	simm.s32 $0x1100;
	[dreg:$0xf] =	wrdreg s8;
	v16 =	vmov s1;
	v9 =	vsel vm7, s4, v9;
	s1 =	smulhi.u32 $0x63E7063F, s5  }
0xb3: {  	s6 =	rddreg [dreg:$0x7];
	s7 =	sshra.s32 s5, $0x1F;
	v13 =	vperm.xlane v9, v3;
	v9 =	vld.idx.msk [tilespmem:v15+s14+$0x0], $0xffff;
	s14 =	smul.u32 $0x63E7063F, s24  }
0xb4: {  	s17 =	sadd.s32 s17, s23;
	s0 =	spop (v2sf);
	s7 =	smul.u32 $0x63E7063F, s7  }
0xb5: {  	s28 =	sshrl.u32 s16, $0x1F;
	s10 =	sshra.s32 s0, $0x1F;
	s0 =	smulhi.u32 $0x63E7063F, s0  }
0xb6: {  	v12 =	vsel vm2, s3, v12;
	s5 =	spop (v2sf);
	s3 =	smul.u32 $0x63E7063F, s10;
	s10 =	smov.u32 s6  }
0xb7: {  	s23 =	sshra.s32 s5, $0x1F;
	s24 =	spop (v2sf);
	[dreg:$0x9] =	wrdreg s10  }
0xb8: {  	(v2sf) =	vpush v8, $0x5;
	s2 =	sshra.s32 s24, $0x1F;
	s4 =	spop (v2sf);
	s10 =	rddreg [dreg:$0x8]  }
0xb9: {  	v15 =	vmulhi.u32 $0xC7CE0C7D, v18;
	s7 =	sadd.s32 s7, s1;
	s1 =	smulhi.u32 $0x63E7063F, s13;
	s8 =	sshra.s32 s4, $0x1F  }
0xba: {  	s2 =	smul.u32 $0x63E7063F, s2;
	s6 =	smov.u32 s10;
	s10 =	sadd.s32 $0x10, s10  }
0xbb: {  	v15 =	vshrl.u32 v15, $0x7;
	s13 =	sadd.s32 s3, s0;
	s3 =	smulhi.u32 $0x63E7063F, s24;
	[dreg:$0x7] =	wrdreg s6  }
0xbc: {  	vm9 =	veq.s32 v19, v0;
	v19 =	vmul.u32 $0xFFFFFF5C, v15;
	s24 =	smov.u32 s11;
	s11 =	sshrl.u32 s11, $0x1F;
	[dreg:$0x8] =	wrdreg s10  }
0xbd: {  	v20 =	vsub.s32 $0x0, v18;
	s8 =	smul.u32 $0x63E7063F, s8;
	s6 =	sshra.s32 s7, $0x5;
	[dreg:$0xb] =	wrdreg s11  }
0xbe: {  	s11 =	rddreg [dreg:$0xc];
	vm10 =	vne.s32 v19, v20;
	v19 =	vmov s28;
	s28 =	sshra.s32 s29, $0x5;
	s29 =	sshra.s32 s9, $0x1F  }
0xbf: {  	v9 =	vadd.f32 v17, v9;
	s9 =	smulhi.u32 $0x63E7063F, s5;
	s5 =	sadd.s32 s14, s21;
	s21 =	spop (v2sf)  }
0xc0: {  	s2 =	sadd.s32 s2, s3;
	s3 =	smulhi.u32 $0x63E7063F, s4;
	s0 =	sshra.s32 s21, $0x1F  }
0xc1: {  	v11 =	vperm.xlane v11, v2;
	v10 =	vcombine.low v12, v10;
	vm9 =	vmand vm9, vm10;
	[tilespmem:s31+$0x0] =	vst v9;
	s31 =	smulhi.u32 $0x63E7063F, s21;
	s21 =	sshrl.u32 s7, $0x1F;
	s7 =	sshrl.u32 s13, $0x1F  }
0xc2: {  	v17 =	vsel vm9, $0xFFFFFFFF, v1;
	s4 =	sadd.s32 s8, s3;
	s3 =	smul.u32 $0x63E7063F, s18;
	s18 =	rddreg [dreg:$0xe]  }
0xc3: {  	s16 =	sshra.s32 s16, $0x5;
	v10 =	vperm.xlane v10, v2;
	v11 =	vsel vm8, v13, v11;
	s0 =	smul.u32 $0x63E7063F, s0;
	v9 =	vadd.s32 v17, v15;
	[dreg:$0xa] =	wrdreg s7  }
0xc4: {  	s10 =	sshrl.u32 s5, $0x1F;
	v14 =	vsel vm14, s29, v14;
	s29 =	sshra.s32 s5, $0x5;
	v17 =	vmov s16;
	s7 =	rddreg [dreg:$0xd];
	v15 =	vmul.u32 $0xFFFFFF5C, v9  }
0xc5: {  	vm9 =	vlt.s32 v7, $0x1;
	v12 =	vsel vm6, s7, v14;
	v14 =	vsel vm0, s29, v17;
	s29 =	sshra.s32 s2, $0x5;
	s8 =	sadd.s32 s0, s31;
	s0 =	sshrl.u32 s4, $0x1F  }
0xc6: {  	s2 =	sshrl.u32 s2, $0x1F;
	v17 =	vsel vm3, s11, v12;
	v12 =	vsel vm1, s29, v14;
	s29 =	smulhi.u32 $0x63E7063F, s20;
	s11 =	sadd.s32 s19, s15;
	v15 =	vadd.s32 v18, v15  }
0xc7: {  	s19 =	sadd.s32 s3, s26;
	s20 =	smulhi.u32 $0x63E7063F, s12;
	v14 =	vsel vm7, s28, v17;
	v17 =	vsel vm0, s10, v19;
	v18 =	vshll.u32 v5, $0x2;
	s14 =	spop (v2sf)  }
0xc8: {  	v19 =	vsub.s32 $0x0, v7;
	v17 =	vsel vm1, s2, v17;
	s5 =	sadd.s32 s25, s29;
	s29 =	sshra.s32 s19, $0x5;
	(v2sf) =	vpush v15, $0x8;
	s16 =	smulhi.u32 $0x63E7063F, s14  }
0xc9: {  	v14 =	vperm.xlane v14, v3;
	s2 =	sshrl.u32 s19, $0x1F;
	v17 =	vsel vm2, s0, v17;
	(v2sf) =	vpush v15, $0x2;
	s7 =	sshra.s32 s14, $0x1F;
	s14 =	smul.u32 $0x63E7063F, s18  }
0xca: {  	s31 =	sshrl.u32 s5, $0x1F;
	v16 =	vsel vm4, s29, v16;
	v63 =	vmov s2;
	(v2sf) =	vpush v15, $0x1  }
0xcb: {  	s12 =	sadd.s32 s22, s20;
	s18 =	sshra.s32 s19, $0x1F;
	v13 =	vmov s31;
	v10 =	vsel vm8, v14, v10;
	(v2sf) =	vpush v15, $0x0;
	s22 =	sadd.s32 s14, s1  }
0xcc: {  	s26 =	smul.u32 $0x63E7063F, s23;
	v16 =	vsel vm11, s18, v16;
	v10 =	vadd.s32 v11, v10;
	(v2sf) =	vpush v15, $0x7;
	s14 =	sshra.s32 s22, $0x5  }
0xcd: {  	s5 =	sshra.s32 s5, $0x5;
	(v2sf) =	vpush v15, $0x3;
	v11 =	vsel vm0, s14, v16;
	v16 =	vmul.u32 $0xFFFFFFAE, v10  }
0xce: {  	s20 =	sadd.s32 s26, s9;
	v14 =	vmov s5;
	v20 =	vnsel vm4, $0x0, v63;
	(v2sf) =	vpush v15, $0x4  }
0xcf: {  	s31 =	sshrl.u32 s20, $0x1F;
	v13 =	vsel vm0, s21, v13;
	s0 =	sshra.s32 s22, $0x1F;
	(v2sf) =	vpush v15, $0xC;
	vm10 =	vne.s32 v16, v19  }
0xd0: {  	s10 =	sshrl.u32 s8, $0x1F;
	s25 =	sshra.s32 s17, $0x5;
	v13 =	vsel vm1, s31, v13;
	v11 =	vsel vm12, s0, v11;
	vm9 =	vmand vm9, vm10  }
0xd1: {  	s26 =	sshra.s32 s17, $0x1F;
	v16 =	vsel vm1, s25, v11;
	v11 =	vsel vm2, s10, v13;
	v13 =	vsel vm9, $0xFFFFFFFF, v1  }
0xd2: {  	s23 =	smul.u32 $0x63E7063F, s7;
	s7 =	sshrl.u32 s22, $0x1F;
	v11 =	vcombine.low v17, v11;
	v17 =	vsel vm13, s26, v16;
	v10 =	vadd.s32 v13, v10  }
0xd3: {  	s15 =	sshrl.u32 s17, $0x1F;
	s17 =	sshrl.u32 s11, $0x1F;
	vm9 =	vcmask $0x1F1C;
	v13 =	vsel vm0, s7, v20;
	s7 =	sshra.s32 s12, $0x5;
	v19 =	vmul.u32 $0xFFFFFFAE, v10  }
0xd4: {  	s29 =	sshra.s32 s8, $0x5;
	s19 =	sshra.s32 s13, $0x1F;
	s22 =	sshra.s32 s12, $0x1F;
	v10 =	vshll.u32 v10, $0x1;
	v16 =	vsel vm1, s15, v13;
	v13 =	vsel vm2, s7, v17  }
0xd5: {  	s18 =	sshra.s32 s20, $0x5;
	[dreg:$0xc] =	wrdreg s19;
	s0 =	sshra.s32 s11, $0x5;
	vm10 =	vcmask $0x2320;
	v10 =	vadd.s32 v18, v10;
	v17 =	vsel vm9, s22, v13  }
0xd6: {  	s21 =	sshra.s32 s13, $0x5;
	s9 =	sadd.s32 s23, s16;
	s14 =	sshra.s32 s11, $0x1F;
	v13 =	vor.u32 v4, v10;
	v10 =	vsel vm0, s6, v14;
	v14 =	vsel vm10, s0, v17  }
0xd7: {  	[dreg:$0xd] =	wrdreg s21;
	s16 =	sshra.s32 s9, $0x5;
	v14 =	vsel vm15, s14, v14;
	s3 =	spop (v2sf)  }
0xd8: {  	s25 =	sshrl.u32 s12, $0x1F;
	v14 =	vsel vm5, s16, v14;
	s16 =	rddreg [dreg:$0xf];
	s20 =	spop (v2sf)  }
0xd9: {  	(v2sf) =	vpush v15, $0x9;
	s19 =	smulhi.u32 $0x63E7063F, s3;
	s28 =	sshra.s32 s3, $0x1F;
	s13 =	spop (v2sf)  }
0xda: {  	(v2sf) =	vpush v15, $0xD;
	s23 =	smulhi.u32 $0x63E7063F, s20;
	s21 =	sshra.s32 s20, $0x1F;
	s26 =	spop (v2sf)  }
.Ltmp0:
0xdb: {  	(v2sf) =	vpush v15, $0x6;
	s31 =	sshra.s32 s13, $0x1F;
	s10 =	spop (v2sf);
	(pc) =	sbr.rel @p0 .LBB2_2-.Ltmp0, $4  }
0xdc: {  	(v2sf) =	vpush v15, $0xE;
	v10 =	vsel vm1, s18, v10;
	[dreg:$0xe] =	wrdreg s31;
	s18 =	sshra.s32 s26, $0x1F;
	s12 =	spop (v2sf)  }
0xdd: {  	v18 =	vadd.s32 v7, v19;
	(v2sf) =	vpush v15, $0xA;
	s1 =	smulhi.u32 $0x63E7063F, s10;
	s11 =	sshra.s32 s10, $0x1F;
	s31 =	spop (v2sf)  }
0xde: {  	v7 =	vmovc v8;
	v8 =	vmov v15;
	(v2sf) =	vpush v15, $0xB;
	v15 =	vshrl.u32 v18, $0x1;
	s22 =	sshra.s32 s12, $0x1F;
	s0 =	smul.u32 $0x63E7063F, s11;
	s20 =	spop (v2sf)  }
0xdf: {  	v10 =	vsel vm2, s29, v10;
	v15 =	vmul.u32 $0xC, v15;
	s15 =	smulhi.u32 $0x63E7063F, s31;
	s6 =	sshra.s32 s31, $0x1F;
	(v2sf) =	vpush v8, $0xF;
	s14 =	sshra.s32 s20, $0x1F  }
0xe0: {  	_ = 	snop  }
0xe1: {  	s2 =	smulhi.u32 $0x63E7063F, s26  }
0xe2: {  	s7 =	smul.u32 $0x63E7063F, s28  }
0xe3: {  	s5 =	smul.u32 $0x63E7063F, s21  }
0xe4: {  	s14 =	smul.u32 $0x63E7063F, s14  }
0xe5: {  	s28 =	smul.u32 $0x63E7063F, s6  }
0xe6: {  	s20 =	smulhi.u32 $0x63E7063F, s20  }
0xe7: {  	s13 =	smulhi.u32 $0x63E7063F, s13;
	[smem:$0x7EA] =	sst s2  }
0xe8: {  	s5 =	sadd.s32 s5, s23;
	s23 =	smul.u32 $0x63E7063F, s18;
	s8 =	spop (v2sf)  }
0xe9: {  	s11 =	smov.u32 s24;
	s10 =	spop (v2sf);
	s16 =	smulhi.u32 $0x63E7063F, s8  }
0xea: {  	s8 =	sshra.s32 s8, $0x1F;
	s26 =	spop (v2sf);
	s21 =	smulhi.u32 $0x63E7063F, s10  }
0xeb: {  	s10 =	sshra.s32 s10, $0x1F;
	s8 =	smul.u32 $0x63E7063F, s8;
	[smem:$0x7EB] =	sst s26  }
0xec: {  	s0 =	sadd.s32 s0, s1;
	v16 =	vsel vm2, s25, v16;
	s24 =	spop (v2sf);
	s10 =	smul.u32 $0x63E7063F, s10  }
0xed: {  	v16 =	vsel vm10, s17, v16;
	s25 =	sshra.s32 s0, $0x1F;
	s26 =	spop (v2sf);
	s17 =	smulhi.u32 $0x63E7063F, s24  }
0xee: {  	s7 =	sadd.s32 s7, s19;
	s2 =	sshra.s32 s26, $0x1F;
	s26 =	smulhi.u32 $0x63E7063F, s26  }
0xef: {  	s29 =	spop (v2sf);
	s19 =	sadd.s32 s10, s21;
	s21 =	smulhi.u32 $0x63E7063F, s12  }
0xf0: {  	v17 =	vmov s25;
	s25 =	rddreg [dreg:$0xd];
	(v2sf) =	vpush v8, $0x5;
	s31 =	smul.u32 $0x63E7063F, s2;
	s3 =	sshra.s32 s29, $0x1F  }
0xf1: {  	s8 =	sadd.s32 s8, s16;
	s12 =	sadd.s32 s28, s15;
	s6 =	smul.u32 $0x63E7063F, s3  }
0xf2: {  	s10 =	sadd.s32 s14, s20;
	s3 =	smul.u32 $0x63E7063F, s22;
	s22 =	spop (v2sf)  }
0xf3: {  	s14 =	sshra.s32 s24, $0x1F;
	s2 =	smulhi.u32 $0x63E7063F, s22;
	s22 =	sshra.s32 s22, $0x1F  }
0xf4: {  	s20 =	sshrl.u32 s7, $0x1F;
	s24 =	rddreg [dreg:$0xa];
	s22 =	smul.u32 $0x63E7063F, s22  }
0xf5: {  	s7 =	sshra.s32 s7, $0x5;
	s29 =	smulhi.u32 $0x63E7063F, s29;
	v18 =	vmov s20;
	s20 =	rddreg [dreg:$0xc]  }
0xf6: {  	s1 =	sadd.s32 s22, s2;
	s22 =	sld [smem:$0x7EA];
	s2 =	sshra.s32 s4, $0x5  }
0xf7: {  	s18 =	sadd.s32 s31, s26;
	s26 =	rddreg [dreg:$0xb];
	s16 =	sadd.s32 s6, s29;
	v12 =	vsel vm2, s2, v12  }
0xf8: {  	v11 =	vperm.xlane v11, v2;
	s15 =	sadd.s32 s3, s21;
	s3 =	sshra.s32 s11, $0x5;
	s21 =	rddreg [dreg:$0xe];
	v10 =	vcombine.low v12, v10  }
0xf9: {  	v58 =	vsub.s32 $0x0, v7;
	v5 =	vadd.s32 v5, v15;
	v19 =	vmov s7;
	s6 =	sadd.s32 s23, s22;
	s23 =	sshrl.u32 s9, $0x1F;
	s9 =	sshra.s32 s9, $0x1F  }
0xfa: {  	s11 =	sshra.s32 s19, $0x5;
	v16 =	vsel vm5, s23, v16;
	s23 =	sshrl.u32 s8, $0x1F;
	v14 =	vsel vm14, s9, v14;
	s8 =	sshra.s32 s8, $0x5;
	v10 =	vperm.xlane v10, v2  }
0xfb: {  	s2 =	smul.u32 $0x63E7063F, s21;
	s21 =	sshra.s32 s18, $0x5;
	v16 =	vsel vm6, s24, v16;
	s24 =	sshra.s32 s6, $0x5;
	v14 =	vsel vm6, s25, v14;
	v19 =	vsel vm0, s8, v19  }
0xfc: {  	s22 =	sld [smem:$0x7EB];
	v18 =	vsel vm0, s23, v18;
	s23 =	sshrl.u32 s18, $0x1F;
	s18 =	sshrl.u32 s19, $0x1F;
	v16 =	vsel vm7, s26, v16;
	v17 =	vsel vm4, s24, v17  }
0xfd: {  	s19 =	sshra.s32 s10, $0x5;
	s26 =	smul.u32 $0x63E7063F, s14;
	s14 =	sshra.s32 s6, $0x1F;
	v14 =	vsel vm3, s20, v14;
	v19 =	vsel vm1, s21, v19;
	v18 =	vsel vm1, s23, v18  }
0xfe: {  	s2 =	sadd.s32 s2, s13;
	s25 =	sshrl.u32 s16, $0x1F;
	s6 =	sshrl.u32 s6, $0x1F;
	v22 =	vmov s19;
	v17 =	vsel vm11, s14, v17;
	v14 =	vsel vm7, s3, v14  }
0xff: {  	s7 =	spop (v2sf);
	s24 =	sshra.s32 s2, $0x5;
	v18 =	vsel vm2, s25, v18;
	s14 =	sshrl.u32 s10, $0x1F;
	v21 =	vmov s6;
	v22 =	vsel vm0, s11, v22  }
0x100: {  	s4 =	sshra.s32 s22, $0x1F;
	v16 =	vperm.xlane v16, v3;
	s8 =	sadd.s32 s26, s17;
	v17 =	vsel vm0, s24, v17;
	s26 =	sshra.s32 s2, $0x1F;
	v20 =	vmov s14  }
0x101: {  	s20 =	sshra.s32 s5, $0x1F;
	s21 =	smulhi.u32 $0x63E7063F, s7;
	s2 =	sshrl.u32 s2, $0x1F;
	v21 =	vnsel vm4, $0x0, v21;
	v14 =	vperm.xlane v14, v3;
	v17 =	vsel vm12, s26, v17  }
0x102: {  	s17 =	sshra.s32 s5, $0x5;
	s5 =	sshrl.u32 s5, $0x1F;
	v20 =	vsel vm0, s18, v20;
	s23 =	sshrl.u32 s8, $0x1F;
	v21 =	vsel vm0, s2, v21;
	v11 =	vsel vm8, v16, v11  }
0x103: {  	s25 =	sshrl.u32 s1, $0x1F;
	s6 =	sshra.s32 s7, $0x1F;
	s9 =	sshra.s32 s8, $0x5;
	v17 =	vsel vm1, s17, v17;
	v20 =	vsel vm1, s23, v20;
	v21 =	vsel vm1, s5, v21  }
0x104: {  	s4 =	smul.u32 $0x63E7063F, s4;
	s1 =	sshra.s32 s1, $0x5;
	s24 =	sshra.s32 s15, $0x5;
	v22 =	vsel vm1, s9, v22;
	v10 =	vsel vm8, v14, v10;
	v17 =	vsel vm13, s20, v17  }
0x105: {  	s13 =	sshrl.u32 s15, $0x1F;
	s26 =	sshra.s32 s15, $0x1F;
	s2 =	smul.u32 $0x63E7063F, s6;
	v20 =	vsel vm2, s25, v20;
	v52 =	vsel vm2, s1, v22;
	v17 =	vsel vm2, s24, v17  }
0x106: {  	s7 =	sshra.s32 s12, $0x5;
	s11 =	smulhi.u32 $0x63E7063F, s22;
	s15 =	sshrl.u32 s12, $0x1F;
	v21 =	vsel vm2, s13, v21;
	v10 =	vadd.s32 v11, v10;
	v17 =	vsel vm9, s26, v17  }
0x107: {  	s10 =	sshra.s32 s12, $0x1F;
	s2 =	sadd.s32 s2, s21;
	s21 =	sshra.s32 s16, $0x5;
	v53 =	vsel vm10, s15, v21;
	v56 =	vmul.u32 $0xFFFFFFAE, v10;
	v17 =	vsel vm10, s7, v17  }
0x108: {  	s1 =	sadd.s32 s4, s11;
	s14 =	sshra.s32 s2, $0x5;
	s17 =	sshrl.u32 s2, $0x1F;
	v57 =	vsel vm2, s21, v19;
	v59 =	vcombine.low v18, v20;
	v17 =	vsel vm15, s10, v17  }
0x109: {  	s2 =	sshra.s32 s2, $0x1F;
	s18 =	sshrl.u32 s1, $0x1F;
	v16 =	vsel vm5, s17, v53;
	v12 =	vcombine.low v57, v52;
	v17 =	vsel vm5, s14, v17  }
0x10a: {  	s19 =	sshra.s32 s1, $0x5;
	v16 =	vsel vm6, s18, v16;
	vm9 =	vne.s32 v56, v58;
	v54 =	vsel vm14, s2, v17  }
0x10b: {  	s20 =	sshrl.u32 s0, $0x1F;
	s1 =	sshra.s32 s1, $0x1F;
	vm10 =	vlt.s32 v7, $0x1;
	v15 =	vperm.xlane v59, v2;
	v14 =	vsel vm6, s19, v54  }
0x10c: {  	s0 =	sshra.s32 s0, $0x5;
	v55 =	vsel vm7, s20, v16;
	vm9 =	vmand vm10, vm9;
	v14 =	vsel vm3, s1, v14  }
0x10d: {  	v12 =	vperm.xlane v12, v2;
	v60 =	vsel vm9, $0xFFFFFFFF, v1;
	v14 =	vsel vm7, s0, v14  }
0x10e: {  	v11 =	vperm.xlane v55, v3;
	v10 =	vadd.s32 v60, v10;
	v14 =	vperm.xlane v14, v3  }
0x10f: {  	s22 =	simm.s32 $0x1300;
	v16 =	vmul.u32 $0xFFFFFFAE, v10  }
0x110: {  	v13 =	vld.idx.msk [tilespmem:v13+s22+$0x0], $0xffff;
	s23 =	simm.s32 $0x1100;
	v11 =	vsel vm8, v11, v15;
	v12 =	vsel vm8, v14, v12  }
0x111: {  	v61 =	vshll.u32 v6, $0x2;
	v5 =	vld.idx.msk [tilespmem:v5+s23+$0x0], $0xffff;
	v7 =	vadd.s32 v7, v16;
	v11 =	vadd.s32 v11, v12  }
0x112: {  	v10 =	vshll.u32 v10, $0x1;
	v7 =	vshrl.u32 v7, $0x1;
	v12 =	vmul.u32 $0xFFFFFFAE, v11  }
0x113: {  	v62 =	vsub.s32 $0x0, v8;
	v10 =	vadd.s32 v61, v10;
	v7 =	vmul.u32 $0xC, v7  }
0x114: {  	vm9 =	vlt.s32 v8, $0x1;
	v10 =	vor.u32 v4, v10;
	vm10 =	vne.s32 v12, v62  }
0x115: {  	v6 =	vadd.s32 v6, v7;
	vm9 =	vmand vm9, vm10  }
0x116: {  	v5 =	vadd.f32 v13, v5;
	v7 =	vsel vm9, $0xFFFFFFFF, v1  }
0x117: {  	s24 =	rddreg [dreg:$0x9];
	v7 =	vadd.s32 v7, v11  }
0x118: {  	[tilespmem:s24+$0x0] =	vst v5;
	v5 =	vmul.u32 $0xFFFFFFAE, v7  }
0x119: {  	v10 =	vld.idx.msk [tilespmem:v10+s22+$0x0], $0xffff  }
0x11a: {  	v6 =	vld.idx.msk [tilespmem:v6+s23+$0x0], $0xffff;
	v5 =	vadd.s32 v8, v5  }
0x11b: {  	v63 =	vshll.u32 v9, $0x2;
	v7 =	vshll.u32 v7, $0x1;
	v5 =	vshrl.u32 v5, $0x1  }
0x11c: {  	v7 =	vadd.s32 v63, v7;
	v5 =	vmul.u32 $0xC, v5  }
0x11d: {  	v7 =	vor.u32 v4, v7  }
0x11e: {  	v5 =	vadd.s32 v9, v5  }
0x11f: {  	v6 =	vadd.f32 v10, v6  }
0x120: {  	s25 =	rddreg [dreg:$0x7]  }
0x121: {  	[tilespmem:s25+$0x0] =	vst v6  }
0x122: {  	v6 =	vld.idx.msk [tilespmem:v7+s22+$0x0], $0xffff  }
0x123: {  	v5 =	vld.idx.msk [tilespmem:v5+s23+$0x0], $0xffff  }
0x124: {  	s28 =	rddreg [dreg:$0x18]  }
0x125: {  	s31 =	rddreg [dreg:$0x1a]  }
0x126: {  	s29 =	rddreg [dreg:$0x19]  }
0x127: {  	s21 =	rddreg [dreg:$0x5]  }
0x128: {  	s26 =	rddreg [dreg:$0x8];
	v5 =	vadd.f32 v6, v5  }
0x129: {  	s25 =	rddreg [dreg:$0x12]  }
0x12a: {  	s2 =	simm.s32 $0x0;
	[tilespmem:s26+$0x0] =	vst v5;
	s26 =	rddreg [dreg:$0x17]  }
.LBB2_4:
0x12b: {  	p0 =	seq.s32 s2, $0x0  }
0x12c: {  	s0 =	simm.s32 @!p0 $0x1  }
0x12d: {  	_ =	swait.ge @!p0 [sflag:s0], $0x800  }
0x12e: {  	[sflag:s0] =	ssyncset.done @!p0 $0x0  }
0x12f: {  	[sflag:s0] =	ssyncadd.s32 @!p0 $0xFFFFF800  }
0x130: {  	_ =	swait.ge @!p0 [sflag:s0], $0x800  }
0x131: {  	[sflag:s0] =	ssyncset.done @!p0 $0x0  }
0x132: {  	[sflag:s0] =	ssyncadd.s32 @!p0 $0xFFFFF800  }
0x133: {  	_ =	swait.ge @!p0 [sflag:s0], $0x800  }
0x134: {  	[sflag:s0] =	ssyncset.done @!p0 $0x0  }
0x135: {  	[sflag:s0] =	ssyncadd.s32 @!p0 $0xFFFFF800  }
0x136: {  	_ =	swait.ge @!p0 [sflag:s0], $0x800  }
0x137: {  	[sflag:s0] =	ssyncset.done @!p0 $0x0  }
0x138: {  	[sflag:s0] =	ssyncadd.s32 @!p0 $0xFFFFF800  }
0x139: {  	_ =	swait.ge @!p0 [sflag:s0], $0x800  }
0x13a: {  	[sflag:s0] =	ssyncset.done @!p0 $0x0  }
0x13b: {  	[sflag:s0] =	ssyncadd.s32 @!p0 $0xFFFFF800  }
0x13c: {  	_ =	swait.ge @!p0 [sflag:s0], $0x800  }
0x13d: {  	[sflag:s0] =	ssyncset.done @!p0 $0x0  }
0x13e: {  	[sflag:s0] =	ssyncadd.s32 @!p0 $0xFFFFF800  }
0x13f: {  	_ =	swait.ge @!p0 [sflag:s0], $0x800  }
0x140: {  	[sflag:s0] =	ssyncset.done @!p0 $0x0  }
0x141: {  	[sflag:s0] =	ssyncadd.s32 @!p0 $0xFFFFF800  }
0x142: {  	_ =	swait.ge @!p0 [sflag:s0], $0x800  }
0x143: {  	[sflag:s0] =	ssyncset.done @!p0 $0x0  }
0x144: {  	[sflag:s0] =	ssyncadd.s32 @!p0 $0xFFFFF800  }
0x145: {  	_ =	swait.ge @!p0 [sflag:s0], $0x800  }
0x146: {  	[sflag:s0] =	ssyncset.done @!p0 $0x0  }
0x147: {  	[sflag:s0] =	ssyncadd.s32 @!p0 $0xFFFFF800  }
0x148: {  	_ =	swait.ge @!p0 [sflag:s0], $0x800  }
0x149: {  	s24 =	sshll.u32 s2, $0x1;
	[sflag:s0] =	ssyncset.done @!p0 $0x0  }
0x14a: {  	v5 =	vmov s24;
	[sflag:s0] =	ssyncadd.s32 @!p0 $0xFFFFF800  }
0x14b: {  	v5 =	vbroadcast v5, $0x0;
	_ =	swait.ge @!p0 [sflag:s0], $0x800  }
0x14c: {  	[sflag:s0] =	ssyncset.done @!p0 $0x0  }
0x14d: {  	[sflag:s0] =	ssyncadd.s32 @!p0 $0xFFFFF800  }
0x14e: {  	_ =	swait.ge @!p0 [sflag:s0], $0x800  }
0x14f: {  	[sflag:s0] =	ssyncset.done @!p0 $0x0  }
0x150: {  	s16 =	simm.s32 $0x1000;
	[sflag:s0] =	ssyncadd.s32 @!p0 $0xFFFFF800  }
0x151: {  	s17 =	simm.s32 $0x10;
	v6 =	vld.idx.msk [tilespmem:v5+s16+$0x0], $0xffff  }
0x152: {  	v7 =	vld [tilespmem:s17+$0xFFFFFFF0];
	_ =	sdelay $0x4  }
0x153: {  	v7 =	vsub.f32 v6, v7;
	_ =	sdelay $0x1  }
0x154: {  	v7 =	vmax.f32 v7, $-2.000000000e+01  }
0x155: {  	v8 =	vld [tilespmem:s17+$0x0];
	v7 =	vmin.f32 v7, $2.000000000e+01  }
0x156: {  	v7 =	vadd.f32 $2.000000000e+01, v7;
	_ =	sdelay $0x1  }
0x157: {  	v7 =	vadd.f32 $5.000000000e-01, v7;
	_ =	sdelay $0x1  }
0x158: {  	s18 =	simm.s32 $0x1080;
	v8 =	vsub.f32 v6, v8;
	v9 =	vtrunc.f32 v7  }
0x159: {  	v5 =	vld.idx.msk [tilespmem:v5+s18+$0x0], $0xffff;
	v10 =	vcvt.f32.s32 v9  }
0x15a: {  	s19 =	simm.s32 $0x810;
	v8 =	vmax.f32 v8, $-2.000000000e+01  }
0x15b: {  	v11 =	vld [tilespmem:s19+$0xFFFFFFF0];
	v8 =	vmin.f32 v8, $2.000000000e+01;
	v12 =	vand.u32 $0x1, v10  }
0x15c: {  	v8 =	vadd.f32 $2.000000000e+01, v8;
	vm9 =	veq.f32 v7, v9;
	vm10 =	veq.s32 v12, $0x1  }
0x15d: {  	vm9 =	vmand vm9, vm10  }
0x15e: {  	v5 =	vmul.u32 $0x52, v5;
	v7 =	vadd.f32 $5.000000000e-01, v8;
	v8 =	vsel vm9, $0xFFFFFFFF, v1  }
0x15f: {  	s20 =	simm.s32 $0x830;
	v8 =	vadd.s32 v10, v8  }
0x160: {  	v13 =	vld [tilespmem:s20+$0x0];
	v9 =	vtrunc.f32 v7;
	v10 =	vadd.s32 v5, v11;
	v8 =	vshll.u32 v8, $0x1  }
0x161: {  	s22 =	simm.s32 $0x30;
	v15 =	vld [tilespmem:s20+$0xFFFFFFF0];
	v12 =	vcvt.f32.s32 v9;
	v8 =	vadd.s32 v8, v10  }
0x162: {  	v17 =	vld [tilespmem:s22+$0xFFFFFFF0];
	v10 =	vadd.s32 $0x334, v8  }
0x163: {  	s9 =	simm.s32 $0x50;
	v14 =	vand.u32 $0x1, v12;
	v11 =	vld [tilespmem:s19+$0x0];
	v16 =	vadd.s32 $0x290, v8  }
0x164: {  	v43 =	vld [tilespmem:s9+$0x0];
	vm9 =	veq.f32 v7, v9;
	vm10 =	veq.s32 v14, $0x1;
	v14 =	vadd.s32 $0x47C, v8  }
0x165: {  	v9 =	vld [tilespmem:s22+$0x0];
	vm9 =	vmand vm9, vm10;
	v18 =	vadd.s32 $0x520, v8  }
0x166: {  	v7 =	vsel vm9, $0xFFFFFFFF, v1;
	v19 =	vadd.s32 $0x1EC, v8;
	v20 =	vld.idx.msk [tilespmem:v8+s30+$0x0], $0xffff  }
0x167: {  	v12 =	vadd.s32 v12, v7;
	v21 =	vadd.s32 $0x148, v8;
	v7 =	vld.idx.msk [tilespmem:v10+s30+$0x0], $0xffff  }
0x168: {  	v11 =	vadd.s32 v5, v11;
	v10 =	vshll.u32 v12, $0x1;
	v26 =	vld.idx.msk [tilespmem:v16+s30+$0x0], $0xffff;
	v12 =	vadd.s32 $0x3D8, v8  }
0x169: {  	v23 =	vld.idx.msk [tilespmem:v14+s30+$0x0], $0xffff;
	v22 =	vadd.s32 v10, v11;
	v10 =	vadd.s32 $0x70C, v8  }
0x16a: {  	v24 =	vld.idx.msk [tilespmem:v18+s30+$0x0], $0xffff;
	v11 =	vadd.s32 $0x70C, v22  }
0x16b: {  	v17 =	vsub.f32 v6, v17;
	v25 =	vld.idx.msk [tilespmem:v19+s30+$0x0], $0xffff;
	v14 =	vadd.s32 $0x5C4, v22  }
0x16c: {  	v27 =	vld.idx.msk [tilespmem:v21+s30+$0x0], $0xffff;
	v16 =	vadd.s32 $0xA4, v22  }
0x16d: {  	v17 =	vmax.f32 v17, $-2.000000000e+01;
	v18 =	vadd.s32 $0x47C, v22;
	v12 =	vld.idx.msk [tilespmem:v12+s30+$0x0], $0xffff  }
0x16e: {  	v17 =	vmin.f32 v17, $2.000000000e+01;
	v19 =	vadd.s32 $0x3D8, v22;
	v28 =	vld.idx.msk [tilespmem:v10+s30+$0x0], $0xffff  }
0x16f: {  	v17 =	vadd.f32 $2.000000000e+01, v17;
	v21 =	vadd.s32 $0x334, v22;
	v29 =	vld.idx.msk [tilespmem:v11+s30+$0x0], $0xffff  }
0x170: {  	v31 =	vadd.s32 $0x668, v22;
	v30 =	vld.idx.msk [tilespmem:v14+s30+$0x0], $0xffff  }
0x171: {  	v17 =	vadd.f32 $5.000000000e-01, v17;
	v9 =	vsub.f32 v6, v9;
	v10 =	vadd.s32 $0x148, v22;
	v11 =	vld.idx.msk [tilespmem:v16+s30+$0x0], $0xffff  }
0x172: {  	v32 =	vadd.s32 $0xA4, v8;
	v33 =	vld.idx.msk [tilespmem:v18+s30+$0x0], $0xffff  }
0x173: {  	v34 =	vtrunc.f32 v17;
	v9 =	vmax.f32 v9, $-2.000000000e+01;
	v14 =	vadd.s32 $0x290, v22;
	v35 =	vld.idx.msk [tilespmem:v19+s30+$0x0], $0xffff  }
0x174: {  	v37 =	vcvt.f32.s32 v34;
	v9 =	vmin.f32 v9, $2.000000000e+01;
	v18 =	vadd.s32 $0x1EC, v22;
	v45 =	vld.idx.msk [tilespmem:v21+s30+$0x0], $0xffff  }
0x175: {  	v36 =	vadd.s32 $0x668, v8;
	v9 =	vadd.f32 $2.000000000e+01, v9;
	v39 =	vld.idx.msk [tilespmem:v31+s30+$0x0], $0xffff  }
0x176: {  	v21 =	vadd.s32 $0x5C4, v8;
	v8 =	vand.u32 $0x1, v37;
	v16 =	vld.idx.msk [tilespmem:v10+s30+$0x0], $0xffff  }
0x177: {  	vm9 =	veq.f32 v17, v34;
	v31 =	vadd.f32 $5.000000000e-01, v9;
	vm10 =	veq.s32 v8, $0x1;
	v10 =	vld.idx.msk [tilespmem:v32+s30+$0x0], $0xffff  }
0x178: {  	vm9 =	vmand vm9, vm10;
	v19 =	vld.idx.msk [tilespmem:v14+s30+$0x0], $0xffff  }
0x179: {  	v38 =	vadd.s32 $0x520, v22;
	v17 =	vtrunc.f32 v31;
	v9 =	vsel vm9, $0xFFFFFFFF, v1;
	v8 =	vld.idx.msk [tilespmem:v18+s30+$0x0], $0xffff  }
0x17a: {  	s5 =	simm.s32 $0x1B80;
	s23 =	simm.s32 $0x0;
	v59 =	vcvt.f32.s32 v17;
	v60 =	vadd.s32 v37, v9;
	v14 =	vld.idx.msk [tilespmem:v36+s30+$0x0], $0xffff  }
0x17b: {  	s7 =	sand.u32 $0x7E0, s23;
	v15 =	vadd.s32 v5, v15;
	v18 =	vld.idx.msk [tilespmem:v21+s30+$0x0], $0xffff;
	v21 =	vshll.u32 v60, $0x1;
	[tilespmem:s5+$0x0] =	vst v20  }
0x17c: {  	v62 =	vld [tilespmem:s9+$0xFFFFFFF0];
	v20 =	vand.u32 $0x1, v59;
	v21 =	vadd.s32 v21, v15;
	[tilespmem:s7+$0x2B80] =	vst v27  }
0x17d: {  	vm9 =	veq.f32 v31, v17;
	v32 =	vld.idx.msk [tilespmem:v22+s30+$0x0], $0xffff;
	vm10 =	veq.s32 v20, $0x1;
	[tilespmem:s7+$0x7380] =	vst v28;
	v15 =	vadd.s32 $0x334, v21  }
0x17e: {  	s8 =	simm.s32 $0x850;
	v27 =	vld.idx.msk [tilespmem:v38+s30+$0x0], $0xffff;
	[tilespmem:s5+$0x5810] =	vst v29;
	vm9 =	vmand vm9, vm10;
	v20 =	vadd.s32 $0x290, v21  }
0x17f: {  	v17 =	vld [tilespmem:s8+$0xFFFFFFF0];
	[tilespmem:s7+$0x5B80] =	vst v24;
	v61 =	vadd.s32 $0x47C, v21;
	v22 =	vsel vm9, $0xFFFFFFFF, v1  }
0x180: {  	v9 =	vld [tilespmem:s8+$0x0];
	[tilespmem:s7+$0x4B80] =	vst v12;
	v40 =	vadd.s32 $0x520, v21;
	v22 =	vadd.s32 v59, v22  }
0x181: {  	[tilespmem:s7+$0x5380] =	vst v23;
	v41 =	vadd.s32 $0x1EC, v21;
	v12 =	vshll.u32 v22, $0x1;
	v22 =	vld.idx.msk [tilespmem:v21+s30+$0x0], $0xffff  }
0x182: {  	v43 =	vsub.f32 v6, v43;
	[tilespmem:s5+$0x4810] =	vst v30;
	v30 =	vsub.f32 v6, v62;
	v44 =	vadd.s32 $0x148, v21;
	v23 =	vld.idx.msk [tilespmem:v15+s30+$0x0], $0xffff  }
0x183: {  	v13 =	vadd.s32 v5, v13;
	[tilespmem:s7+$0x3380] =	vst v25;
	v24 =	vadd.s32 $0xA4, v21;
	v46 =	vadd.s32 $0x3D8, v21;
	v29 =	vld.idx.msk [tilespmem:v20+s30+$0x0], $0xffff  }
0x184: {  	[tilespmem:s5+$0x3810] =	vst v33;
	v42 =	vadd.s32 $0x70C, v21;
	v63 =	vmax.f32 v30, $-2.000000000e+01;
	v12 =	vadd.s32 v12, v13;
	v13 =	vld.idx.msk [tilespmem:v61+s30+$0x0], $0xffff  }
0x185: {  	[tilespmem:s5+$0x3010] =	vst v35;
	v37 =	vadd.s32 $0xA4, v12;
	v34 =	vadd.s32 $0x148, v12;
	v20 =	vld.idx.msk [tilespmem:v40+s30+$0x0], $0xffff;
	v40 =	vadd.s32 $0x70C, v12  }
0x186: {  	[tilespmem:s5+$0x5010] =	vst v39;
	v28 =	vadd.s32 $0x1EC, v12;
	v31 =	vadd.s32 $0x290, v12;
	v15 =	vld.idx.msk [tilespmem:v41+s30+$0x0], $0xffff;
	v41 =	vadd.s32 $0x5C4, v12  }
0x187: {  	s11 =	simm.s32 $0x4;
	s3 =	simm.s32 $0x20;
	[tilespmem:s7+$0x3B80] =	vst v26;
	v36 =	vadd.s32 $0x334, v12;
	v33 =	vadd.s32 $0x668, v12;
	v25 =	vadd.s32 $0x520, v12;
	v30 =	vld.idx.msk [tilespmem:v44+s30+$0x0], $0xffff  }
0x188: {  	s4 =	simm.s32 $0x1BA0;
	s10 =	simm.s32 $0x20;
	s0 =	simm.s32 $0x1BA0;
	[tilespmem:s5+$0x2810] =	vst v45;
	v38 =	vadd.s32 $0x3D8, v12;
	v39 =	vadd.s32 $0x47C, v12;
	v44 =	vmin.f32 v63, $2.000000000e+01;
	v26 =	vld.idx.msk [tilespmem:v46+s30+$0x0], $0xffff  }
.LBB2_5:
0x189: {  	s11 =	sadd.s32 $0x2, s11;
	v42 =	vld.idx.msk [tilespmem:v42+s30+$0x0], $0xffff;
	s0 =	sadd.s32 $0x20, s0;
	s3 =	sadd.s32 $0x20, s3;
	[tilespmem:s5+$0x2010] =	vst v19;
	v35 =	vmov v29  }
0x18a: {  	p1 =	slt.u32 s11, $0x7E;
	v19 =	vmax.f32 v43, $-2.000000000e+01;
	v29 =	vld.idx.msk [tilespmem:v40+s30+$0x0], $0xffff;
	[tilespmem:s5+$0x1010] =	vst v16  }
0x18b: {  	v16 =	vadd.f32 $2.000000000e+01, v44;
	v19 =	vmin.f32 v19, $2.000000000e+01;
	v41 =	vld.idx.msk [tilespmem:v41+s30+$0x0], $0xffff;
	[tilespmem:s5+$0x10] =	vst v32  }
0x18c: {  	v19 =	vadd.f32 $2.000000000e+01, v19;
	v32 =	vld.idx.msk [tilespmem:v37+s30+$0x0], $0xffff;
	[tilespmem:s7+$0x4380] =	vst v7;
	v7 =	vmov v23  }
0x18d: {  	v23 =	vadd.f32 $5.000000000e-01, v16;
	v43 =	vld.idx.msk [tilespmem:v39+s30+$0x0], $0xffff;
	[tilespmem:s5+$0x810] =	vst v11  }
0x18e: {  	v11 =	vadd.f32 $5.000000000e-01, v19;
	v44 =	vld.idx.msk [tilespmem:v38+s30+$0x0], $0xffff;
	[tilespmem:s5+$0x4010] =	vst v27  }
0x18f: {  	v19 =	vtrunc.f32 v23;
	v27 =	vadd.s32 $0x668, v21;
	v16 =	vld.idx.msk [tilespmem:v34+s30+$0x0], $0xffff;
	[tilespmem:s7+$0x6380] =	vst v18  }
0x190: {  	v18 =	vcvt.f32.s32 v19;
	vm9 =	veq.f32 v23, v19;
	v19 =	vtrunc.f32 v11;
	v45 =	vld.idx.msk [tilespmem:v36+s30+$0x0], $0xffff;
	[tilespmem:s7+$0x6B80] =	vst v14  }
0x191: {  	v21 =	vadd.s32 $0x5C4, v21;
	v23 =	vcvt.f32.s32 v19;
	vm10 =	veq.f32 v11, v19;
	v19 =	vld.idx.msk [tilespmem:v31+s30+$0x0], $0xffff;
	[tilespmem:s7+$0x2380] =	vst v10  }
0x192: {  	v10 =	vand.u32 $0x1, v18;
	v46 =	vld.idx.msk [tilespmem:v33+s30+$0x0], $0xffff;
	[tilespmem:s5+$0x1810] =	vst v8;
	v11 =	vmov v32;
	s5 =	smov.u32 s4;
	s4 =	smov.u32 s0  }
0x193: {  	vm11 =	veq.s32 v10, $0x1;
	v10 =	vand.u32 $0x1, v23;
	v8 =	vld.idx.msk [tilespmem:v28+s30+$0x0], $0xffff  }
0x194: {  	vm9 =	vmand vm9, vm11;
	vm11 =	veq.s32 v10, $0x1;
	v10 =	vld.idx.msk [tilespmem:v24+s30+$0x0], $0xffff  }
0x195: {  	v24 =	vsel vm9, $0xFFFFFFFF, v1;
	vm9 =	vmand vm10, vm11;
	v14 =	vld.idx.msk [tilespmem:v27+s30+$0x0], $0xffff  }
0x196: {  	s8 =	sadd.s32 $0x20, s8;
	v24 =	vadd.s32 v18, v24;
	v27 =	vsel vm9, $0xFFFFFFFF, v1;
	v18 =	vld.idx.msk [tilespmem:v21+s30+$0x0], $0xffff  }
0x197: {  	v17 =	vadd.s32 v5, v17;
	s7 =	sand.u32 $0x7E0, s10;
	s10 =	smov.u32 s3;
	v21 =	vshll.u32 v24, $0x1;
	v38 =	vld [tilespmem:s8+$0x0];
	v23 =	vadd.s32 v23, v27;
	[tilespmem:s5+$0x0] =	vst v22  }
0x198: {  	v9 =	vadd.s32 v5, v9;
	v21 =	vadd.s32 v21, v17;
	v17 =	vshll.u32 v23, $0x1;
	[tilespmem:s7+$0x2B80] =	vst v30;
	v27 =	vld.idx.msk [tilespmem:v25+s30+$0x0], $0xffff  }
0x199: {  	v24 =	vadd.s32 $0xA4, v21;
	v23 =	vadd.s32 $0x334, v21;
	[tilespmem:s7+$0x7380] =	vst v42;
	v32 =	vld.idx.msk [tilespmem:v12+s30+$0x0], $0xffff;
	v12 =	vadd.s32 v17, v9  }
0x19a: {  	s9 =	sadd.s32 $0x20, s9;
	v30 =	vadd.s32 $0x290, v21;
	v17 =	vld [tilespmem:s8+$0xFFFFFFF0];
	v37 =	vadd.s32 $0xA4, v12;
	v34 =	vadd.s32 $0x148, v12;
	[tilespmem:s5+$0x5810] =	vst v29  }
0x19b: {  	v48 =	vadd.s32 $0x47C, v21;
	v28 =	vadd.s32 $0x1EC, v12;
	v31 =	vadd.s32 $0x290, v12;
	v47 =	vld [tilespmem:s9+$0x0];
	[tilespmem:s7+$0x5B80] =	vst v20  }
0x19c: {  	v49 =	vadd.s32 $0x520, v21;
	v36 =	vadd.s32 $0x334, v12;
	v33 =	vadd.s32 $0x668, v12;
	v20 =	vld [tilespmem:s9+$0xFFFFFFF0];
	[tilespmem:s7+$0x4B80] =	vst v26;
	v9 =	vmovc v38  }
0x19d: {  	v25 =	vadd.s32 $0x520, v12;
	v40 =	vadd.s32 $0x70C, v12;
	v26 =	vadd.s32 $0x1EC, v21;
	v22 =	vld.idx.msk [tilespmem:v21+s30+$0x0], $0xffff;
	[tilespmem:s7+$0x5380] =	vst v13  }
0x19e: {  	v50 =	vadd.s32 $0x148, v21;
	v39 =	vadd.s32 $0x47C, v12;
	v38 =	vadd.s32 $0x3D8, v12;
	v23 =	vld.idx.msk [tilespmem:v23+s30+$0x0], $0xffff;
	[tilespmem:s5+$0x4810] =	vst v41  }
0x19f: {  	v51 =	vadd.s32 $0x3D8, v21;
	v42 =	vadd.s32 $0x70C, v21;
	v29 =	vld.idx.msk [tilespmem:v30+s30+$0x0], $0xffff;
	[tilespmem:s7+$0x3380] =	vst v15  }
.Ltmp1:
0x1a0: {  	v41 =	vadd.s32 $0x5C4, v12;
	v13 =	vld.idx.msk [tilespmem:v48+s30+$0x0], $0xffff;
	[tilespmem:s5+$0x3810] =	vst v43;
	(pc) =	sbr.rel @p1 .LBB2_5-.Ltmp1, $4  }
0x1a1: {  	v30 =	vsub.f32 v6, v20;
	v20 =	vld.idx.msk [tilespmem:v49+s30+$0x0], $0xffff;
	[tilespmem:s5+$0x3010] =	vst v44  }
0x1a2: {  	v15 =	vld.idx.msk [tilespmem:v26+s30+$0x0], $0xffff;
	[tilespmem:s5+$0x5010] =	vst v46  }
0x1a3: {  	v26 =	vmax.f32 v30, $-2.000000000e+01;
	v30 =	vld.idx.msk [tilespmem:v50+s30+$0x0], $0xffff;
	[tilespmem:s7+$0x3B80] =	vst v35  }
0x1a4: {  	v43 =	vsub.f32 v6, v47;
	v44 =	vmin.f32 v26, $2.000000000e+01;
	v26 =	vld.idx.msk [tilespmem:v51+s30+$0x0], $0xffff;
	[tilespmem:s5+$0x2810] =	vst v45  }
0x1a5: {  	[tilespmem:s5+$0x2010] =	vst v19  }
0x1a6: {  	[tilespmem:s5+$0x1010] =	vst v16  }
0x1a7: {  	[tilespmem:s5+$0x10] =	vst v32  }
0x1a8: {  	[tilespmem:s7+$0x4380] =	vst v7  }
0x1a9: {  	v7 =	vadd.s32 $0x668, v21;
	[tilespmem:s5+$0x810] =	vst v11  }
0x1aa: {  	v6 =	vadd.f32 $2.000000000e+01, v44;
	v11 =	vadd.s32 $0x5C4, v21;
	[tilespmem:s5+$0x4010] =	vst v27  }
0x1ab: {  	[tilespmem:s7+$0x6380] =	vst v18  }
0x1ac: {  	v35 =	vld.idx.msk [tilespmem:v42+s30+$0x0], $0xffff;
	[tilespmem:s7+$0x6B80] =	vst v14;
	v6 =	vadd.f32 $5.000000000e-01, v6  }
0x1ad: {  	v14 =	vld.idx.msk [tilespmem:v24+s30+$0x0], $0xffff;
	[tilespmem:s7+$0x2380] =	vst v10  }
0x1ae: {  	[tilespmem:s5+$0x1810] =	vst v8;
	v45 =	vtrunc.f32 v6;
	v7 =	vld.idx.msk [tilespmem:v7+s30+$0x0], $0xffff  }
0x1af: {  	s1 =	sand.u32 $0x7E0, s10;
	v46 =	vcvt.f32.s32 v45;
	v8 =	vld.idx.msk [tilespmem:v11+s30+$0x0], $0xffff;
	[tilespmem:s4+$0x0] =	vst v22  }
0x1b0: {  	v40 =	vld.idx.msk [tilespmem:v40+s30+$0x0], $0xffff;
	[tilespmem:s1+$0x2B80] =	vst v30  }
0x1b1: {  	v41 =	vld.idx.msk [tilespmem:v41+s30+$0x0], $0xffff;
	[tilespmem:s1+$0x7380] =	vst v35;
	v48 =	vand.u32 $0x1, v46  }
0x1b2: {  	v37 =	vld.idx.msk [tilespmem:v37+s30+$0x0], $0xffff;
	vm9 =	veq.f32 v6, v45;
	[tilespmem:s1+$0x5B80] =	vst v20;
	vm10 =	veq.s32 v48, $0x1  }
0x1b3: {  	v47 =	vld.idx.msk [tilespmem:v38+s30+$0x0], $0xffff;
	v19 =	vmax.f32 v43, $-2.000000000e+01;
	[tilespmem:s1+$0x4B80] =	vst v26;
	vm9 =	vmand vm9, vm10  }
0x1b4: {  	v34 =	vld.idx.msk [tilespmem:v34+s30+$0x0], $0xffff;
	v16 =	vmin.f32 v19, $2.000000000e+01;
	[tilespmem:s1+$0x5380] =	vst v13;
	v27 =	vsel vm9, $0xFFFFFFFF, v1  }
0x1b5: {  	v21 =	vld.idx.msk [tilespmem:v31+s30+$0x0], $0xffff;
	v16 =	vadd.f32 $2.000000000e+01, v16;
	[tilespmem:s1+$0x3380] =	vst v15;
	v27 =	vadd.s32 v46, v27  }
0x1b6: {  	v18 =	vld.idx.msk [tilespmem:v33+s30+$0x0], $0xffff;
	v17 =	vadd.s32 v5, v17;
	[tilespmem:s1+$0x3B80] =	vst v29;
	v24 =	vshll.u32 v27, $0x1  }
0x1b7: {  	v12 =	vld.idx.msk [tilespmem:v12+s30+$0x0], $0xffff;
	v16 =	vadd.f32 $5.000000000e-01, v16;
	[tilespmem:s1+$0x4380] =	vst v23;
	v10 =	vadd.s32 v24, v17  }
0x1b8: {  	v19 =	vld.idx.msk [tilespmem:v39+s30+$0x0], $0xffff;
	[tilespmem:s1+$0x2380] =	vst v14;
	v11 =	vadd.s32 $0x334, v10  }
0x1b9: {  	v6 =	vld.idx.msk [tilespmem:v36+s30+$0x0], $0xffff;
	v31 =	vtrunc.f32 v16;
	[tilespmem:s1+$0x6380] =	vst v8;
	v22 =	vadd.s32 $0x290, v10  }
0x1ba: {  	vm9 =	veq.f32 v16, v31;
	v16 =	vld.idx.msk [tilespmem:v25+s30+$0x0], $0xffff;
	[tilespmem:s1+$0x6B80] =	vst v7;
	v27 =	vcvt.f32.s32 v31;
	v25 =	vadd.s32 $0x520, v10  }
0x1bb: {  	v24 =	vld.idx.msk [tilespmem:v28+s30+$0x0], $0xffff;
	[tilespmem:s4+$0x5810] =	vst v40;
	v20 =	vadd.s32 $0x148, v10  }
0x1bc: {  	[tilespmem:s4+$0x4810] =	vst v41;
	v17 =	vand.u32 $0x1, v27;
	v13 =	vadd.s32 $0x70C, v10;
	v30 =	vld.idx.msk [tilespmem:v10+s30+$0x0], $0xffff  }
0x1bd: {  	[tilespmem:s4+$0x3810] =	vst v19;
	v49 =	vadd.s32 $0xA4, v10;
	vm10 =	veq.s32 v17, $0x1;
	v11 =	vld.idx.msk [tilespmem:v11+s30+$0x0], $0xffff  }
0x1be: {  	v5 =	vadd.s32 v5, v9;
	[tilespmem:s4+$0x3010] =	vst v47;
	v23 =	vadd.s32 $0x668, v10;
	vm9 =	vmand vm9, vm10;
	v9 =	vld.idx.msk [tilespmem:v22+s30+$0x0], $0xffff  }
0x1bf: {  	[tilespmem:s4+$0x5010] =	vst v18;
	v17 =	vadd.s32 $0x47C, v10;
	v28 =	vsel vm9, $0xFFFFFFFF, v1;
	v25 =	vld.idx.msk [tilespmem:v25+s30+$0x0], $0xffff  }
0x1c0: {  	[tilespmem:s4+$0x2810] =	vst v6;
	v31 =	vadd.s32 $0x1EC, v10;
	v27 =	vadd.s32 v27, v28;
	v19 =	vld.idx.msk [tilespmem:v20+s30+$0x0], $0xffff  }
0x1c1: {  	[tilespmem:s4+$0x2010] =	vst v21;
	v27 =	vshll.u32 v27, $0x1;
	v22 =	vadd.s32 $0x3D8, v10;
	v13 =	vld.idx.msk [tilespmem:v13+s30+$0x0], $0xffff  }
0x1c2: {  	[tilespmem:s4+$0x1010] =	vst v34;
	v10 =	vadd.s32 $0x5C4, v10;
	v7 =	vld.idx.msk [tilespmem:v49+s30+$0x0], $0xffff;
	v5 =	vadd.s32 v27, v5  }
0x1c3: {  	[tilespmem:s4+$0x10] =	vst v12;
	v14 =	vld.idx.msk [tilespmem:v23+s30+$0x0], $0xffff;
	v26 =	vadd.s32 $0x70C, v5  }
0x1c4: {  	[tilespmem:s4+$0x810] =	vst v37;
	v17 =	vld.idx.msk [tilespmem:v17+s30+$0x0], $0xffff;
	v15 =	vadd.s32 $0x5C4, v5  }
0x1c5: {  	[tilespmem:s4+$0x4010] =	vst v16;
	v27 =	vld.idx.msk [tilespmem:v31+s30+$0x0], $0xffff;
	v28 =	vadd.s32 $0xA4, v5  }
0x1c6: {  	s0 =	sadd.s32 $0x20, s0;
	s20 =	sadd.s32 $0x20, s3;
	[tilespmem:s4+$0x1810] =	vst v24;
	v20 =	vadd.s32 $0x47C, v5;
	v22 =	vld.idx.msk [tilespmem:v22+s30+$0x0], $0xffff  }
0x1c7: {  	s1 =	sand.u32 $0x7E0, s20;
	v31 =	vadd.s32 $0x3D8, v5;
	v10 =	vld.idx.msk [tilespmem:v10+s30+$0x0], $0xffff;
	[tilespmem:s0+$0x0] =	vst v30  }
0x1c8: {  	v18 =	vadd.s32 $0x148, v5;
	[tilespmem:s1+$0x2B80] =	vst v19;
	v26 =	vld.idx.msk [tilespmem:v26+s30+$0x0], $0xffff  }
0x1c9: {  	v29 =	vadd.s32 $0x334, v5;
	[tilespmem:s1+$0x7380] =	vst v13;
	v6 =	vld.idx.msk [tilespmem:v15+s30+$0x0], $0xffff  }
0x1ca: {  	v16 =	vadd.s32 $0x520, v5;
	[tilespmem:s1+$0x5B80] =	vst v25;
	v21 =	vld.idx.msk [tilespmem:v28+s30+$0x0], $0xffff  }
0x1cb: {  	[tilespmem:s1+$0x5380] =	vst v17;
	v20 =	vld.idx.msk [tilespmem:v20+s30+$0x0], $0xffff  }
0x1cc: {  	[tilespmem:s1+$0x3380] =	vst v27;
	v15 =	vadd.s32 $0x290, v5;
	v12 =	vld.idx.msk [tilespmem:v31+s30+$0x0], $0xffff  }
0x1cd: {  	[tilespmem:s1+$0x3B80] =	vst v9;
	v28 =	vadd.s32 $0x668, v5;
	v18 =	vld.idx.msk [tilespmem:v18+s30+$0x0], $0xffff  }
0x1ce: {  	[tilespmem:s1+$0x4380] =	vst v11;
	v29 =	vld.idx.msk [tilespmem:v29+s30+$0x0], $0xffff;
	v31 =	vadd.s32 $0x1EC, v5  }
0x1cf: {  	[tilespmem:s1+$0x6B80] =	vst v14;
	v16 =	vld.idx.msk [tilespmem:v16+s30+$0x0], $0xffff  }
0x1d0: {  	[tilespmem:s1+$0x2380] =	vst v7;
	v5 =	vld.idx.msk [tilespmem:v5+s30+$0x0], $0xffff  }
0x1d1: {  	[tilespmem:s1+$0x4B80] =	vst v22;
	v15 =	vld.idx.msk [tilespmem:v15+s30+$0x0], $0xffff  }
0x1d2: {  	[tilespmem:s1+$0x6380] =	vst v10;
	v8 =	vld.idx.msk [tilespmem:v28+s30+$0x0], $0xffff  }
0x1d3: {  	v23 =	vld.idx.msk [tilespmem:v31+s30+$0x0], $0xffff;
	[tilespmem:s0+$0x5810] =	vst v26  }
0x1d4: {  	[tilespmem:s0+$0x4810] =	vst v6  }
0x1d5: {  	[tilespmem:s0+$0x3810] =	vst v20  }
0x1d6: {  	[tilespmem:s0+$0x3010] =	vst v12  }
0x1d7: {  	[tilespmem:s0+$0x2810] =	vst v29  }
0x1d8: {  	s22 =	sshll.u32 s2, $0xC;
	[tilespmem:s0+$0x1010] =	vst v18  }
0x1d9: {  	s3 =	sand.u32 $0x3C000, s22;
	[tilespmem:s0+$0x10] =	vst v5  }
0x1da: {  	s23 =	sshll.u32 s2, $0x8;
	s6 =	sor.u32 s26, s3;
	[tilespmem:s0+$0x810] =	vst v21  }
0x1db: {  	s12 =	sand.u32 $0x300, s23;
	s22 =	sor.u32 s25, s6;
	[tilespmem:s0+$0x4010] =	vst v16  }
0x1dc: {  	s3 =	sor.u32 s12, s22;
	[tilespmem:s0+$0x5010] =	vst v8  }
0x1dd: {  	s13 =	simm.s32 $0x80;
	s3 =	sshrl.u32 s3, $0x3;
	[tilespmem:s0+$0x2010] =	vst v15  }
0x1de: {  	s14 =	simm.s32 $0x400;
	s5 =	simm.s32 $0x1B80;
	s4 =	sadd.s32 s21, s3;
	[tilespmem:s0+$0x1810] =	vst v23  }
0x1df: {  	[hbm4b:s4+s13] =	stream.strided.scatter [tilespmem:s5], [sflag:$0x1], $0x800, s14, s13, $0x38;
	[tilespmem:$0xDB80] =	vst v63  }
0x1e0: {  	s4 =	sor.u32 $0x400000, s22  }
0x1e1: {  	s7 =	sor.u32 s12, s4  }
0x1e2: {  	s5 =	sor.u32 $0x800000, s22;
	s0 =	sshrl.u32 s7, $0x3  }
0x1e3: {  	s8 =	simm.s32 $0x2380;
	s9 =	sor.u32 s12, s5;
	s0 =	sadd.s32 s21, s0  }
0x1e4: {  	[hbm4b:s0+s13] =	stream.strided.scatter [tilespmem:s8], [sflag:$0x1], $0x800, s14, s13, $0x38;
	[tilespmem:$0xDB80] =	vst v63  }
0x1e5: {  	s7 =	sor.u32 $0xC00000, s22;
	s0 =	sshrl.u32 s9, $0x3  }
0x1e6: {  	s10 =	simm.s32 $0x2B80;
	s11 =	sor.u32 s12, s7;
	s0 =	sadd.s32 s21, s0  }
0x1e7: {  	[hbm4b:s0+s13] =	stream.strided.scatter [tilespmem:s10], [sflag:$0x1], $0x800, s14, s13, $0x38;
	[tilespmem:$0xDB80] =	vst v63  }
0x1e8: {  	s8 =	sor.u32 s28, s6;
	s0 =	sshrl.u32 s11, $0x3  }
0x1e9: {  	s15 =	simm.s32 $0x3380;
	s16 =	sor.u32 s12, s8;
	s0 =	sadd.s32 s21, s0  }
0x1ea: {  	[hbm4b:s0+s13] =	stream.strided.scatter [tilespmem:s15], [sflag:$0x1], $0x800, s14, s13, $0x38;
	[tilespmem:$0xDB80] =	vst v63  }
0x1eb: {  	s9 =	sor.u32 s29, s6;
	s0 =	sshrl.u32 s16, $0x3  }
0x1ec: {  	s17 =	simm.s32 $0x3B80;
	s18 =	sor.u32 s12, s9;
	s0 =	sadd.s32 s21, s0  }
0x1ed: {  	[hbm4b:s0+s13] =	stream.strided.scatter [tilespmem:s17], [sflag:$0x1], $0x800, s14, s13, $0x38;
	[tilespmem:$0xDB80] =	vst v63  }
0x1ee: {  	s10 =	sor.u32 s31, s6;
	s0 =	sshrl.u32 s18, $0x3  }
0x1ef: {  	s19 =	simm.s32 $0x4380;
	s20 =	sor.u32 s12, s10;
	s0 =	sadd.s32 s21, s0  }
0x1f0: {  	[hbm4b:s0+s13] =	stream.strided.scatter [tilespmem:s19], [sflag:$0x1], $0x800, s14, s13, $0x38;
	[tilespmem:$0xDB80] =	vst v63  }
0x1f1: {  	s1 =	rddreg [dreg:$0x1b];
	s0 =	sshrl.u32 s20, $0x3  }
0x1f2: {  	s23 =	simm.s32 $0x4B80;
	s20 =	sor.u32 s1, s6;
	s0 =	sadd.s32 s21, s0  }
0x1f3: {  	[hbm4b:s0+s13] =	stream.strided.scatter [tilespmem:s23], [sflag:$0x1], $0x800, s14, s13, $0x38;
	[tilespmem:$0xDB80] =	vst v63  }
0x1f4: {  	s0 =	sor.u32 s12, s20  }
0x1f5: {  	s0 =	sshrl.u32 s0, $0x3  }
0x1f6: {  	s3 =	simm.s32 $0x5380;
	s11 =	rddreg [dreg:$0x1c];
	s0 =	sadd.s32 s21, s0  }
0x1f7: {  	[hbm4b:s0+s13] =	stream.strided.scatter [tilespmem:s3], [sflag:$0x1], $0x800, s14, s13, $0x38;
	[tilespmem:$0xDB80] =	vst v63  }
0x1f8: {  	s3 =	sor.u32 s11, s6  }
0x1f9: {  	s0 =	sor.u32 s12, s3  }
0x1fa: {  	s16 =	rddreg [dreg:$0x1d];
	s0 =	sshrl.u32 s0, $0x3  }
0x1fb: {  	s15 =	simm.s32 $0x5B80;
	s23 =	sor.u32 s16, s6;
	s0 =	sadd.s32 s21, s0  }
0x1fc: {  	[hbm4b:s0+s13] =	stream.strided.scatter [tilespmem:s15], [sflag:$0x1], $0x800, s14, s13, $0x38;
	[tilespmem:$0xDB80] =	vst v63  }
0x1fd: {  	s0 =	sor.u32 s12, s23  }
0x1fe: {  	s0 =	sshrl.u32 s0, $0x3  }
0x1ff: {  	s17 =	simm.s32 $0x6380;
	s18 =	rddreg [dreg:$0x1e];
	s0 =	sadd.s32 s21, s0  }
0x200: {  	[hbm4b:s0+s13] =	stream.strided.scatter [tilespmem:s17], [sflag:$0x1], $0x800, s14, s13, $0x38;
	[tilespmem:$0xDB80] =	vst v63  }
0x201: {  	s0 =	sor.u32 s18, s6  }
0x202: {  	s19 =	sor.u32 s12, s0  }
0x203: {  	s1 =	sshrl.u32 s19, $0x3  }
0x204: {  	s11 =	simm.s32 $0x6B80;
	s1 =	sadd.s32 s21, s1  }
0x205: {  	[hbm4b:s1+s13] =	stream.strided.scatter [tilespmem:s11], [sflag:$0x1], $0x800, s14, s13, $0x38;
	[tilespmem:$0xDB80] =	vst v63  }
0x206: {  	s11 =	rddreg [dreg:$0x1f]  }
0x207: {  	s11 =	sor.u32 s11, s6  }
0x208: {  	s1 =	sor.u32 s12, s11  }
0x209: {  	s1 =	sshrl.u32 s1, $0x3  }
0x20a: {  	s12 =	simm.s32 $0x7380;
	s1 =	sadd.s32 s21, s1  }
0x20b: {  	[hbm4b:s1+s13] =	stream.strided.scatter [tilespmem:s12], [sflag:$0x1], $0x800, s14, s13, $0x38;
	[tilespmem:$0xDB80] =	vst v63  }
0x20c: {  	s1 =	simm.s32 @!p0 $0x2  }
0x20d: {  	_ =	swait.ge @!p0 [sflag:s1], $0x800  }
0x20e: {  	[sflag:s1] =	ssyncset.done @!p0 $0x0  }
0x20f: {  	[sflag:s1] =	ssyncadd.s32 @!p0 $0xFFFFF800  }
0x210: {  	_ =	swait.ge @!p0 [sflag:s1], $0x800  }
0x211: {  	[sflag:s1] =	ssyncset.done @!p0 $0x0  }
0x212: {  	[sflag:s1] =	ssyncadd.s32 @!p0 $0xFFFFF800  }
0x213: {  	_ =	swait.ge @!p0 [sflag:s1], $0x800  }
0x214: {  	[sflag:s1] =	ssyncset.done @!p0 $0x0  }
0x215: {  	[sflag:s1] =	ssyncadd.s32 @!p0 $0xFFFFF800  }
0x216: {  	_ =	swait.ge @!p0 [sflag:s1], $0x800  }
0x217: {  	[sflag:s1] =	ssyncset.done @!p0 $0x0  }
0x218: {  	[sflag:s1] =	ssyncadd.s32 @!p0 $0xFFFFF800  }
0x219: {  	_ =	swait.ge @!p0 [sflag:s1], $0x800  }
0x21a: {  	[sflag:s1] =	ssyncset.done @!p0 $0x0  }
0x21b: {  	[sflag:s1] =	ssyncadd.s32 @!p0 $0xFFFFF800  }
0x21c: {  	_ =	swait.ge @!p0 [sflag:s1], $0x800  }
0x21d: {  	[sflag:s1] =	ssyncset.done @!p0 $0x0  }
0x21e: {  	[sflag:s1] =	ssyncadd.s32 @!p0 $0xFFFFF800  }
0x21f: {  	_ =	swait.ge @!p0 [sflag:s1], $0x800  }
0x220: {  	[sflag:s1] =	ssyncset.done @!p0 $0x0  }
0x221: {  	[sflag:s1] =	ssyncadd.s32 @!p0 $0xFFFFF800  }
0x222: {  	_ =	swait.ge @!p0 [sflag:s1], $0x800  }
0x223: {  	[sflag:s1] =	ssyncset.done @!p0 $0x0  }
0x224: {  	[sflag:s1] =	ssyncadd.s32 @!p0 $0xFFFFF800  }
0x225: {  	_ =	swait.ge @!p0 [sflag:s1], $0x800  }
0x226: {  	[sflag:s1] =	ssyncset.done @!p0 $0x0  }
0x227: {  	[sflag:s1] =	ssyncadd.s32 @!p0 $0xFFFFF800  }
0x228: {  	_ =	swait.ge @!p0 [sflag:s1], $0x800  }
0x229: {  	[sflag:s1] =	ssyncset.done @!p0 $0x0  }
0x22a: {  	[sflag:s1] =	ssyncadd.s32 @!p0 $0xFFFFF800  }
0x22b: {  	s24 =	sor.u32 $0x1, s24;
	_ =	swait.ge @!p0 [sflag:s1], $0x800  }
0x22c: {  	v5 =	vmov s24;
	[sflag:s1] =	ssyncset.done @!p0 $0x0  }
0x22d: {  	[sflag:s1] =	ssyncadd.s32 @!p0 $0xFFFFF800  }
0x22e: {  	_ =	swait.ge @!p0 [sflag:s1], $0x800  }
0x22f: {  	[sflag:s1] =	ssyncset.done @!p0 $0x0  }
0x230: {  	s13 =	simm.s32 $0x1000;
	[sflag:s1] =	ssyncadd.s32 @!p0 $0xFFFFF800  }
0x231: {  	s14 =	simm.s32 $0x10;
	v6 =	vld.idx.msk [tilespmem:v5+s13+$0x0], $0xffff  }
0x232: {  	v7 =	vld [tilespmem:s14+$0xFFFFFFF0];
	_ =	sdelay $0x4  }
0x233: {  	v7 =	vsub.f32 v6, v7;
	_ =	sdelay $0x1  }
0x234: {  	v7 =	vmax.f32 v7, $-2.000000000e+01  }
0x235: {  	v8 =	vld [tilespmem:s14+$0x0];
	v7 =	vmin.f32 v7, $2.000000000e+01  }
0x236: {  	v7 =	vadd.f32 $2.000000000e+01, v7;
	_ =	sdelay $0x1  }
0x237: {  	v7 =	vadd.f32 $5.000000000e-01, v7;
	_ =	sdelay $0x1  }
0x238: {  	s15 =	simm.s32 $0x1080;
	v8 =	vsub.f32 v6, v8;
	v9 =	vtrunc.f32 v7  }
0x239: {  	v5 =	vld.idx.msk [tilespmem:v5+s15+$0x0], $0xffff;
	v10 =	vcvt.f32.s32 v9  }
0x23a: {  	s16 =	simm.s32 $0x810;
	v8 =	vmax.f32 v8, $-2.000000000e+01  }
0x23b: {  	v11 =	vld [tilespmem:s16+$0xFFFFFFF0];
	v8 =	vmin.f32 v8, $2.000000000e+01;
	v12 =	vand.u32 $0x1, v10  }
0x23c: {  	v8 =	vadd.f32 $2.000000000e+01, v8;
	vm9 =	veq.f32 v7, v9;
	vm10 =	veq.s32 v12, $0x1  }
0x23d: {  	vm9 =	vmand vm9, vm10  }
0x23e: {  	v5 =	vmul.u32 $0x52, v5;
	v7 =	vadd.f32 $5.000000000e-01, v8;
	v8 =	vsel vm9, $0xFFFFFFFF, v1  }
0x23f: {  	s17 =	simm.s32 $0x830;
	v8 =	vadd.s32 v10, v8  }
0x240: {  	v17 =	vld [tilespmem:s17+$0x0];
	v9 =	vtrunc.f32 v7;
	v10 =	vadd.s32 v5, v11;
	v8 =	vshll.u32 v8, $0x1  }
0x241: {  	s18 =	simm.s32 $0x30;
	v18 =	vld [tilespmem:s17+$0xFFFFFFF0];
	v12 =	vcvt.f32.s32 v9;
	v8 =	vadd.s32 v8, v10  }
0x242: {  	v15 =	vld [tilespmem:s18+$0xFFFFFFF0];
	v10 =	vadd.s32 $0x334, v8  }
0x243: {  	s17 =	simm.s32 $0x50;
	v13 =	vand.u32 $0x1, v12;
	v11 =	vld [tilespmem:s16+$0x0];
	v14 =	vadd.s32 $0x290, v8  }
0x244: {  	v59 =	vld [tilespmem:s17+$0xFFFFFFF0];
	vm9 =	veq.f32 v7, v9;
	vm10 =	veq.s32 v13, $0x1;
	v13 =	vadd.s32 $0x47C, v8  }
0x245: {  	v9 =	vld [tilespmem:s18+$0x0];
	vm9 =	vmand vm9, vm10;
	v16 =	vadd.s32 $0x520, v8  }
0x246: {  	v7 =	vsel vm9, $0xFFFFFFFF, v1;
	v20 =	vadd.s32 $0x1EC, v8;
	v19 =	vld.idx.msk [tilespmem:v8+s30+$0x0], $0xffff  }
0x247: {  	v12 =	vadd.s32 v12, v7;
	v21 =	vadd.s32 $0x148, v8;
	v7 =	vld.idx.msk [tilespmem:v10+s30+$0x0], $0xffff  }
0x248: {  	v11 =	vadd.s32 v5, v11;
	v10 =	vshll.u32 v12, $0x1;
	v30 =	vld.idx.msk [tilespmem:v14+s30+$0x0], $0xffff;
	v12 =	vadd.s32 $0x3D8, v8  }
0x249: {  	v24 =	vld.idx.msk [tilespmem:v13+s30+$0x0], $0xffff;
	v23 =	vadd.s32 v10, v11;
	v10 =	vadd.s32 $0x70C, v8  }
0x24a: {  	v25 =	vld.idx.msk [tilespmem:v16+s30+$0x0], $0xffff;
	v11 =	vadd.s32 $0x70C, v23  }
0x24b: {  	v15 =	vsub.f32 v6, v15;
	v20 =	vld.idx.msk [tilespmem:v20+s30+$0x0], $0xffff;
	v13 =	vadd.s32 $0x5C4, v23  }
0x24c: {  	v26 =	vld.idx.msk [tilespmem:v21+s30+$0x0], $0xffff;
	v14 =	vadd.s32 $0xA4, v23  }
0x24d: {  	v15 =	vmax.f32 v15, $-2.000000000e+01;
	v16 =	vadd.s32 $0x47C, v23;
	v27 =	vld.idx.msk [tilespmem:v12+s30+$0x0], $0xffff  }
0x24e: {  	v12 =	vadd.s32 $0x3D8, v23;
	v28 =	vld.idx.msk [tilespmem:v10+s30+$0x0], $0xffff;
	v10 =	vmin.f32 v15, $2.000000000e+01  }
0x24f: {  	v21 =	vadd.s32 $0x148, v23;
	v29 =	vld.idx.msk [tilespmem:v11+s30+$0x0], $0xffff;
	v15 =	vadd.f32 $2.000000000e+01, v10  }
0x250: {  	v11 =	vadd.s32 $0x334, v23;
	v31 =	vld.idx.msk [tilespmem:v13+s30+$0x0], $0xffff  }
0x251: {  	v13 =	vadd.s32 $0x290, v23;
	v10 =	vld.idx.msk [tilespmem:v14+s30+$0x0], $0xffff;
	v22 =	vadd.f32 $5.000000000e-01, v15  }
0x252: {  	v9 =	vsub.f32 v6, v9;
	v14 =	vadd.s32 $0x668, v23;
	v50 =	vld.idx.msk [tilespmem:v16+s30+$0x0], $0xffff  }
0x253: {  	v52 =	vadd.s32 $0xA4, v8;
	v51 =	vld.idx.msk [tilespmem:v12+s30+$0x0], $0xffff;
	v53 =	vtrunc.f32 v22  }
0x254: {  	v9 =	vmax.f32 v9, $-2.000000000e+01;
	v16 =	vadd.s32 $0x1EC, v23;
	v12 =	vld.idx.msk [tilespmem:v21+s30+$0x0], $0xffff;
	v54 =	vcvt.f32.s32 v53  }
0x255: {  	v9 =	vmin.f32 v9, $2.000000000e+01;
	v21 =	vadd.s32 $0x668, v8;
	v45 =	vld.idx.msk [tilespmem:v11+s30+$0x0], $0xffff  }
0x256: {  	v9 =	vadd.f32 $2.000000000e+01, v9;
	v8 =	vadd.s32 $0x5C4, v8;
	v15 =	vld.idx.msk [tilespmem:v13+s30+$0x0], $0xffff;
	v11 =	vand.u32 $0x1, v54  }
0x257: {  	v55 =	vld.idx.msk [tilespmem:v14+s30+$0x0], $0xffff;
	vm9 =	veq.f32 v22, v53;
	vm10 =	veq.s32 v11, $0x1  }
0x258: {  	v9 =	vadd.f32 $5.000000000e-01, v9;
	v14 =	vld.idx.msk [tilespmem:v52+s30+$0x0], $0xffff;
	vm9 =	vmand vm9, vm10  }
0x259: {  	v11 =	vld.idx.msk [tilespmem:v16+s30+$0x0], $0xffff;
	v22 =	vsel vm9, $0xFFFFFFFF, v1  }
0x25a: {  	s19 =	simm.s32 $0x0;
	s15 =	simm.s32 $0x7B80;
	v56 =	vtrunc.f32 v9;
	v13 =	vadd.s32 $0x520, v23;
	v16 =	vld.idx.msk [tilespmem:v21+s30+$0x0], $0xffff;
	v22 =	vadd.s32 v54, v22  }
0x25b: {  	v18 =	vadd.s32 v5, v18;
	s18 =	sand.u32 $0x7E0, s19;
	v57 =	vcvt.f32.s32 v56;
	v21 =	vld.idx.msk [tilespmem:v8+s30+$0x0], $0xffff;
	[tilespmem:s15+$0x0] =	vst v19;
	v22 =	vshll.u32 v22, $0x1  }
0x25c: {  	v58 =	vld [tilespmem:s17+$0x0];
	[tilespmem:s18+$0x8B80] =	vst v26;
	v22 =	vadd.s32 v22, v18  }
0x25d: {  	s16 =	simm.s32 $0x850;
	v32 =	vld.idx.msk [tilespmem:v23+s30+$0x0], $0xffff;
	v19 =	vand.u32 $0x1, v57;
	[tilespmem:s18+$0xD380] =	vst v28;
	v18 =	vadd.s32 $0x334, v22  }
0x25e: {  	v8 =	vld [tilespmem:s16+$0x0];
	vm10 =	veq.s32 v19, $0x1;
	[tilespmem:s18+$0xBB80] =	vst v25;
	v19 =	vadd.s32 $0x290, v22  }
0x25f: {  	[tilespmem:s18+$0xAB80] =	vst v27;
	v26 =	vld.idx.msk [tilespmem:v13+s30+$0x0], $0xffff;
	vm9 =	veq.f32 v9, v56;
	v28 =	vadd.s32 $0x47C, v22  }
0x260: {  	v63 =	vsub.f32 v6, v59;
	[tilespmem:s18+$0xB380] =	vst v24;
	v13 =	vld [tilespmem:s16+$0xFFFFFFF0];
	vm9 =	vmand vm9, vm10;
	v60 =	vadd.s32 $0x520, v22  }
0x261: {  	v42 =	vsub.f32 v6, v58;
	[tilespmem:s18+$0x9380] =	vst v20;
	v9 =	vsel vm9, $0xFFFFFFFF, v1;
	v61 =	vadd.s32 $0x1EC, v22;
	v23 =	vld.idx.msk [tilespmem:v22+s30+$0x0], $0xffff  }
0x262: {  	v17 =	vadd.s32 v5, v17;
	[tilespmem:s18+$0x9B80] =	vst v30;
	v9 =	vadd.s32 v57, v9;
	v62 =	vadd.s32 $0x148, v22;
	v33 =	vld.idx.msk [tilespmem:v18+s30+$0x0], $0xffff  }
0x263: {  	v35 =	vmax.f32 v63, $-2.000000000e+01;
	[tilespmem:s15+$0x5810] =	vst v29;
	v9 =	vshll.u32 v9, $0x1;
	v46 =	vadd.s32 $0x3D8, v22;
	v37 =	vld.idx.msk [tilespmem:v19+s30+$0x0], $0xffff  }
0x264: {  	v44 =	vmin.f32 v35, $2.000000000e+01;
	[tilespmem:s15+$0x4810] =	vst v31;
	v43 =	vadd.s32 $0x70C, v22;
	v9 =	vadd.s32 v9, v17;
	v17 =	vld.idx.msk [tilespmem:v28+s30+$0x0], $0xffff  }
0x265: {  	[tilespmem:s15+$0x3810] =	vst v50;
	v25 =	vadd.s32 $0xA4, v22;
	v34 =	vadd.s32 $0xA4, v9;
	v40 =	vadd.s32 $0x70C, v9;
	v24 =	vld.idx.msk [tilespmem:v60+s30+$0x0], $0xffff  }
0x266: {  	[tilespmem:s15+$0x3010] =	vst v51;
	v29 =	vadd.s32 $0x148, v9;
	v20 =	vadd.s32 $0x1EC, v9;
	v41 =	vadd.s32 $0x5C4, v9;
	v18 =	vld.idx.msk [tilespmem:v61+s30+$0x0], $0xffff  }
0x267: {  	s6 =	simm.s32 $0x4;
	s12 =	simm.s32 $0x7BA0;
	[tilespmem:s15+$0x5010] =	vst v55;
	v27 =	vadd.s32 $0x290, v9;
	v31 =	vadd.s32 $0x334, v9;
	v38 =	vadd.s32 $0x3D8, v9;
	v36 =	vld.idx.msk [tilespmem:v62+s30+$0x0], $0xffff  }
0x268: {  	s13 =	simm.s32 $0x20;
	s14 =	simm.s32 $0x7BA0;
	s19 =	simm.s32 $0x20;
	[tilespmem:s15+$0x2810] =	vst v45;
	v39 =	vadd.s32 $0x47C, v9;
	v28 =	vadd.s32 $0x668, v9;
	v19 =	vadd.s32 $0x520, v9;
	v30 =	vld.idx.msk [tilespmem:v46+s30+$0x0], $0xffff  }
.LBB2_7:
0x269: {  	s6 =	sadd.s32 $0x2, s6;
	v43 =	vld.idx.msk [tilespmem:v43+s30+$0x0], $0xffff;
	s12 =	sadd.s32 $0x20, s12;
	s13 =	sadd.s32 $0x20, s13;
	[tilespmem:s15+$0x2010] =	vst v15;
	v35 =	vmov v37  }
0x26a: {  	p0 =	slt.u32 s6, $0x7E;
	v15 =	vmax.f32 v42, $-2.000000000e+01;
	v37 =	vld.idx.msk [tilespmem:v40+s30+$0x0], $0xffff;
	[tilespmem:s15+$0x1010] =	vst v12  }
0x26b: {  	v12 =	vadd.f32 $2.000000000e+01, v44;
	v15 =	vmin.f32 v15, $2.000000000e+01;
	v41 =	vld.idx.msk [tilespmem:v41+s30+$0x0], $0xffff;
	[tilespmem:s15+$0x10] =	vst v32  }
0x26c: {  	v15 =	vadd.f32 $2.000000000e+01, v15;
	v32 =	vld.idx.msk [tilespmem:v34+s30+$0x0], $0xffff;
	[tilespmem:s18+$0xA380] =	vst v7;
	v7 =	vmov v33  }
0x26d: {  	v33 =	vadd.f32 $5.000000000e-01, v12;
	v42 =	vld.idx.msk [tilespmem:v39+s30+$0x0], $0xffff;
	[tilespmem:s15+$0x810] =	vst v10  }
0x26e: {  	v10 =	vadd.f32 $5.000000000e-01, v15;
	v44 =	vld.idx.msk [tilespmem:v38+s30+$0x0], $0xffff;
	[tilespmem:s15+$0x4010] =	vst v26  }
0x26f: {  	v15 =	vtrunc.f32 v33;
	v26 =	vadd.s32 $0x668, v22;
	v12 =	vld.idx.msk [tilespmem:v29+s30+$0x0], $0xffff;
	[tilespmem:s18+$0xC380] =	vst v21  }
0x270: {  	v21 =	vcvt.f32.s32 v15;
	vm9 =	veq.f32 v33, v15;
	v15 =	vtrunc.f32 v10;
	v45 =	vld.idx.msk [tilespmem:v31+s30+$0x0], $0xffff;
	[tilespmem:s18+$0xCB80] =	vst v16  }
0x271: {  	v22 =	vadd.s32 $0x5C4, v22;
	v29 =	vcvt.f32.s32 v15;
	vm10 =	veq.f32 v10, v15;
	v15 =	vld.idx.msk [tilespmem:v27+s30+$0x0], $0xffff;
	[tilespmem:s18+$0x8380] =	vst v14  }
0x272: {  	v14 =	vand.u32 $0x1, v21;
	v46 =	vld.idx.msk [tilespmem:v28+s30+$0x0], $0xffff;
	[tilespmem:s15+$0x1810] =	vst v11;
	v10 =	vmov v32;
	s15 =	smov.u32 s14;
	s14 =	smov.u32 s12  }
0x273: {  	vm11 =	veq.s32 v14, $0x1;
	v14 =	vand.u32 $0x1, v29;
	v11 =	vld.idx.msk [tilespmem:v20+s30+$0x0], $0xffff  }
0x274: {  	vm9 =	vmand vm9, vm11;
	vm11 =	veq.s32 v14, $0x1;
	v14 =	vld.idx.msk [tilespmem:v25+s30+$0x0], $0xffff  }
0x275: {  	v20 =	vsel vm9, $0xFFFFFFFF, v1;
	vm9 =	vmand vm10, vm11;
	v16 =	vld.idx.msk [tilespmem:v26+s30+$0x0], $0xffff  }
0x276: {  	s16 =	sadd.s32 $0x20, s16;
	v20 =	vadd.s32 v21, v20;
	v25 =	vsel vm9, $0xFFFFFFFF, v1;
	v21 =	vld.idx.msk [tilespmem:v22+s30+$0x0], $0xffff  }
0x277: {  	v13 =	vadd.s32 v5, v13;
	s18 =	sand.u32 $0x7E0, s19;
	s19 =	smov.u32 s13;
	v20 =	vshll.u32 v20, $0x1;
	v33 =	vld [tilespmem:s16+$0x0];
	v25 =	vadd.s32 v29, v25;
	[tilespmem:s15+$0x0] =	vst v23  }
0x278: {  	v8 =	vadd.s32 v5, v8;
	v22 =	vadd.s32 v20, v13;
	v13 =	vshll.u32 v25, $0x1;
	[tilespmem:s18+$0x8B80] =	vst v36;
	v26 =	vld.idx.msk [tilespmem:v19+s30+$0x0], $0xffff  }
0x279: {  	v25 =	vadd.s32 $0xA4, v22;
	v36 =	vadd.s32 $0x334, v22;
	[tilespmem:s18+$0xD380] =	vst v43;
	v32 =	vld.idx.msk [tilespmem:v9+s30+$0x0], $0xffff;
	v9 =	vadd.s32 v13, v8  }
0x27a: {  	s17 =	sadd.s32 $0x20, s17;
	v43 =	vadd.s32 $0x290, v22;
	v13 =	vld [tilespmem:s16+$0xFFFFFFF0];
	v34 =	vadd.s32 $0xA4, v9;
	v29 =	vadd.s32 $0x148, v9;
	[tilespmem:s15+$0x5810] =	vst v37  }
0x27b: {  	v48 =	vadd.s32 $0x47C, v22;
	v20 =	vadd.s32 $0x1EC, v9;
	v27 =	vadd.s32 $0x290, v9;
	v47 =	vld [tilespmem:s17+$0x0];
	[tilespmem:s18+$0xBB80] =	vst v24  }
0x27c: {  	v49 =	vadd.s32 $0x520, v22;
	v31 =	vadd.s32 $0x334, v9;
	v28 =	vadd.s32 $0x668, v9;
	v24 =	vld [tilespmem:s17+$0xFFFFFFF0];
	[tilespmem:s18+$0xAB80] =	vst v30;
	v8 =	vmovc v33  }
0x27d: {  	v19 =	vadd.s32 $0x520, v9;
	v40 =	vadd.s32 $0x70C, v9;
	v30 =	vadd.s32 $0x1EC, v22;
	v23 =	vld.idx.msk [tilespmem:v22+s30+$0x0], $0xffff;
	[tilespmem:s18+$0xB380] =	vst v17  }
0x27e: {  	v50 =	vadd.s32 $0x148, v22;
	v38 =	vadd.s32 $0x3D8, v9;
	v39 =	vadd.s32 $0x47C, v9;
	v33 =	vld.idx.msk [tilespmem:v36+s30+$0x0], $0xffff;
	[tilespmem:s15+$0x4810] =	vst v41  }
0x27f: {  	v51 =	vadd.s32 $0x3D8, v22;
	v37 =	vld.idx.msk [tilespmem:v43+s30+$0x0], $0xffff;
	v43 =	vadd.s32 $0x70C, v22;
	[tilespmem:s18+$0x9380] =	vst v18  }
.Ltmp2:
0x280: {  	v41 =	vadd.s32 $0x5C4, v9;
	v17 =	vld.idx.msk [tilespmem:v48+s30+$0x0], $0xffff;
	[tilespmem:s15+$0x3810] =	vst v42;
	(pc) =	sbr.rel @p0 .LBB2_7-.Ltmp2, $4  }
0x281: {  	v36 =	vsub.f32 v6, v24;
	v24 =	vld.idx.msk [tilespmem:v49+s30+$0x0], $0xffff;
	[tilespmem:s15+$0x3010] =	vst v44  }
0x282: {  	v18 =	vld.idx.msk [tilespmem:v30+s30+$0x0], $0xffff;
	[tilespmem:s15+$0x5010] =	vst v46  }
0x283: {  	v30 =	vmax.f32 v36, $-2.000000000e+01;
	v36 =	vld.idx.msk [tilespmem:v50+s30+$0x0], $0xffff;
	[tilespmem:s18+$0x9B80] =	vst v35  }
0x284: {  	v42 =	vsub.f32 v6, v47;
	v44 =	vmin.f32 v30, $2.000000000e+01;
	v30 =	vld.idx.msk [tilespmem:v51+s30+$0x0], $0xffff;
	[tilespmem:s15+$0x2810] =	vst v45  }
0x285: {  	[tilespmem:s18+$0xA380] =	vst v7  }
0x286: {  	[tilespmem:s18+$0xC380] =	vst v21  }
0x287: {  	[tilespmem:s18+$0xCB80] =	vst v16  }
0x288: {  	[tilespmem:s18+$0x8380] =	vst v14  }
0x289: {  	v6 =	vadd.s32 $0x668, v22;
	[tilespmem:s15+$0x2010] =	vst v15  }
0x28a: {  	v7 =	vadd.f32 $2.000000000e+01, v44;
	v49 =	vadd.s32 $0x5C4, v22;
	[tilespmem:s15+$0x1010] =	vst v12  }
0x28b: {  	[tilespmem:s15+$0x10] =	vst v32  }
0x28c: {  	v50 =	vld.idx.msk [tilespmem:v43+s30+$0x0], $0xffff;
	[tilespmem:s15+$0x810] =	vst v10;
	v7 =	vadd.f32 $5.000000000e-01, v7  }
0x28d: {  	v51 =	vld.idx.msk [tilespmem:v25+s30+$0x0], $0xffff;
	[tilespmem:s15+$0x4010] =	vst v26  }
0x28e: {  	[tilespmem:s15+$0x1810] =	vst v11;
	v52 =	vtrunc.f32 v7;
	v6 =	vld.idx.msk [tilespmem:v6+s30+$0x0], $0xffff  }
0x28f: {  	s1 =	sand.u32 $0x7E0, s19;
	v53 =	vcvt.f32.s32 v52;
	v14 =	vld.idx.msk [tilespmem:v49+s30+$0x0], $0xffff;
	[tilespmem:s14+$0x0] =	vst v23  }
0x290: {  	v54 =	vld.idx.msk [tilespmem:v40+s30+$0x0], $0xffff;
	[tilespmem:s1+$0x8B80] =	vst v36  }
0x291: {  	v55 =	vld.idx.msk [tilespmem:v41+s30+$0x0], $0xffff;
	[tilespmem:s1+$0xD380] =	vst v50;
	v56 =	vand.u32 $0x1, v53  }
0x292: {  	v57 =	vld.idx.msk [tilespmem:v34+s30+$0x0], $0xffff;
	vm9 =	veq.f32 v7, v52;
	[tilespmem:s1+$0xBB80] =	vst v24;
	vm10 =	veq.s32 v56, $0x1  }
0x293: {  	v58 =	vld.idx.msk [tilespmem:v39+s30+$0x0], $0xffff;
	[tilespmem:s1+$0xAB80] =	vst v30;
	vm9 =	vmand vm9, vm10  }
0x294: {  	v59 =	vld.idx.msk [tilespmem:v38+s30+$0x0], $0xffff;
	v7 =	vmax.f32 v42, $-2.000000000e+01;
	[tilespmem:s1+$0xB380] =	vst v17;
	v60 =	vsel vm9, $0xFFFFFFFF, v1  }
0x295: {  	v61 =	vld.idx.msk [tilespmem:v29+s30+$0x0], $0xffff;
	v7 =	vmin.f32 v7, $2.000000000e+01;
	[tilespmem:s1+$0x9380] =	vst v18;
	v11 =	vadd.s32 v53, v60  }
0x296: {  	v62 =	vld.idx.msk [tilespmem:v31+s30+$0x0], $0xffff;
	v13 =	vadd.s32 v5, v13;
	[tilespmem:s1+$0x9B80] =	vst v37;
	v7 =	vadd.f32 $2.000000000e+01, v7;
	v11 =	vshll.u32 v11, $0x1  }
0x297: {  	v63 =	vld.idx.msk [tilespmem:v27+s30+$0x0], $0xffff;
	[tilespmem:s1+$0xA380] =	vst v33;
	v11 =	vadd.s32 v11, v13  }
0x298: {  	v32 =	vld.idx.msk [tilespmem:v28+s30+$0x0], $0xffff;
	[tilespmem:s1+$0x8380] =	vst v51;
	v7 =	vadd.f32 $5.000000000e-01, v7;
	v34 =	vadd.s32 $0x334, v11  }
0x299: {  	v20 =	vld.idx.msk [tilespmem:v20+s30+$0x0], $0xffff;
	[tilespmem:s1+$0xC380] =	vst v14;
	v36 =	vadd.s32 $0x290, v11  }
0x29a: {  	v19 =	vld.idx.msk [tilespmem:v19+s30+$0x0], $0xffff;
	[tilespmem:s1+$0xCB80] =	vst v6;
	v35 =	vtrunc.f32 v7;
	v38 =	vadd.s32 $0x47C, v11  }
0x29b: {  	v6 =	vld.idx.msk [tilespmem:v9+s30+$0x0], $0xffff;
	[tilespmem:s14+$0x5810] =	vst v54;
	v37 =	vcvt.f32.s32 v35;
	v39 =	vadd.s32 $0x520, v11  }
0x29c: {  	[tilespmem:s14+$0x4810] =	vst v55;
	v42 =	vadd.s32 $0x1EC, v11;
	v41 =	vld.idx.msk [tilespmem:v11+s30+$0x0], $0xffff  }
0x29d: {  	[tilespmem:s14+$0x3810] =	vst v58;
	vm9 =	veq.f32 v7, v35;
	v40 =	vand.u32 $0x1, v37;
	v7 =	vadd.s32 $0x148, v11;
	v43 =	vld.idx.msk [tilespmem:v34+s30+$0x0], $0xffff  }
0x29e: {  	[tilespmem:s14+$0x3010] =	vst v59;
	v45 =	vadd.s32 $0x3D8, v11;
	vm10 =	veq.s32 v40, $0x1;
	v44 =	vld.idx.msk [tilespmem:v36+s30+$0x0], $0xffff  }
0x29f: {  	[tilespmem:s14+$0x5010] =	vst v32;
	v47 =	vadd.s32 $0x70C, v11;
	vm9 =	vmand vm9, vm10;
	v48 =	vld.idx.msk [tilespmem:v38+s30+$0x0], $0xffff  }
0x2a0: {  	[tilespmem:s14+$0x2810] =	vst v62;
	v49 =	vadd.s32 $0xA4, v11;
	v46 =	vsel vm9, $0xFFFFFFFF, v1;
	v9 =	vld.idx.msk [tilespmem:v39+s30+$0x0], $0xffff  }
0x2a1: {  	[tilespmem:s14+$0x2010] =	vst v63;
	v51 =	vadd.s32 $0x668, v11;
	v12 =	vadd.s32 v37, v46;
	v50 =	vld.idx.msk [tilespmem:v42+s30+$0x0], $0xffff  }
0x2a2: {  	v5 =	vadd.s32 v5, v8;
	[tilespmem:s14+$0x1010] =	vst v61;
	v11 =	vadd.s32 $0x5C4, v11;
	v12 =	vshll.u32 v12, $0x1;
	v7 =	vld.idx.msk [tilespmem:v7+s30+$0x0], $0xffff  }
0x2a3: {  	[tilespmem:s14+$0x810] =	vst v57;
	v52 =	vld.idx.msk [tilespmem:v45+s30+$0x0], $0xffff;
	v5 =	vadd.s32 v12, v5  }
0x2a4: {  	[tilespmem:s14+$0x4010] =	vst v19;
	v54 =	vld.idx.msk [tilespmem:v47+s30+$0x0], $0xffff;
	v12 =	vadd.s32 $0x70C, v5  }
0x2a5: {  	[tilespmem:s14+$0x1810] =	vst v20;
	v14 =	vld.idx.msk [tilespmem:v49+s30+$0x0], $0xffff;
	v53 =	vadd.s32 $0x5C4, v5  }
0x2a6: {  	s19 =	sadd.s32 $0x20, s12;
	s6 =	sadd.s32 $0x20, s13;
	[tilespmem:s14+$0x10] =	vst v6;
	v13 =	vld.idx.msk [tilespmem:v51+s30+$0x0], $0xffff;
	v6 =	vadd.s32 $0xA4, v5;
	v55 =	vadd.s32 $0x47C, v5;
	v56 =	vadd.s32 $0x3D8, v5  }
0x2a7: {  	s6 =	sand.u32 $0x7E0, s6;
	v57 =	vadd.s32 $0x148, v5;
	v58 =	vadd.s32 $0x334, v5;
	v59 =	vadd.s32 $0x668, v5;
	v11 =	vld.idx.msk [tilespmem:v11+s30+$0x0], $0xffff;
	[tilespmem:s19+$0x0] =	vst v41  }
0x2a8: {  	v60 =	vadd.s32 $0x1EC, v5;
	v61 =	vadd.s32 $0x520, v5;
	[tilespmem:s6+$0x8B80] =	vst v7;
	v7 =	vadd.s32 $0x290, v5;
	v5 =	vld.idx.msk [tilespmem:v5+s30+$0x0], $0xffff  }
0x2a9: {  	[tilespmem:s6+$0xD380] =	vst v54;
	v12 =	vld.idx.msk [tilespmem:v12+s30+$0x0], $0xffff  }
0x2aa: {  	[tilespmem:s6+$0xBB80] =	vst v9;
	v17 =	vld.idx.msk [tilespmem:v53+s30+$0x0], $0xffff  }
0x2ab: {  	[tilespmem:s6+$0xAB80] =	vst v52;
	v6 =	vld.idx.msk [tilespmem:v6+s30+$0x0], $0xffff  }
0x2ac: {  	[tilespmem:s6+$0xB380] =	vst v48;
	v22 =	vld.idx.msk [tilespmem:v55+s30+$0x0], $0xffff  }
0x2ad: {  	[tilespmem:s6+$0x9380] =	vst v50;
	v19 =	vld.idx.msk [tilespmem:v56+s30+$0x0], $0xffff  }
0x2ae: {  	[tilespmem:s6+$0x9B80] =	vst v44;
	v20 =	vld.idx.msk [tilespmem:v57+s30+$0x0], $0xffff  }
0x2af: {  	[tilespmem:s6+$0xA380] =	vst v43;
	v16 =	vld.idx.msk [tilespmem:v58+s30+$0x0], $0xffff  }
0x2b0: {  	[tilespmem:s6+$0xCB80] =	vst v13;
	v62 =	vld.idx.msk [tilespmem:v59+s30+$0x0], $0xffff  }
0x2b1: {  	[tilespmem:s6+$0x8380] =	vst v14;
	v9 =	vld.idx.msk [tilespmem:v60+s30+$0x0], $0xffff  }
0x2b2: {  	v63 =	vld.idx.msk [tilespmem:v61+s30+$0x0], $0xffff;
	[tilespmem:s6+$0xC380] =	vst v11  }
0x2b3: {  	v7 =	vld.idx.msk [tilespmem:v7+s30+$0x0], $0xffff;
	[tilespmem:s19+$0x10] =	vst v5  }
0x2b4: {  	[tilespmem:s19+$0x5810] =	vst v12  }
0x2b5: {  	[tilespmem:s19+$0x4810] =	vst v17  }
0x2b6: {  	[tilespmem:s19+$0x3810] =	vst v22  }
0x2b7: {  	[tilespmem:s19+$0x3010] =	vst v19  }
0x2b8: {  	[tilespmem:s19+$0x5010] =	vst v62  }
0x2b9: {  	[tilespmem:s19+$0x2810] =	vst v16  }
0x2ba: {  	s12 =	sshll.u32 s24, $0x7;
	[tilespmem:s19+$0x1010] =	vst v20  }
0x2bb: {  	s6 =	sand.u32 $0x380, s12;
	[tilespmem:s19+$0x810] =	vst v6  }
0x2bc: {  	s15 =	simm.s32 $0x7B80;
	s13 =	sor.u32 s6, s22;
	[tilespmem:s19+$0x4010] =	vst v63  }
0x2bd: {  	s16 =	sor.u32 s6, s4;
	s12 =	sshrl.u32 s13, $0x3;
	s13 =	simm.s32 $0x400;
	[tilespmem:s19+$0x1810] =	vst v9  }
0x2be: {  	s1 =	sshrl.u32 s16, $0x3;
	s14 =	sadd.s32 s21, s12;
	s12 =	simm.s32 $0x80;
	[tilespmem:s19+$0x2010] =	vst v7  }
0x2bf: {  	[hbm4b:s14+s12] =	stream.strided.scatter [tilespmem:s15], [sflag:$0x2], $0x800, s13, s12, $0x38;
	[tilespmem:$0xDB80] =	vst v63  }
0x2c0: {  	s17 =	simm.s32 $0x8380;
	s18 =	sor.u32 s6, s5;
	s1 =	sadd.s32 s21, s1  }
0x2c1: {  	[hbm4b:s1+s12] =	stream.strided.scatter [tilespmem:s17], [sflag:$0x2], $0x800, s13, s12, $0x38;
	[tilespmem:$0xDB80] =	vst v63  }
0x2c2: {  	s1 =	sshrl.u32 s18, $0x3  }
0x2c3: {  	s22 =	sor.u32 s6, s7;
	s19 =	simm.s32 $0x8B80;
	s1 =	sadd.s32 s21, s1  }
0x2c4: {  	[hbm4b:s1+s12] =	stream.strided.scatter [tilespmem:s19], [sflag:$0x2], $0x800, s13, s12, $0x38;
	[tilespmem:$0xDB80] =	vst v63  }
0x2c5: {  	s1 =	sshrl.u32 s22, $0x3  }
0x2c6: {  	s24 =	simm.s32 $0x9380;
	s5 =	sor.u32 s6, s8;
	s1 =	sadd.s32 s21, s1  }
0x2c7: {  	[hbm4b:s1+s12] =	stream.strided.scatter [tilespmem:s24], [sflag:$0x2], $0x800, s13, s12, $0x38;
	[tilespmem:$0xDB80] =	vst v63  }
0x2c8: {  	s1 =	sshrl.u32 s5, $0x3  }
0x2c9: {  	s7 =	simm.s32 $0x9B80;
	s8 =	sor.u32 s6, s9;
	s1 =	sadd.s32 s21, s1  }
0x2ca: {  	[hbm4b:s1+s12] =	stream.strided.scatter [tilespmem:s7], [sflag:$0x2], $0x800, s13, s12, $0x38;
	[tilespmem:$0xDB80] =	vst v63  }
0x2cb: {  	s1 =	sshrl.u32 s8, $0x3  }
0x2cc: {  	s9 =	simm.s32 $0xA380;
	s10 =	sor.u32 s6, s10;
	s1 =	sadd.s32 s21, s1  }
0x2cd: {  	[hbm4b:s1+s12] =	stream.strided.scatter [tilespmem:s9], [sflag:$0x2], $0x800, s13, s12, $0x38;
	[tilespmem:$0xDB80] =	vst v63  }
0x2ce: {  	s1 =	sshrl.u32 s10, $0x3  }
0x2cf: {  	s14 =	simm.s32 $0xAB80;
	s15 =	sor.u32 s6, s20;
	s1 =	sadd.s32 s21, s1  }
0x2d0: {  	[hbm4b:s1+s12] =	stream.strided.scatter [tilespmem:s14], [sflag:$0x2], $0x800, s13, s12, $0x38;
	[tilespmem:$0xDB80] =	vst v63  }
0x2d1: {  	s1 =	sshrl.u32 s15, $0x3  }
0x2d2: {  	s16 =	simm.s32 $0xB380;
	s17 =	sor.u32 s6, s3;
	s1 =	sadd.s32 s21, s1  }
0x2d3: {  	[hbm4b:s1+s12] =	stream.strided.scatter [tilespmem:s16], [sflag:$0x2], $0x800, s13, s12, $0x38;
	[tilespmem:$0xDB80] =	vst v63  }
0x2d4: {  	s2 =	sadd.s32 $0x1, s2;
	s0 =	sor.u32 s6, s0;
	s1 =	sshrl.u32 s17, $0x3  }
0x2d5: {  	s18 =	simm.s32 $0xBB80;
	s19 =	sor.u32 s6, s23;
	s1 =	sadd.s32 s21, s1  }
0x2d6: {  	[hbm4b:s1+s12] =	stream.strided.scatter [tilespmem:s18], [sflag:$0x2], $0x800, s13, s12, $0x38;
	[tilespmem:$0xDB80] =	vst v63  }
0x2d7: {  	p0 =	sne.s32 s2, $0x40;
	s0 =	sshrl.u32 s0, $0x3;
	s1 =	sshrl.u32 s19, $0x3  }
0x2d8: {  	s0 =	sadd.s32 s21, s0;
	s20 =	simm.s32 $0xC380;
	s1 =	sadd.s32 s21, s1  }
0x2d9: {  	[hbm4b:s1+s12] =	stream.strided.scatter [tilespmem:s20], [sflag:$0x2], $0x800, s13, s12, $0x38;
	[tilespmem:$0xDB80] =	vst v63  }
.Ltmp3:
0x2da: {  	s22 =	simm.s32 $0xCB80;
	s23 =	sor.u32 s6, s11;
	(pc) =	sbr.rel @p0 .LBB2_4-.Ltmp3, $4  }
0x2db: {  	[hbm4b:s0+s12] =	stream.strided.scatter [tilespmem:s22], [sflag:$0x2], $0x800, s13, s12, $0x38;
	[tilespmem:$0xDB80] =	vst v63  }
0x2dc: {  	s0 =	sshrl.u32 s23, $0x3  }
0x2dd: {  	s24 =	simm.s32 $0xD380;
	s0 =	sadd.s32 s21, s0  }
0x2de: {  	[hbm4b:s0+s12] =	stream.strided.scatter [tilespmem:s24], [sflag:$0x2], $0x800, s13, s12, $0x38;
	[tilespmem:$0xDB80] =	vst v63  }
0x2df: {  	s0 =	simm.s32 $0x1  }
0x2e0: {  	_ =	swait.ge [sflag:s0], $0x800  }
0x2e1: {  	[sflag:s0] =	ssyncset.done $0x0  }
0x2e2: {  	[sflag:s0] =	ssyncadd.s32 $0xFFFFF800  }
0x2e3: {  	_ =	swait.ge [sflag:s0], $0x800  }
0x2e4: {  	[sflag:s0] =	ssyncset.done $0x0  }
0x2e5: {  	[sflag:s0] =	ssyncadd.s32 $0xFFFFF800  }
0x2e6: {  	_ =	swait.ge [sflag:s0], $0x800  }
0x2e7: {  	[sflag:s0] =	ssyncset.done $0x0  }
0x2e8: {  	[sflag:s0] =	ssyncadd.s32 $0xFFFFF800  }
0x2e9: {  	_ =	swait.ge [sflag:s0], $0x800  }
0x2ea: {  	[sflag:s0] =	ssyncset.done $0x0  }
0x2eb: {  	[sflag:s0] =	ssyncadd.s32 $0xFFFFF800  }
0x2ec: {  	_ =	swait.ge [sflag:s0], $0x800  }
0x2ed: {  	[sflag:s0] =	ssyncset.done $0x0  }
0x2ee: {  	[sflag:s0] =	ssyncadd.s32 $0xFFFFF800  }
0x2ef: {  	_ =	swait.ge [sflag:s0], $0x800  }
0x2f0: {  	[sflag:s0] =	ssyncset.done $0x0  }
0x2f1: {  	[sflag:s0] =	ssyncadd.s32 $0xFFFFF800  }
0x2f2: {  	_ =	swait.ge [sflag:s0], $0x800  }
0x2f3: {  	[sflag:s0] =	ssyncset.done $0x0  }
0x2f4: {  	[sflag:s0] =	ssyncadd.s32 $0xFFFFF800  }
0x2f5: {  	_ =	swait.ge [sflag:s0], $0x800  }
0x2f6: {  	[sflag:s0] =	ssyncset.done $0x0  }
0x2f7: {  	[sflag:s0] =	ssyncadd.s32 $0xFFFFF800  }
0x2f8: {  	_ =	swait.ge [sflag:s0], $0x800  }
0x2f9: {  	[sflag:s0] =	ssyncset.done $0x0  }
0x2fa: {  	[sflag:s0] =	ssyncadd.s32 $0xFFFFF800  }
0x2fb: {  	_ =	swait.ge [sflag:s0], $0x800  }
0x2fc: {  	[sflag:s0] =	ssyncset.done $0x0  }
0x2fd: {  	[sflag:s0] =	ssyncadd.s32 $0xFFFFF800  }
0x2fe: {  	_ =	swait.ge [sflag:s0], $0x800  }
0x2ff: {  	[sflag:s0] =	ssyncset.done $0x0  }
0x300: {  	[sflag:s0] =	ssyncadd.s32 $0xFFFFF800  }
0x301: {  	_ =	swait.ge [sflag:s0], $0x800  }
0x302: {  	[sflag:s0] =	ssyncset.done $0x0  }
0x303: {  	s1 =	simm.s32 $0x2;
	[sflag:s0] =	ssyncadd.s32 $0xFFFFF800  }
0x304: {  	_ =	swait.ge [sflag:s1], $0x800  }
0x305: {  	[sflag:s1] =	ssyncset.done $0x0  }
0x306: {  	[sflag:s1] =	ssyncadd.s32 $0xFFFFF800  }
0x307: {  	_ =	swait.ge [sflag:s1], $0x800  }
0x308: {  	[sflag:s1] =	ssyncset.done $0x0  }
0x309: {  	[sflag:s1] =	ssyncadd.s32 $0xFFFFF800  }
0x30a: {  	_ =	swait.ge [sflag:s1], $0x800  }
0x30b: {  	[sflag:s1] =	ssyncset.done $0x0  }
0x30c: {  	[sflag:s1] =	ssyncadd.s32 $0xFFFFF800  }
0x30d: {  	_ =	swait.ge [sflag:s1], $0x800  }
0x30e: {  	[sflag:s1] =	ssyncset.done $0x0  }
0x30f: {  	[sflag:s1] =	ssyncadd.s32 $0xFFFFF800  }
0x310: {  	_ =	swait.ge [sflag:s1], $0x800  }
0x311: {  	[sflag:s1] =	ssyncset.done $0x0  }
0x312: {  	[sflag:s1] =	ssyncadd.s32 $0xFFFFF800  }
0x313: {  	_ =	swait.ge [sflag:s1], $0x800  }
0x314: {  	[sflag:s1] =	ssyncset.done $0x0  }
0x315: {  	[sflag:s1] =	ssyncadd.s32 $0xFFFFF800  }
0x316: {  	_ =	swait.ge [sflag:s1], $0x800  }
0x317: {  	[sflag:s1] =	ssyncset.done $0x0  }
0x318: {  	[sflag:s1] =	ssyncadd.s32 $0xFFFFF800  }
0x319: {  	_ =	swait.ge [sflag:s1], $0x800  }
0x31a: {  	[sflag:s1] =	ssyncset.done $0x0  }
0x31b: {  	[sflag:s1] =	ssyncadd.s32 $0xFFFFF800  }
0x31c: {  	_ =	swait.ge [sflag:s1], $0x800  }
0x31d: {  	[sflag:s1] =	ssyncset.done $0x0  }
0x31e: {  	[sflag:s1] =	ssyncadd.s32 $0xFFFFF800  }
0x31f: {  	_ =	swait.ge [sflag:s1], $0x800  }
0x320: {  	[sflag:s1] =	ssyncset.done $0x0  }
0x321: {  	[sflag:s1] =	ssyncadd.s32 $0xFFFFF800  }
0x322: {  	_ =	swait.ge [sflag:s1], $0x800  }
0x323: {  	[sflag:s1] =	ssyncset.done $0x0  }
0x324: {  	[sflag:s1] =	ssyncadd.s32 $0xFFFFF800  }
0x325: {  	_ =	swait.ge [sflag:s1], $0x800  }
0x326: {  	s2 =	sld [smem:$0x7EC]  }
0x327: {  	s31 =	sld [smem:$0x7FD];
	_ =	sdelay $0x1  }
0x328: {  	s2 =	sadd.s32 $0x1, s2  }
0x329: {  	p0 =	sne.s32 s2, s31  }
.Ltmp4:
0x32a: {  	_ = 	snop;
	(pc) =	sbr.rel @p0 .LBB2_1-.Ltmp4, $3  }
0x32b: {  	_ =	sdelay $0x1  }
0x32c: {  	[sflag:s1] =	ssyncset.done $0x0  }
0x32d: {  	s5 =	simm.s32 $0x1100;
	s7 =	simm.s32 $0x1300;
	vm11 =	vcmask $0x704;
	vm12 =	vcmask $0xF0C;
	vm4 =	vcmask $0x300;
	[sflag:s1] =	ssyncadd.s32 $0xFFFFF800  }
0x32e: {  	_ =	sfence.sel $0x180000  }
0x32f: {  	[bflag:$0x0] =	sbarrier.arrive $0xFFFF  }
0x330: {  	_ =	strace $0x90000047  }
0x331: {  	s0 =	stileid.u32;
	[bflag:$0x2] =	sbarrier.arrive $0xFFFF  }
0x332: {  	p0 =	sne.s32 s0, $0x0;
	s0 =	rddreg [dreg:$0x6]  }
0x333: {  	s0 =	sadd.s32 @!p0 $0x100000, s0  }
0x334: {  	[sflag:s0] =	ssyncadd.tile.s32 @!p0 $0x1;
	_ =	shalt  }
.Lfunc_end2:
_tile_overlayer_lowered:
.L_overlay_start_2:
0x335: {  	(tag) =	ssettag $0x2  }
0x336: {  	s0 =	rddreg [dreg:$0x0];
	s2 =	stileid.u32  }
0x337: {  	s1 =	rddreg [dreg:$0x1];
	p0 =	sne.s32 s2, $0x0  }
0x338: {  	s3 =	rddreg [dreg:$0x2];
	[bflag:$0x3] =	sbarrier.arrive $0xFFFF;
	s2 =	simm.s32 @!p0 $0x1C03  }
0x339: {  	[timem:s3], [sflag:s2] =	dma.local @!p0 [hbm:s0], s1  }
0x33a: {  	s0 =	simm.s32 @!p0 $0x3  }
0x33b: {  	_ =	swait.ge @!p0 [sflag:s0], s1  }
0x33c: {  	s1 =	ssub.s32 @!p0 $0x0, s1;
	[sflag:s0] =	ssyncset.done @!p0 $0x0  }
0x33d: {  	[sflag:s0] =	ssyncadd.s32 @!p0 s1  }
0x33e: {  	[bflag:$0x3] =	sbarrier.arrive $0xFFFF  }
0x33f: {  	_ =	shalt  }

</sc_bundles>
